<compile_context>
chip_gen: v7x
topology: tpu7x:2x2x1
jax: 0.10.2.dev20260603
libtpu: 0.0.44.dev20260713+nightly
codegen_flags: <defaults>
</compile_context>

<pallas_src>
import functools

import jax
import jax.numpy as jnp
from jax import lax
from jax.experimental import pallas as pl
from jax.experimental.pallas import tpu as pltpu
from jax.experimental.pallas import tpu_sc as plsc

N = 50000
E = 800000
EA = 16
H = 64
L = 32
C = 10
G = 128

E_ROWS = E // 128
R_PAD = 6400
E_PAD = R_PAD * 128
TRASH = N
N1_PAD = 50176
BN = 2000
BA = 3200


def _proj_body(ea_ref, w1_ref, b1_ref, w2_ref, b2_ref, e1_ref, e2a_ref,
               e2b_ref):
    ea = ea_ref[...]
    e1 = jnp.dot(ea, w1_ref[...], preferred_element_type=jnp.float32) + b1_ref[...]
    e1_ref[...] = e1
    e2 = jnp.dot(ea, w2_ref[...], preferred_element_type=jnp.float32) + b2_ref[...]
    e2a_ref[...] = e2[:, :32]
    e2b_ref[...] = e2[:, 32:]


def _edge_proj(edge_attr, ep1_W, ep1_b, ep2_W, ep2_b):
    grid = E // BA
    return pl.pallas_call(
        _proj_body,
        grid=(grid,),
        in_specs=[
            pl.BlockSpec((BA, EA), lambda i: (i, 0)),
            pl.BlockSpec((EA, 1), lambda i: (0, 0)),
            pl.BlockSpec((1, 1), lambda i: (0, 0)),
            pl.BlockSpec((EA, H), lambda i: (0, 0)),
            pl.BlockSpec((1, H), lambda i: (0, 0)),
        ],
        out_specs=[
            pl.BlockSpec((BA, 1), lambda i: (i, 0)),
            pl.BlockSpec((BA, 32), lambda i: (i, 0)),
            pl.BlockSpec((BA, 32), lambda i: (i, 0)),
        ],
        out_shape=[
            jax.ShapeDtypeStruct((E_PAD, 1), jnp.float32),
            jax.ShapeDtypeStruct((E_PAD, 32), jnp.float32),
            jax.ShapeDtypeStruct((E_PAD, 32), jnp.float32),
        ],
    )(edge_attr, ep1_W, ep1_b.reshape(1, 1), ep2_W, ep2_b.reshape(1, H))


def _mlp1_body(x_ref, a_ref, eps_ref, w1_ref, b1_ref, w2_ref, b2_ref, o_ref):
    g = (1.0 + eps_ref[0, 0]) * x_ref[...] + a_ref[0] + a_ref[1]
    h = jax.nn.relu(g * w1_ref[...] + b1_ref[...])
    h = jnp.dot(h, w2_ref[...], preferred_element_type=jnp.float32) + b2_ref[...]
    h = jnp.where(h > 0, h, 0.1 * h)
    o_ref[...] = jnp.concatenate([h, jnp.zeros_like(h)], axis=1)


def _mlp1(x2, agg1p, eps1, m1_W1, m1_b1, m1_W2, m1_b2):
    grid = N // BN
    return pl.pallas_call(
        _mlp1_body,
        grid=(grid,),
        in_specs=[
            pl.BlockSpec((BN, 1), lambda i: (i, 0)),
            pl.BlockSpec((2, BN, 1), lambda i: (0, i, 0)),
            pl.BlockSpec((1, 1), lambda i: (0, 0)),
            pl.BlockSpec((1, H), lambda i: (0, 0)),
            pl.BlockSpec((1, H), lambda i: (0, 0)),
            pl.BlockSpec((H, H), lambda i: (0, 0)),
            pl.BlockSpec((1, H), lambda i: (0, 0)),
        ],
        out_specs=pl.BlockSpec((BN, 2 * H), lambda i: (i, 0)),
        out_shape=jax.ShapeDtypeStruct((N, 2 * H), jnp.float32),
    )(x2, agg1p, eps1.reshape(1, 1), m1_W1, m1_b1.reshape(1, H), m1_W2,
      m1_b2.reshape(1, H))


def _mlp2_body(h_ref, a_ref, eps_ref, w1_ref, b1_ref, w2_ref, b2_ref,
               muW_ref, mub_ref, lvW_ref, lvb_ref, nz_ref,
               z_ref, mu_ref, lv_ref):
    h1 = h_ref[:, :H]
    agg = jnp.concatenate([a_ref[0], a_ref[1]], axis=1)
    h = (1.0 + eps_ref[0, 0]) * h1 + agg
    t = jax.nn.relu(jnp.dot(h, w1_ref[...], preferred_element_type=jnp.float32)
                    + b1_ref[...])
    h2 = jnp.dot(t, w2_ref[...], preferred_element_type=jnp.float32) + b2_ref[...]
    h2 = jnp.where(h2 > 0, h2, 0.1 * h2)
    mu = jnp.dot(h2, muW_ref[...], preferred_element_type=jnp.float32) + mub_ref[...]
    lv = jnp.dot(h2, lvW_ref[...], preferred_element_type=jnp.float32) + lvb_ref[...]
    std = jnp.exp(0.5 * lv)
    z_ref[...] = mu + nz_ref[...] * std
    mu_ref[...] = mu
    lv_ref[...] = lv


def _mlp2_heads(h1s, agg2, eps2, m2_W1, m2_b1, m2_W2, m2_b2,
                mu_W, mu_b, lv_W, lv_b, noise_eps):
    grid = N // BN
    wspec = lambda r, c: pl.BlockSpec((r, c), lambda i: (0, 0))
    return pl.pallas_call(
        _mlp2_body,
        grid=(grid,),
        in_specs=[
            pl.BlockSpec((BN, 2 * H), lambda i: (i, 0)),
            pl.BlockSpec((2, BN, 32), lambda i: (0, i, 0)),
            wspec(1, 1), wspec(H, H), wspec(1, H), wspec(H, H), wspec(1, H),
            wspec(H, L), wspec(1, L), wspec(H, L), wspec(1, L),
            pl.BlockSpec((BN, L), lambda i: (i, 0)),
        ],
        out_specs=[pl.BlockSpec((BN, L), lambda i: (i, 0))] * 3,
        out_shape=[jax.ShapeDtypeStruct((N, L), jnp.float32)] * 3,
    )(h1s, agg2, eps2.reshape(1, 1), m2_W1, m2_b1.reshape(1, H), m2_W2,
      m2_b2.reshape(1, H), mu_W, mu_b.reshape(1, L), lv_W, lv_b.reshape(1, L),
      noise_eps)


def _pool_body(z_ref, b_ref, cw_ref, cb_ref, o_ref, sums, counts):
    i = pl.program_id(0)

    @pl.when(i == 0)
    def _():
        sums[...] = jnp.zeros_like(sums)
        counts[...] = jnp.zeros_like(counts)

    iota = lax.broadcasted_iota(jnp.int32, (BN, G), 1)
    onehot = (iota == b_ref[...]).astype(jnp.float32)
    dn = (((0,), (0,)), ((), ()))
    zb = z_ref[...]
    zb = jnp.clip(jnp.where(jnp.isnan(zb), 0.0, zb), -1e38, 1e38)
    sums[...] += lax.dot_general(onehot, zb, dn,
                                 preferred_element_type=jnp.float32)
    counts[...] += lax.dot_general(onehot, jnp.ones((BN, 1), jnp.float32), dn,
                                   preferred_element_type=jnp.float32)

    @pl.when(i == pl.num_programs(0) - 1)
    def _():
        ge = sums[...] / jnp.maximum(counts[...], 1.0)
        o_ref[...] = jnp.dot(ge, cw_ref[...],
                             preferred_element_type=jnp.float32) + cb_ref[...]


def _pool_cls(z, batch2, cls_W, cls_b):
    grid = N // BN
    return pl.pallas_call(
        _pool_body,
        grid=(grid,),
        in_specs=[
            pl.BlockSpec((BN, L), lambda i: (i, 0)),
            pl.BlockSpec((BN, 1), lambda i: (i, 0)),
            pl.BlockSpec((L, C), lambda i: (0, 0)),
            pl.BlockSpec((1, C), lambda i: (0, 0)),
        ],
        out_specs=pl.BlockSpec((G, C), lambda i: (0, 0)),
        out_shape=jax.ShapeDtypeStruct((G, C), jnp.float32),
        scratch_shapes=[
            pltpu.VMEM((G, L), jnp.float32),
            pltpu.VMEM((G, 1), jnp.float32),
        ],
    )(z, batch2, cls_W, cls_b.reshape(1, C))


_SC_MESH = plsc.VectorSubcoreMesh(core_axis_name="c", subcore_axis_name="s")

RW1 = R_PAD // 32
CH1 = 8
NCH1 = RW1 // CH1
ZR1 = N1_PAD // 16


@functools.partial(
    pl.kernel,
    out_type=jax.ShapeDtypeStruct((2 * N1_PAD,), jnp.float32),
    mesh=_SC_MESH,
    scratch_types=[
        pltpu.VMEM((CH1 * 128,), jnp.float32),
        pltpu.VMEM((CH1, 128), jnp.int32),
        pltpu.VMEM((CH1, 128), jnp.int32),
        pltpu.VMEM((CH1 * 128,), jnp.float32),
        pltpu.VMEM((CH1 * 128,), jnp.float32),
        pltpu.VMEM((3136,), jnp.float32),
        pltpu.VMEM_SHARED((N1_PAD,), jnp.float32),
        pltpu.SemaphoreType.DMA,
        pltpu.SemaphoreType.DMA,
    ],
)
def _sc_mp1(x_h, e1_h, srcp, dstp, out, gxb, idxb, dstb, e1b, msgb, zb,
            agg1, sem, sem2):
    c = lax.axis_index("c")
    s = lax.axis_index("s")
    w = s * 2 + c

    def z16(i, t):
        zb[pl.ds(i * 16, 16)] = jnp.zeros((16,), jnp.float32)
        return t

    lax.fori_loop(0, 196, z16, 0, unroll=8)
    z0 = s * ZR1
    for kk in range(3):
        pltpu.sync_copy(zb.at[pl.ds(0, 1024)],
                        agg1.at[pl.ds(z0 + kk * 1024, 1024)])
    pltpu.sync_copy(zb.at[pl.ds(0, 64)], agg1.at[pl.ds(z0 + 3072, 64)])
    plsc.subcore_barrier()

    row0 = w * RW1

    def chunk(k, t):
        st = row0 + k * CH1
        pltpu.sync_copy(srcp.at[pl.ds(st, CH1)], idxb)
        pltpu.sync_copy(dstp.at[pl.ds(st, CH1)], dstb)
        pltpu.sync_copy(e1_h.at[pl.ds(st * 128, CH1 * 128)], e1b)
        gath = [pltpu.async_copy(x_h.at[idxb.at[r]],
                                 gxb.at[pl.ds(r * 128, 128)], sem)
                for r in range(CH1)]
        for g in gath:
            g.wait()

        def body(i, t2):
            sl = pl.ds(i * 16, 16)
            msgb[sl] = jnp.maximum(gxb[sl] + e1b[sl], 0.0)
            return t2

        lax.fori_loop(0, CH1 * 8, body, 0, unroll=8)
        scat = [pltpu.async_copy(msgb.at[pl.ds(r * 128, 128)],
                                 agg1.at[dstb.at[r]], sem2, add=True)
                for r in range(CH1)]
        for t2 in scat:
            t2.wait()
        return t

    lax.fori_loop(0, NCH1, chunk, 0)
    plsc.subcore_barrier()
    o0 = s * ZR1
    pltpu.sync_copy(agg1.at[pl.ds(o0, ZR1)], zb)
    pltpu.sync_copy(zb, out.at[pl.ds(c * N1_PAD + o0, ZR1)])


RW2 = R_PAD // 16
NCH2 = RW2
N2_PAD = 50048
ZR2 = N2_PAD // 16


@functools.partial(
    pl.kernel,
    out_type=jax.ShapeDtypeStruct((2 * N * 32,), jnp.float32),
    mesh=_SC_MESH,
    scratch_types=[
        pltpu.VMEM((1, 128), jnp.int32),
        pltpu.VMEM((1, 128), jnp.int32),
        pltpu.VMEM((128 * 32,), jnp.float32),
        pltpu.VMEM((128, 128), jnp.float32),
        pltpu.VMEM((128, 32), jnp.float32),
        pltpu.VMEM_SHARED((N2_PAD, 32), jnp.float32),
        pltpu.SemaphoreType.DMA,
        pltpu.SemaphoreType.DMA,
    ],
)
def _sc_mp2(h128, e2a, e2b, srcp, dstp, out, idxb, dstb, ebuf, g128,
            msgb, agg, sem, sem2):
    c = lax.axis_index("c")
    s = lax.axis_index("s")

    def zrow(i, t):
        msgb[i, pl.ds(0, 16)] = jnp.zeros((16,), jnp.float32)
        msgb[i, pl.ds(16, 16)] = jnp.zeros((16,), jnp.float32)
        return t

    lax.fori_loop(0, 128, zrow, 0, unroll=8)
    z0 = s * ZR2

    def zcp(kk, t):
        pltpu.sync_copy(msgb, agg.at[pl.ds(z0 + kk * 128, 128)])
        return t

    lax.fori_loop(0, 24, zcp, 0)
    pltpu.sync_copy(msgb.at[pl.ds(0, 56)], agg.at[pl.ds(z0 + 3072, 56)])
    plsc.subcore_barrier()

    row0 = s * RW2

    def chunk(k, t):
        st = row0 + k
        pltpu.sync_copy(srcp.at[pl.ds(st, 1)], idxb)
        pltpu.sync_copy(dstp.at[pl.ds(st, 1)], dstb)

        @pl.when(c == 0)
        def _():
            pltpu.sync_copy(e2a.at[pl.ds(st * 4096, 4096)], ebuf)

        @pl.when(c == 1)
        def _():
            pltpu.sync_copy(e2b.at[pl.ds(st * 4096, 4096)], ebuf)

        pltpu.async_copy(h128.at[idxb.at[0]], g128, sem).wait()

        @pl.when(c == 0)
        def _():
            def body(i, t2):
                a = g128[i, pl.ds(0, 16)] + ebuf[pl.ds(i * 32, 16)]
                msgb[i, pl.ds(0, 16)] = jnp.maximum(a, 0.0)
                b = g128[i, pl.ds(16, 16)] + ebuf[pl.ds(i * 32 + 16, 16)]
                msgb[i, pl.ds(16, 16)] = jnp.maximum(b, 0.0)
                return t2

            lax.fori_loop(0, 128, body, 0, unroll=8)

        @pl.when(c == 1)
        def _():
            def body(i, t2):
                a = g128[i, pl.ds(32, 16)] + ebuf[pl.ds(i * 32, 16)]
                msgb[i, pl.ds(0, 16)] = jnp.maximum(a, 0.0)
                b = g128[i, pl.ds(48, 16)] + ebuf[pl.ds(i * 32 + 16, 16)]
                msgb[i, pl.ds(16, 16)] = jnp.maximum(b, 0.0)
                return t2

            lax.fori_loop(0, 128, body, 0, unroll=8)

        pltpu.async_copy(msgb, agg.at[dstb.at[0]], sem2, add=True).wait()
        return t

    lax.fori_loop(0, NCH2, chunk, 0)
    plsc.subcore_barrier()
    o0 = s * ZR2

    def out_block(base, rows):
        pltpu.sync_copy(agg.at[pl.ds(base, rows)], msgb.at[pl.ds(0, rows)])

        def mv(i, t):
            ebuf[pl.ds(i * 32, 16)] = msgb[i, pl.ds(0, 16)]
            ebuf[pl.ds(i * 32 + 16, 16)] = msgb[i, pl.ds(16, 16)]
            return t

        lax.fori_loop(0, rows, mv, 0, unroll=8)
        pltpu.sync_copy(ebuf.at[pl.ds(0, rows * 32)],
                        out.at[pl.ds((c * N + base) * 32, rows * 32)])

    def ocp(kk, t):
        out_block(o0 + kk * 64, 64)
        return t

    lax.fori_loop(0, 48, ocp, 0)

    @pl.when(s < 15)
    def _():
        out_block(o0 + 3072, 56)

    @pl.when(s == 15)
    def _():
        out_block(o0 + 3072, 8)


def kernel(x, edge_index, edge_attr, batch,
           eps1, ep1_W, ep1_b, m1_W1, m1_b1, m1_W2, m1_b2,
           eps2, ep2_W, ep2_b, m2_W1, m2_b1, m2_W2, m2_b2,
           mu_W, mu_b, lv_W, lv_b, cls_W, cls_b, noise_eps):
    src = edge_index[0].astype(jnp.int32)
    dst = edge_index[1].astype(jnp.int32)

    e1, e2a, e2b = _edge_proj(edge_attr, ep1_W, ep1_b, ep2_W, ep2_b)

    pad = E_PAD - E
    srcp = jnp.concatenate([src, jnp.zeros((pad,), jnp.int32)]).reshape(
        R_PAD, 128)
    dstp = jnp.concatenate([dst, jnp.full((pad,), TRASH, jnp.int32)]).reshape(
        R_PAD, 128)

    agg1p = _sc_mp1(x, e1.reshape(E_PAD), srcp, dstp)
    h1p = _mlp1(x.reshape(N, 1), agg1p.reshape(2, N1_PAD, 1), eps1,
                m1_W1, m1_b1, m1_W2, m1_b2)

    e2e = jnp.concatenate([e2a[:E], e2b[:E]], axis=1)
    msg2 = jax.nn.relu(jnp.take(h1p[:, :H], src, axis=0) + e2e)
    agg2f = jax.ops.segment_sum(msg2, dst, num_segments=N)
    agg2 = jnp.stack([agg2f[:, :32], agg2f[:, 32:]])

    z, mu, lv = _mlp2_heads(h1p, agg2, eps2, m2_W1, m2_b1, m2_W2, m2_b2,
                            mu_W, mu_b, lv_W, lv_b, noise_eps)

    logits = _pool_cls(z, batch.reshape(N, 1), cls_W, cls_b)
    return (z, mu, lv, logits)

# --- scband reference (transcript-rebuilt; emitter-appended) ---
"""Pipeline reference for scband-vgae-37108517438028 (READ-ONLY COPY).

The authoritative reference and input builder live on the scoring server;
editing this copy changes nothing except your own understanding.
"""

import jax, jax.numpy as jnp
import numpy as np

N = 50000
E = 800000
EA = 16
H = 64
L = 32
C = 10
G = 128


def setup_inputs(seed: int = 0) -> dict:
    key = jax.random.key(seed)
    ks = jax.random.split(key, 24)
    inp = {}
    inp['x'] = jax.random.normal(ks[0], (N,), dtype=jnp.float32)
    inp['edge_index'] = jax.random.randint(ks[1], (2, E), 0, N, dtype=jnp.int64) if jax.config.jax_enable_x64 else jax.random.randint(ks[1], (2, E), 0, N).astype(jnp.int32)
    inp['edge_attr'] = jax.random.uniform(ks[2], (E, EA), dtype=jnp.float32)
    inp['batch'] = jnp.sort(jax.random.randint(ks[3], (N,), 0, G)).astype(jnp.int32)
    s = lambda fi: 1.0 / np.sqrt(max(fi, 1))
    # GINConv 1 (input dim 1): edge projection to input dim, MLP 1->H->H, learnable eps
    inp['eps1'] = jnp.zeros((), dtype=jnp.float32)
    inp['ep1_W'] = jax.random.normal(ks[4], (EA, 1), dtype=jnp.float32) * s(EA)
    inp['ep1_b'] = jnp.zeros((1,), dtype=jnp.float32)
    inp['m1_W1'] = jax.random.normal(ks[5], (1, H), dtype=jnp.float32) * s(1)
    inp['m1_b1'] = jnp.zeros((H,), dtype=jnp.float32)
    inp['m1_W2'] = jax.random.normal(ks[6], (H, H), dtype=jnp.float32) * s(H)
    inp['m1_b2'] = jnp.zeros((H,), dtype=jnp.float32)
    # GINConv 2 (H -> H)
    inp['eps2'] = jnp.zeros((), dtype=jnp.float32)
    inp['ep2_W'] = jax.random.normal(ks[7], (EA, H), dtype=jnp.float32) * s(EA)
    inp['ep2_b'] = jnp.zeros((H,), dtype=jnp.float32)
    inp['m2_W1'] = jax.random.normal(ks[8], (H, H), dtype=jnp.float32) * s(H)
    inp['m2_b1'] = jnp.zeros((H,), dtype=jnp.float32)
    inp['m2_W2'] = jax.random.normal(ks[9], (H, H), dtype=jnp.float32) * s(H)
    inp['m2_b2'] = jnp.zeros((H,), dtype=jnp.float32)
    # heads
    inp['mu_W'] = jax.random.normal(ks[10], (H, L), dtype=jnp.float32) * s(H)
    inp['mu_b'] = jnp.zeros((L,), dtype=jnp.float32)
    inp['lv_W'] = jax.random.normal(ks[11], (H, L), dtype=jnp.float32) * s(H)
    inp['lv_b'] = jnp.zeros((L,), dtype=jnp.float32)
    inp['cls_W'] = jax.random.normal(ks[12], (L, C), dtype=jnp.float32) * s(L)
    inp['cls_b'] = jnp.zeros((C,), dtype=jnp.float32)
    # reparameterization noise (materialized for determinism)
    inp['noise_eps'] = jax.random.normal(ks[13], (N, L), dtype=jnp.float32)
    return inp


def _gin(x, edge_index, edge_attr, ep_W, ep_b, W1, b1, W2, b2, eps):
    src = edge_index[0]
    dst = edge_index[1]
    e = edge_attr @ ep_W + ep_b
    msg = jax.nn.relu(jnp.take(x, src, axis=0) + e)
    agg = jax.ops.segment_sum(msg, dst, num_segments=x.shape[0])
    h = (1.0 + eps) * x + agg
    h = jax.nn.relu(h @ W1 + b1)
    h = h @ W2 + b2
    return h


def reference(x, edge_index, edge_attr, batch,
              eps1, ep1_W, ep1_b, m1_W1, m1_b1, m1_W2, m1_b2,
              eps2, ep2_W, ep2_b, m2_W1, m2_b1, m2_W2, m2_b2,
              mu_W, mu_b, lv_W, lv_b, cls_W, cls_b, noise_eps):
    x = x.reshape((-1, 1))
    h = _gin(x, edge_index, edge_attr, ep1_W, ep1_b, m1_W1, m1_b1, m1_W2, m1_b2, eps1)
    h = jax.nn.leaky_relu(h, 0.1)
    h = _gin(h, edge_index, edge_attr, ep2_W, ep2_b, m2_W1, m2_b1, m2_W2, m2_b2, eps2)
    h = jax.nn.leaky_relu(h, 0.1)
    mu = h @ mu_W + mu_b
    logvar = h @ lv_W + lv_b
    std = jnp.exp(0.5 * logvar)
    z = mu + noise_eps * std
    sums = jax.ops.segment_sum(z, batch, num_segments=G)
    counts = jax.ops.segment_sum(jnp.ones((z.shape[0],), dtype=z.dtype), batch, num_segments=G)
    graph_emb = sums / jnp.clip(counts, 1.0)[:, None]
    class_logits = graph_emb @ cls_W + cls_b
    return (z, mu, logvar, class_logits)

if __name__ == "__main__":
    import jax
    _d = setup_inputs()
    print(jax.jit(kernel)(*tuple(_d.values())))

</pallas_src>

<mosaic_0001>
#map = affine_map<(d0, d1) -> (0)>
#map1 = affine_map<(d0, d1) -> (0, 0)>
module attributes {stable_mosaic.version = 14 : i64} {
  func.func @_sc_mp1(%arg0: i32, %arg1: i32, %arg2: memref<50000xf32, #tpu.memory_space<hbm>>, %arg3: memref<819200xf32, #tpu.memory_space<hbm>>, %arg4: memref<6400x128xi32, #tpu.memory_space<hbm>>, %arg5: memref<6400x128xi32, #tpu.memory_space<hbm>>, %arg6: memref<100352xf32, #tpu.memory_space<hbm>>, %arg7: memref<1024xf32, #tpu.memory_space<vmem>>, %arg8: memref<8x128xi32, #tpu.memory_space<vmem>>, %arg9: memref<8x128xi32, #tpu.memory_space<vmem>>, %arg10: memref<1024xf32, #tpu.memory_space<vmem>>, %arg11: memref<1024xf32, #tpu.memory_space<vmem>>, %arg12: memref<3136xf32, #tpu.memory_space<vmem>>, %arg13: memref<50176xf32, #tpu.memory_space<vmem_shared>>, %arg14: memref<!tpu.dma_semaphore, #tpu.memory_space<semaphore_mem>>, %arg15: memref<!tpu.dma_semaphore, #tpu.memory_space<semaphore_mem>>) attributes {dimension_semantics = [#tpu.dimension_semantics<core_parallel>, #tpu.dimension_semantics<subcore_parallel>], iteration_bounds = array<i64: 2, 16>, scalar_prefetch = 0 : i64, scratch_operands = 9 : i64, tpu.core_type = #tpu.core_type<sc_vector_subcore>, window_params = [{transform_indices = #map}, {transform_indices = #map}, {transform_indices = #map1}, {transform_indices = #map1}, {transform_indices = #map}]} {
    %mul3A = arith.constant 2 : i32
    %mul3A_0 = arith.muli %arg1, %mul3A : i32
    %add3A = arith.addi %mul3A_0, %arg0 : i32
    %scan3A = arith.constant 0 : i32
    %scan3A_1 = arith.constant 0 : i32
    %scan3A_2 = arith.constant 192 : i32
    %scan3A_3 = arith.addi %scan3A_1, %scan3A_2 : i32
    %scan3A_4 = arith.constant 8 : i32
    scf.for %scan3A_68 = %scan3A_1 to %scan3A_3 step %scan3A_4  : i32 {
      %broadcast_in_dim3A_69 = arith.constant 0.000000e+00 : f32
      %broadcast_in_dim3A_70 = vector.broadcast %broadcast_in_dim3A_69 : f32 to vector<16xf32>
      %mul3A_71 = arith.constant 16 : i32
      %mul3A_72 = arith.muli %scan3A_68, %mul3A_71 : i32
      %swap3A_73 = arith.index_cast %mul3A_72 : i32 to index
      %swap3A_74 = tpu.vector_load %arg12[%swap3A_73] {strides = array<i32>} : memref<3136xf32, #tpu.memory_space<vmem>>, vector<16xf32>,
      %swap3A_75 = vector.shape_cast %swap3A_74 : vector<16xf32> to vector<16xf32>
      %swap3A_76 = vector.shape_cast %broadcast_in_dim3A_70 : vector<16xf32> to vector<16xf32>
      tpu.vector_store %arg12[%swap3A_73], %swap3A_76 {strides = array<i32>} : memref<3136xf32, #tpu.memory_space<vmem>>, vector<16xf32>,
      %scan3A_77 = arith.constant 1 : i32
      %scan3A_78 = arith.addi %scan3A_68, %scan3A_77 : i32
      %broadcast_in_dim3A_79 = arith.constant 0.000000e+00 : f32
      %broadcast_in_dim3A_80 = vector.broadcast %broadcast_in_dim3A_79 : f32 to vector<16xf32>
      %mul3A_81 = arith.constant 16 : i32
      %mul3A_82 = arith.muli %scan3A_78, %mul3A_81 : i32
      %swap3A_83 = arith.index_cast %mul3A_82 : i32 to index
      %swap3A_84 = tpu.vector_load %arg12[%swap3A_83] {strides = array<i32>} : memref<3136xf32, #tpu.memory_space<vmem>>, vector<16xf32>,
      %swap3A_85 = vector.shape_cast %swap3A_84 : vector<16xf32> to vector<16xf32>
      %swap3A_86 = vector.shape_cast %broadcast_in_dim3A_80 : vector<16xf32> to vector<16xf32>
      tpu.vector_store %arg12[%swap3A_83], %swap3A_86 {strides = array<i32>} : memref<3136xf32, #tpu.memory_space<vmem>>, vector<16xf32>,
      %scan3A_87 = arith.constant 2 : i32
      %scan3A_88 = arith.addi %scan3A_68, %scan3A_87 : i32
      %broadcast_in_dim3A_89 = arith.constant 0.000000e+00 : f32
      %broadcast_in_dim3A_90 = vector.broadcast %broadcast_in_dim3A_89 : f32 to vector<16xf32>
      %mul3A_91 = arith.constant 16 : i32
      %mul3A_92 = arith.muli %scan3A_88, %mul3A_91 : i32
      %swap3A_93 = arith.index_cast %mul3A_92 : i32 to index
      %swap3A_94 = tpu.vector_load %arg12[%swap3A_93] {strides = array<i32>} : memref<3136xf32, #tpu.memory_space<vmem>>, vector<16xf32>,
      %swap3A_95 = vector.shape_cast %swap3A_94 : vector<16xf32> to vector<16xf32>
      %swap3A_96 = vector.shape_cast %broadcast_in_dim3A_90 : vector<16xf32> to vector<16xf32>
      tpu.vector_store %arg12[%swap3A_93], %swap3A_96 {strides = array<i32>} : memref<3136xf32, #tpu.memory_space<vmem>>, vector<16xf32>,
      %scan3A_97 = arith.constant 3 : i32
      %scan3A_98 = arith.addi %scan3A_68, %scan3A_97 : i32
      %broadcast_in_dim3A_99 = arith.constant 0.000000e+00 : f32
      %broadcast_in_dim3A_100 = vector.broadcast %broadcast_in_dim3A_99 : f32 to vector<16xf32>
      %mul3A_101 = arith.constant 16 : i32
      %mul3A_102 = arith.muli %scan3A_98, %mul3A_101 : i32
      %swap3A_103 = arith.index_cast %mul3A_102 : i32 to index
      %swap3A_104 = tpu.vector_load %arg12[%swap3A_103] {strides = array<i32>} : memref<3136xf32, #tpu.memory_space<vmem>>, vector<16xf32>,
      %swap3A_105 = vector.shape_cast %swap3A_104 : vector<16xf32> to vector<16xf32>
      %swap3A_106 = vector.shape_cast %broadcast_in_dim3A_100 : vector<16xf32> to vector<16xf32>
      tpu.vector_store %arg12[%swap3A_103], %swap3A_106 {strides = array<i32>} : memref<3136xf32, #tpu.memory_space<vmem>>, vector<16xf32>,
      %scan3A_107 = arith.constant 4 : i32
      %scan3A_108 = arith.addi %scan3A_68, %scan3A_107 : i32
      %broadcast_in_dim3A_109 = arith.constant 0.000000e+00 : f32
      %broadcast_in_dim3A_110 = vector.broadcast %broadcast_in_dim3A_109 : f32 to vector<16xf32>
      %mul3A_111 = arith.constant 16 : i32
      %mul3A_112 = arith.muli %scan3A_108, %mul3A_111 : i32
      %swap3A_113 = arith.index_cast %mul3A_112 : i32 to index
      %swap3A_114 = tpu.vector_load %arg12[%swap3A_113] {strides = array<i32>} : memref<3136xf32, #tpu.memory_space<vmem>>, vector<16xf32>,
      %swap3A_115 = vector.shape_cast %swap3A_114 : vector<16xf32> to vector<16xf32>
      %swap3A_116 = vector.shape_cast %broadcast_in_dim3A_110 : vector<16xf32> to vector<16xf32>
      tpu.vector_store %arg12[%swap3A_113], %swap3A_116 {strides = array<i32>} : memref<3136xf32, #tpu.memory_space<vmem>>, vector<16xf32>,
      %scan3A_117 = arith.constant 5 : i32
      %scan3A_118 = arith.addi %scan3A_68, %scan3A_117 : i32
      %broadcast_in_dim3A_119 = arith.constant 0.000000e+00 : f32
      %broadcast_in_dim3A_120 = vector.broadcast %broadcast_in_dim3A_119 : f32 to vector<16xf32>
      %mul3A_121 = arith.constant 16 : i32
      %mul3A_122 = arith.muli %scan3A_118, %mul3A_121 : i32
      %swap3A_123 = arith.index_cast %mul3A_122 : i32 to index
      %swap3A_124 = tpu.vector_load %arg12[%swap3A_123] {strides = array<i32>} : memref<3136xf32, #tpu.memory_space<vmem>>, vector<16xf32>,
      %swap3A_125 = vector.shape_cast %swap3A_124 : vector<16xf32> to vector<16xf32>
      %swap3A_126 = vector.shape_cast %broadcast_in_dim3A_120 : vector<16xf32> to vector<16xf32>
      tpu.vector_store %arg12[%swap3A_123], %swap3A_126 {strides = array<i32>} : memref<3136xf32, #tpu.memory_space<vmem>>, vector<16xf32>,
      %scan3A_127 = arith.constant 6 : i32
      %scan3A_128 = arith.addi %scan3A_68, %scan3A_127 : i32
      %broadcast_in_dim3A_129 = arith.constant 0.000000e+00 : f32
      %broadcast_in_dim3A_130 = vector.broadcast %broadcast_in_dim3A_129 : f32 to vector<16xf32>
      %mul3A_131 = arith.constant 16 : i32
      %mul3A_132 = arith.muli %scan3A_128, %mul3A_131 : i32
      %swap3A_133 = arith.index_cast %mul3A_132 : i32 to index
      %swap3A_134 = tpu.vector_load %arg12[%swap3A_133] {strides = array<i32>} : memref<3136xf32, #tpu.memory_space<vmem>>, vector<16xf32>,
      %swap3A_135 = vector.shape_cast %swap3A_134 : vector<16xf32> to vector<16xf32>
      %swap3A_136 = vector.shape_cast %broadcast_in_dim3A_130 : vector<16xf32> to vector<16xf32>
      tpu.vector_store %arg12[%swap3A_133], %swap3A_136 {strides = array<i32>} : memref<3136xf32, #tpu.memory_space<vmem>>, vector<16xf32>,
      %scan3A_137 = arith.constant 7 : i32
      %scan3A_138 = arith.addi %scan3A_68, %scan3A_137 : i32
      %broadcast_in_dim3A_139 = arith.constant 0.000000e+00 : f32
      %broadcast_in_dim3A_140 = vector.broadcast %broadcast_in_dim3A_139 : f32 to vector<16xf32>
      %mul3A_141 = arith.constant 16 : i32
      %mul3A_142 = arith.muli %scan3A_138, %mul3A_141 : i32
      %swap3A_143 = arith.index_cast %mul3A_142 : i32 to index
      %swap3A_144 = tpu.vector_load %arg12[%swap3A_143] {strides = array<i32>} : memref<3136xf32, #tpu.memory_space<vmem>>, vector<16xf32>,
      %swap3A_145 = vector.shape_cast %swap3A_144 : vector<16xf32> to vector<16xf32>
      %swap3A_146 = vector.shape_cast %broadcast_in_dim3A_140 : vector<16xf32> to vector<16xf32>
      tpu.vector_store %arg12[%swap3A_143], %swap3A_146 {strides = array<i32>} : memref<3136xf32, #tpu.memory_space<vmem>>, vector<16xf32>,
    }
    %scan3A_5 = arith.constant 192 : i32
    %scan3A_6 = arith.addi %scan3A_1, %scan3A_5 : i32
    %broadcast_in_dim3A = arith.constant 0.000000e+00 : f32
    %broadcast_in_dim3A_7 = vector.broadcast %broadcast_in_dim3A : f32 to vector<16xf32>
    %mul3A_8 = arith.constant 16 : i32
    %mul3A_9 = arith.muli %scan3A_6, %mul3A_8 : i32
    %swap3A = arith.index_cast %mul3A_9 : i32 to index
    %swap3A_10 = tpu.vector_load %arg12[%swap3A] {strides = array<i32>} : memref<3136xf32, #tpu.memory_space<vmem>>, vector<16xf32>,
    %swap3A_11 = vector.shape_cast %swap3A_10 : vector<16xf32> to vector<16xf32>
    %swap3A_12 = vector.shape_cast %broadcast_in_dim3A_7 : vector<16xf32> to vector<16xf32>
    tpu.vector_store %arg12[%swap3A], %swap3A_12 {strides = array<i32>} : memref<3136xf32, #tpu.memory_space<vmem>>, vector<16xf32>,
    %scan3A_13 = arith.constant 193 : i32
    %scan3A_14 = arith.addi %scan3A_1, %scan3A_13 : i32
    %broadcast_in_dim3A_15 = arith.constant 0.000000e+00 : f32
    %broadcast_in_dim3A_16 = vector.broadcast %broadcast_in_dim3A_15 : f32 to vector<16xf32>
    %mul3A_17 = arith.constant 16 : i32
    %mul3A_18 = arith.muli %scan3A_14, %mul3A_17 : i32
    %swap3A_19 = arith.index_cast %mul3A_18 : i32 to index
    %swap3A_20 = tpu.vector_load %arg12[%swap3A_19] {strides = array<i32>} : memref<3136xf32, #tpu.memory_space<vmem>>, vector<16xf32>,
    %swap3A_21 = vector.shape_cast %swap3A_20 : vector<16xf32> to vector<16xf32>
    %swap3A_22 = vector.shape_cast %broadcast_in_dim3A_16 : vector<16xf32> to vector<16xf32>
    tpu.vector_store %arg12[%swap3A_19], %swap3A_22 {strides = array<i32>} : memref<3136xf32, #tpu.memory_space<vmem>>, vector<16xf32>,
    %scan3A_23 = arith.constant 194 : i32
    %scan3A_24 = arith.addi %scan3A_1, %scan3A_23 : i32
    %broadcast_in_dim3A_25 = arith.constant 0.000000e+00 : f32
    %broadcast_in_dim3A_26 = vector.broadcast %broadcast_in_dim3A_25 : f32 to vector<16xf32>
    %mul3A_27 = arith.constant 16 : i32
    %mul3A_28 = arith.muli %scan3A_24, %mul3A_27 : i32
    %swap3A_29 = arith.index_cast %mul3A_28 : i32 to index
    %swap3A_30 = tpu.vector_load %arg12[%swap3A_29] {strides = array<i32>} : memref<3136xf32, #tpu.memory_space<vmem>>, vector<16xf32>,
    %swap3A_31 = vector.shape_cast %swap3A_30 : vector<16xf32> to vector<16xf32>
    %swap3A_32 = vector.shape_cast %broadcast_in_dim3A_26 : vector<16xf32> to vector<16xf32>
    tpu.vector_store %arg12[%swap3A_29], %swap3A_32 {strides = array<i32>} : memref<3136xf32, #tpu.memory_space<vmem>>, vector<16xf32>,
    %scan3A_33 = arith.constant 195 : i32
    %scan3A_34 = arith.addi %scan3A_1, %scan3A_33 : i32
    %broadcast_in_dim3A_35 = arith.constant 0.000000e+00 : f32
    %broadcast_in_dim3A_36 = vector.broadcast %broadcast_in_dim3A_35 : f32 to vector<16xf32>
    %mul3A_37 = arith.constant 16 : i32
    %mul3A_38 = arith.muli %scan3A_34, %mul3A_37 : i32
    %swap3A_39 = arith.index_cast %mul3A_38 : i32 to index
    %swap3A_40 = tpu.vector_load %arg12[%swap3A_39] {strides = array<i32>} : memref<3136xf32, #tpu.memory_space<vmem>>, vector<16xf32>,
    %swap3A_41 = vector.shape_cast %swap3A_40 : vector<16xf32> to vector<16xf32>
    %swap3A_42 = vector.shape_cast %broadcast_in_dim3A_36 : vector<16xf32> to vector<16xf32>
    tpu.vector_store %arg12[%swap3A_39], %swap3A_42 {strides = array<i32>} : memref<3136xf32, #tpu.memory_space<vmem>>, vector<16xf32>,
    %scan3A_43 = arith.constant 196 : i32
    %mul3A_44 = arith.constant 3136 : i32
    %mul3A_45 = arith.muli %arg1, %mul3A_44 : i32
    %add3A_46 = arith.constant 0 : i32
    %add3A_47 = arith.addi %mul3A_45, %add3A_46 : i32
    "tpu.region"() ({
      %run_scoped3A = tpu.sem_alloc : memref<!tpu.dma_semaphore, #tpu.memory_space<semaphore_mem>>
      %dma_start3A = arith.constant 0 : i32
      %dma_start3A_68 = tpu.memref_slice %arg12[%dma_start3A] : memref<3136xf32, #tpu.memory_space<vmem>> -> memref<1024xf32, #tpu.memory_space<vmem>>
      %dma_start3A_69 = tpu.memref_slice %arg13[%add3A_47] : memref<50176xf32, #tpu.memory_space<vmem_shared>> -> memref<1024xf32, #tpu.memory_space<vmem_shared>>
      %dma_start3A_70 = tpu.memref_slice %arg13[%add3A_47] : memref<50176xf32, #tpu.memory_space<vmem_shared>> -> memref<1024xf32, #tpu.memory_space<vmem_shared>>
      %dma_start3A_71 = arith.constant 0 : i32
      %dma_start3A_72 = tpu.memref_slice %arg12[%dma_start3A_71] : memref<3136xf32, #tpu.memory_space<vmem>> -> memref<1024xf32, #tpu.memory_space<vmem>>
      tpu.enqueue_dma source(%dma_start3A_72 : memref<1024xf32, #tpu.memory_space<vmem>>) target(%dma_start3A_70 : memref<1024xf32, #tpu.memory_space<vmem_shared>>) target_semaphore(%run_scoped3A : memref<!tpu.dma_semaphore, #tpu.memory_space<semaphore_mem>>)
      %dma_wait3A = arith.constant 0 : i32
      %dma_wait3A_73 = tpu.memref_slice %arg12[%dma_wait3A] : memref<3136xf32, #tpu.memory_space<vmem>> -> memref<1024xf32, #tpu.memory_space<vmem>>
      %dma_wait3A_74 = tpu.memref_slice %arg13[%add3A_47] : memref<50176xf32, #tpu.memory_space<vmem_shared>> -> memref<1024xf32, #tpu.memory_space<vmem_shared>>
      %dma_wait3A_75 = tpu.memref_slice %arg13[%add3A_47] : memref<50176xf32, #tpu.memory_space<vmem_shared>> -> memref<1024xf32, #tpu.memory_space<vmem_shared>>
      %dma_wait3A_76 = arith.constant 0 : i32
      %dma_wait3A_77 = tpu.memref_slice %arg12[%dma_wait3A_76] : memref<3136xf32, #tpu.memory_space<vmem>> -> memref<1024xf32, #tpu.memory_space<vmem>>
      tpu.wait_dma2 semaphore(%run_scoped3A : memref<!tpu.dma_semaphore, #tpu.memory_space<semaphore_mem>>) src(%dma_wait3A_77 : memref<1024xf32, #tpu.memory_space<vmem>>) dst(%dma_wait3A_75 : memref<1024xf32, #tpu.memory_space<vmem_shared>>)
      tpu.yield
    }) : () -> ()
    %add3A_48 = arith.constant 1024 : i32
    %add3A_49 = arith.addi %mul3A_45, %add3A_48 : i32
    "tpu.region"() ({
      %run_scoped3A = tpu.sem_alloc : memref<!tpu.dma_semaphore, #tpu.memory_space<semaphore_mem>>
      %dma_start3A = arith.constant 0 : i32
      %dma_start3A_68 = tpu.memref_slice %arg12[%dma_start3A] : memref<3136xf32, #tpu.memory_space<vmem>> -> memref<1024xf32, #tpu.memory_space<vmem>>
      %dma_start3A_69 = tpu.memref_slice %arg13[%add3A_49] : memref<50176xf32, #tpu.memory_space<vmem_shared>> -> memref<1024xf32, #tpu.memory_space<vmem_shared>>
      %dma_start3A_70 = tpu.memref_slice %arg13[%add3A_49] : memref<50176xf32, #tpu.memory_space<vmem_shared>> -> memref<1024xf32, #tpu.memory_space<vmem_shared>>
      %dma_start3A_71 = arith.constant 0 : i32
      %dma_start3A_72 = tpu.memref_slice %arg12[%dma_start3A_71] : memref<3136xf32, #tpu.memory_space<vmem>> -> memref<1024xf32, #tpu.memory_space<vmem>>
      tpu.enqueue_dma source(%dma_start3A_72 : memref<1024xf32, #tpu.memory_space<vmem>>) target(%dma_start3A_70 : memref<1024xf32, #tpu.memory_space<vmem_shared>>) target_semaphore(%run_scoped3A : memref<!tpu.dma_semaphore, #tpu.memory_space<semaphore_mem>>)
      %dma_wait3A = arith.constant 0 : i32
      %dma_wait3A_73 = tpu.memref_slice %arg12[%dma_wait3A] : memref<3136xf32, #tpu.memory_space<vmem>> -> memref<1024xf32, #tpu.memory_space<vmem>>
      %dma_wait3A_74 = tpu.memref_slice %arg13[%add3A_49] : memref<50176xf32, #tpu.memory_space<vmem_shared>> -> memref<1024xf32, #tpu.memory_space<vmem_shared>>
      %dma_wait3A_75 = tpu.memref_slice %arg13[%add3A_49] : memref<50176xf32, #tpu.memory_space<vmem_shared>> -> memref<1024xf32, #tpu.memory_space<vmem_shared>>
      %dma_wait3A_76 = arith.constant 0 : i32
      %dma_wait3A_77 = tpu.memref_slice %arg12[%dma_wait3A_76] : memref<3136xf32, #tpu.memory_space<vmem>> -> memref<1024xf32, #tpu.memory_space<vmem>>
      tpu.wait_dma2 semaphore(%run_scoped3A : memref<!tpu.dma_semaphore, #tpu.memory_space<semaphore_mem>>) src(%dma_wait3A_77 : memref<1024xf32, #tpu.memory_space<vmem>>) dst(%dma_wait3A_75 : memref<1024xf32, #tpu.memory_space<vmem_shared>>)
      tpu.yield
    }) : () -> ()
    %add3A_50 = arith.constant 2048 : i32
    %add3A_51 = arith.addi %mul3A_45, %add3A_50 : i32
    "tpu.region"() ({
      %run_scoped3A = tpu.sem_alloc : memref<!tpu.dma_semaphore, #tpu.memory_space<semaphore_mem>>
      %dma_start3A = arith.constant 0 : i32
      %dma_start3A_68 = tpu.memref_slice %arg12[%dma_start3A] : memref<3136xf32, #tpu.memory_space<vmem>> -> memref<1024xf32, #tpu.memory_space<vmem>>
      %dma_start3A_69 = tpu.memref_slice %arg13[%add3A_51] : memref<50176xf32, #tpu.memory_space<vmem_shared>> -> memref<1024xf32, #tpu.memory_space<vmem_shared>>
      %dma_start3A_70 = tpu.memref_slice %arg13[%add3A_51] : memref<50176xf32, #tpu.memory_space<vmem_shared>> -> memref<1024xf32, #tpu.memory_space<vmem_shared>>
      %dma_start3A_71 = arith.constant 0 : i32
      %dma_start3A_72 = tpu.memref_slice %arg12[%dma_start3A_71] : memref<3136xf32, #tpu.memory_space<vmem>> -> memref<1024xf32, #tpu.memory_space<vmem>>
      tpu.enqueue_dma source(%dma_start3A_72 : memref<1024xf32, #tpu.memory_space<vmem>>) target(%dma_start3A_70 : memref<1024xf32, #tpu.memory_space<vmem_shared>>) target_semaphore(%run_scoped3A : memref<!tpu.dma_semaphore, #tpu.memory_space<semaphore_mem>>)
      %dma_wait3A = arith.constant 0 : i32
      %dma_wait3A_73 = tpu.memref_slice %arg12[%dma_wait3A] : memref<3136xf32, #tpu.memory_space<vmem>> -> memref<1024xf32, #tpu.memory_space<vmem>>
      %dma_wait3A_74 = tpu.memref_slice %arg13[%add3A_51] : memref<50176xf32, #tpu.memory_space<vmem_shared>> -> memref<1024xf32, #tpu.memory_space<vmem_shared>>
      %dma_wait3A_75 = tpu.memref_slice %arg13[%add3A_51] : memref<50176xf32, #tpu.memory_space<vmem_shared>> -> memref<1024xf32, #tpu.memory_space<vmem_shared>>
      %dma_wait3A_76 = arith.constant 0 : i32
      %dma_wait3A_77 = tpu.memref_slice %arg12[%dma_wait3A_76] : memref<3136xf32, #tpu.memory_space<vmem>> -> memref<1024xf32, #tpu.memory_space<vmem>>
      tpu.wait_dma2 semaphore(%run_scoped3A : memref<!tpu.dma_semaphore, #tpu.memory_space<semaphore_mem>>) src(%dma_wait3A_77 : memref<1024xf32, #tpu.memory_space<vmem>>) dst(%dma_wait3A_75 : memref<1024xf32, #tpu.memory_space<vmem_shared>>)
      tpu.yield
    }) : () -> ()
    %add3A_52 = arith.constant 3072 : i32
    %add3A_53 = arith.addi %mul3A_45, %add3A_52 : i32
    "tpu.region"() ({
      %run_scoped3A = tpu.sem_alloc : memref<!tpu.dma_semaphore, #tpu.memory_space<semaphore_mem>>
      %dma_start3A = arith.constant 0 : i32
      %dma_start3A_68 = tpu.memref_slice %arg12[%dma_start3A] : memref<3136xf32, #tpu.memory_space<vmem>> -> memref<64xf32, #tpu.memory_space<vmem>>
      %dma_start3A_69 = tpu.memref_slice %arg13[%add3A_53] : memref<50176xf32, #tpu.memory_space<vmem_shared>> -> memref<64xf32, #tpu.memory_space<vmem_shared>>
      %dma_start3A_70 = tpu.memref_slice %arg13[%add3A_53] : memref<50176xf32, #tpu.memory_space<vmem_shared>> -> memref<64xf32, #tpu.memory_space<vmem_shared>>
      %dma_start3A_71 = arith.constant 0 : i32
      %dma_start3A_72 = tpu.memref_slice %arg12[%dma_start3A_71] : memref<3136xf32, #tpu.memory_space<vmem>> -> memref<64xf32, #tpu.memory_space<vmem>>
      tpu.enqueue_dma source(%dma_start3A_72 : memref<64xf32, #tpu.memory_space<vmem>>) target(%dma_start3A_70 : memref<64xf32, #tpu.memory_space<vmem_shared>>) target_semaphore(%run_scoped3A : memref<!tpu.dma_semaphore, #tpu.memory_space<semaphore_mem>>)
      %dma_wait3A = arith.constant 0 : i32
      %dma_wait3A_73 = tpu.memref_slice %arg12[%dma_wait3A] : memref<3136xf32, #tpu.memory_space<vmem>> -> memref<64xf32, #tpu.memory_space<vmem>>
      %dma_wait3A_74 = tpu.memref_slice %arg13[%add3A_53] : memref<50176xf32, #tpu.memory_space<vmem_shared>> -> memref<64xf32, #tpu.memory_space<vmem_shared>>
      %dma_wait3A_75 = tpu.memref_slice %arg13[%add3A_53] : memref<50176xf32, #tpu.memory_space<vmem_shared>> -> memref<64xf32, #tpu.memory_space<vmem_shared>>
      %dma_wait3A_76 = arith.constant 0 : i32
      %dma_wait3A_77 = tpu.memref_slice %arg12[%dma_wait3A_76] : memref<3136xf32, #tpu.memory_space<vmem>> -> memref<64xf32, #tpu.memory_space<vmem>>
      tpu.wait_dma2 semaphore(%run_scoped3A : memref<!tpu.dma_semaphore, #tpu.memory_space<semaphore_mem>>) src(%dma_wait3A_77 : memref<64xf32, #tpu.memory_space<vmem>>) dst(%dma_wait3A_75 : memref<64xf32, #tpu.memory_space<vmem_shared>>)
      tpu.yield
    }) : () -> ()
    %barrier3A = arith.constant 0 : index
    tpu.barrier barrier_id(%barrier3A)
    %mul3A_54 = arith.constant 200 : i32
    %mul3A_55 = arith.muli %add3A, %mul3A_54 : i32
    %scan3A_56 = arith.constant 0 : i32
    %scan3A_57 = arith.constant 0 : i32
    %scan3A_58 = arith.constant 25 : i32
    %scan3A_59 = arith.addi %scan3A_57, %scan3A_58 : i32
    %scan3A_60 = arith.constant 1 : i32
    scf.for %scan3A_68 = %scan3A_57 to %scan3A_59 step %scan3A_60  : i32 {
      %mul3A_69 = arith.constant 8 : i32
      %mul3A_70 = arith.muli %scan3A_68, %mul3A_69 : i32
      %add3A_71 = arith.addi %mul3A_55, %mul3A_70 : i32
      "tpu.region"() ({
        %run_scoped3A = tpu.sem_alloc : memref<!tpu.dma_semaphore, #tpu.memory_space<semaphore_mem>>
        %dma_start3A_334 = arith.constant 0 : i32
        %dma_start3A_335 = tpu.memref_slice %arg4[%add3A_71, %dma_start3A_334] : memref<6400x128xi32, #tpu.memory_space<hbm>> -> memref<8x128xi32, #tpu.memory_space<hbm>>
        %dma_start3A_336 = arith.constant 0 : i32
        %dma_start3A_337 = tpu.memref_slice %arg4[%add3A_71, %dma_start3A_336] : memref<6400x128xi32, #tpu.memory_space<hbm>> -> memref<8x128xi32, #tpu.memory_space<hbm>>
        tpu.enqueue_dma source(%dma_start3A_337 : memref<8x128xi32, #tpu.memory_space<hbm>>) target(%arg8 : memref<8x128xi32, #tpu.memory_space<vmem>>) target_semaphore(%run_scoped3A : memref<!tpu.dma_semaphore, #tpu.memory_space<semaphore_mem>>)
        %dma_wait3A_338 = arith.constant 0 : i32
        %dma_wait3A_339 = tpu.memref_slice %arg4[%add3A_71, %dma_wait3A_338] : memref<6400x128xi32, #tpu.memory_space<hbm>> -> memref<8x128xi32, #tpu.memory_space<hbm>>
        %dma_wait3A_340 = arith.constant 0 : i32
        %dma_wait3A_341 = tpu.memref_slice %arg4[%add3A_71, %dma_wait3A_340] : memref<6400x128xi32, #tpu.memory_space<hbm>> -> memref<8x128xi32, #tpu.memory_space<hbm>>
        tpu.wait_dma2 semaphore(%run_scoped3A : memref<!tpu.dma_semaphore, #tpu.memory_space<semaphore_mem>>) src(%dma_wait3A_341 : memref<8x128xi32, #tpu.memory_space<hbm>>) dst(%arg8 : memref<8x128xi32, #tpu.memory_space<vmem>>)
        tpu.yield
      }) : () -> ()
      "tpu.region"() ({
        %run_scoped3A = tpu.sem_alloc : memref<!tpu.dma_semaphore, #tpu.memory_space<semaphore_mem>>
        %dma_start3A_334 = arith.constant 0 : i32
        %dma_start3A_335 = tpu.memref_slice %arg5[%add3A_71, %dma_start3A_334] : memref<6400x128xi32, #tpu.memory_space<hbm>> -> memref<8x128xi32, #tpu.memory_space<hbm>>
        %dma_start3A_336 = arith.constant 0 : i32
        %dma_start3A_337 = tpu.memref_slice %arg5[%add3A_71, %dma_start3A_336] : memref<6400x128xi32, #tpu.memory_space<hbm>> -> memref<8x128xi32, #tpu.memory_space<hbm>>
        tpu.enqueue_dma source(%dma_start3A_337 : memref<8x128xi32, #tpu.memory_space<hbm>>) target(%arg9 : memref<8x128xi32, #tpu.memory_space<vmem>>) target_semaphore(%run_scoped3A : memref<!tpu.dma_semaphore, #tpu.memory_space<semaphore_mem>>)
        %dma_wait3A_338 = arith.constant 0 : i32
        %dma_wait3A_339 = tpu.memref_slice %arg5[%add3A_71, %dma_wait3A_338] : memref<6400x128xi32, #tpu.memory_space<hbm>> -> memref<8x128xi32, #tpu.memory_space<hbm>>
        %dma_wait3A_340 = arith.constant 0 : i32
        %dma_wait3A_341 = tpu.memref_slice %arg5[%add3A_71, %dma_wait3A_340] : memref<6400x128xi32, #tpu.memory_space<hbm>> -> memref<8x128xi32, #tpu.memory_space<hbm>>
        tpu.wait_dma2 semaphore(%run_scoped3A : memref<!tpu.dma_semaphore, #tpu.memory_space<semaphore_mem>>) src(%dma_wait3A_341 : memref<8x128xi32, #tpu.memory_space<hbm>>) dst(%arg9 : memref<8x128xi32, #tpu.memory_space<vmem>>)
        tpu.yield
      }) : () -> ()
      %mul3A_72 = arith.constant 128 : i32
      %mul3A_73 = arith.muli %add3A_71, %mul3A_72 : i32
      "tpu.region"() ({
        %run_scoped3A = tpu.sem_alloc : memref<!tpu.dma_semaphore, #tpu.memory_space<semaphore_mem>>
        %dma_start3A_334 = tpu.memref_slice %arg3[%mul3A_73] : memref<819200xf32, #tpu.memory_space<hbm>> -> memref<1024xf32, #tpu.memory_space<hbm>>
        %dma_start3A_335 = tpu.memref_slice %arg3[%mul3A_73] : memref<819200xf32, #tpu.memory_space<hbm>> -> memref<1024xf32, #tpu.memory_space<hbm>>
        tpu.enqueue_dma source(%dma_start3A_335 : memref<1024xf32, #tpu.memory_space<hbm>>) target(%arg10 : memref<1024xf32, #tpu.memory_space<vmem>>) target_semaphore(%run_scoped3A : memref<!tpu.dma_semaphore, #tpu.memory_space<semaphore_mem>>)
        %dma_wait3A_336 = tpu.memref_slice %arg3[%mul3A_73] : memref<819200xf32, #tpu.memory_space<hbm>> -> memref<1024xf32, #tpu.memory_space<hbm>>
        %dma_wait3A_337 = tpu.memref_slice %arg3[%mul3A_73] : memref<819200xf32, #tpu.memory_space<hbm>> -> memref<1024xf32, #tpu.memory_space<hbm>>
        tpu.wait_dma2 semaphore(%run_scoped3A : memref<!tpu.dma_semaphore, #tpu.memory_space<semaphore_mem>>) src(%dma_wait3A_337 : memref<1024xf32, #tpu.memory_space<hbm>>) dst(%arg10 : memref<1024xf32, #tpu.memory_space<vmem>>)
        tpu.yield
      }) : () -> ()
      %dma_start3A = arith.constant 0 : i32
      %dma_start3A_74 = arith.constant 0 : i32
      %dma_start3A_75 = tpu.memref_slice %arg7[%dma_start3A_74] : memref<1024xf32, #tpu.memory_space<vmem>> -> memref<128xf32, #tpu.memory_space<vmem>>
      %dma_start3A_76 = arith.constant 0 : i32
      %dma_start3A_77 = tpu.memref_slice %arg8[%dma_start3A, %dma_start3A_76] : memref<8x128xi32, #tpu.memory_space<vmem>> -> memref<1x128xi32, #tpu.memory_space<vmem>>
      %dma_start3A_78 = tpu.memref_squeeze %dma_start3A_77 : memref<1x128xi32, #tpu.memory_space<vmem>> -> memref<128xi32, #tpu.memory_space<vmem>>
      %dma_start3A_79 = arith.constant 0 : i32
      %dma_start3A_80 = tpu.memref_slice %arg2[%dma_start3A_79] : memref<50000xf32, #tpu.memory_space<hbm>> -> memref<50000xf32, #tpu.memory_space<hbm>>
      tpu.enqueue_indirect_dma source(%dma_start3A_80 : memref<50000xf32, #tpu.memory_space<hbm>>) target(%dma_start3A_75 : memref<128xf32, #tpu.memory_space<vmem>>) offsets(%dma_start3A_78 : memref<128xi32, #tpu.memory_space<vmem>>) semaphore(%arg14 : memref<!tpu.dma_semaphore, #tpu.memory_space<semaphore_mem>>)
      %dma_start3A_81 = arith.constant 1 : i32
      %dma_start3A_82 = arith.constant 128 : i32
      %dma_start3A_83 = tpu.memref_slice %arg7[%dma_start3A_82] : memref<1024xf32, #tpu.memory_space<vmem>> -> memref<128xf32, #tpu.memory_space<vmem>>
      %dma_start3A_84 = arith.constant 0 : i32
      %dma_start3A_85 = tpu.memref_slice %arg8[%dma_start3A_81, %dma_start3A_84] : memref<8x128xi32, #tpu.memory_space<vmem>> -> memref<1x128xi32, #tpu.memory_space<vmem>>
      %dma_start3A_86 = tpu.memref_squeeze %dma_start3A_85 : memref<1x128xi32, #tpu.memory_space<vmem>> -> memref<128xi32, #tpu.memory_space<vmem>>
      %dma_start3A_87 = arith.constant 0 : i32
      %dma_start3A_88 = tpu.memref_slice %arg2[%dma_start3A_87] : memref<50000xf32, #tpu.memory_space<hbm>> -> memref<50000xf32, #tpu.memory_space<hbm>>
      tpu.enqueue_indirect_dma source(%dma_start3A_88 : memref<50000xf32, #tpu.memory_space<hbm>>) target(%dma_start3A_83 : memref<128xf32, #tpu.memory_space<vmem>>) offsets(%dma_start3A_86 : memref<128xi32, #tpu.memory_space<vmem>>) semaphore(%arg14 : memref<!tpu.dma_semaphore, #tpu.memory_space<semaphore_mem>>)
      %dma_start3A_89 = arith.constant 2 : i32
      %dma_start3A_90 = arith.constant 256 : i32
      %dma_start3A_91 = tpu.memref_slice %arg7[%dma_start3A_90] : memref<1024xf32, #tpu.memory_space<vmem>> -> memref<128xf32, #tpu.memory_space<vmem>>
      %dma_start3A_92 = arith.constant 0 : i32
      %dma_start3A_93 = tpu.memref_slice %arg8[%dma_start3A_89, %dma_start3A_92] : memref<8x128xi32, #tpu.memory_space<vmem>> -> memref<1x128xi32, #tpu.memory_space<vmem>>
      %dma_start3A_94 = tpu.memref_squeeze %dma_start3A_93 : memref<1x128xi32, #tpu.memory_space<vmem>> -> memref<128xi32, #tpu.memory_space<vmem>>
      %dma_start3A_95 = arith.constant 0 : i32
      %dma_start3A_96 = tpu.memref_slice %arg2[%dma_start3A_95] : memref<50000xf32, #tpu.memory_space<hbm>> -> memref<50000xf32, #tpu.memory_space<hbm>>
      tpu.enqueue_indirect_dma source(%dma_start3A_96 : memref<50000xf32, #tpu.memory_space<hbm>>) target(%dma_start3A_91 : memref<128xf32, #tpu.memory_space<vmem>>) offsets(%dma_start3A_94 : memref<128xi32, #tpu.memory_space<vmem>>) semaphore(%arg14 : memref<!tpu.dma_semaphore, #tpu.memory_space<semaphore_mem>>)
      %dma_start3A_97 = arith.constant 3 : i32
      %dma_start3A_98 = arith.constant 384 : i32
      %dma_start3A_99 = tpu.memref_slice %arg7[%dma_start3A_98] : memref<1024xf32, #tpu.memory_space<vmem>> -> memref<128xf32, #tpu.memory_space<vmem>>
      %dma_start3A_100 = arith.constant 0 : i32
      %dma_start3A_101 = tpu.memref_slice %arg8[%dma_start3A_97, %dma_start3A_100] : memref<8x128xi32, #tpu.memory_space<vmem>> -> memref<1x128xi32, #tpu.memory_space<vmem>>
      %dma_start3A_102 = tpu.memref_squeeze %dma_start3A_101 : memref<1x128xi32, #tpu.memory_space<vmem>> -> memref<128xi32, #tpu.memory_space<vmem>>
      %dma_start3A_103 = arith.constant 0 : i32
      %dma_start3A_104 = tpu.memref_slice %arg2[%dma_start3A_103] : memref<50000xf32, #tpu.memory_space<hbm>> -> memref<50000xf32, #tpu.memory_space<hbm>>
      tpu.enqueue_indirect_dma source(%dma_start3A_104 : memref<50000xf32, #tpu.memory_space<hbm>>) target(%dma_start3A_99 : memref<128xf32, #tpu.memory_space<vmem>>) offsets(%dma_start3A_102 : memref<128xi32, #tpu.memory_space<vmem>>) semaphore(%arg14 : memref<!tpu.dma_semaphore, #tpu.memory_space<semaphore_mem>>)
      %dma_start3A_105 = arith.constant 4 : i32
      %dma_start3A_106 = arith.constant 512 : i32
      %dma_start3A_107 = tpu.memref_slice %arg7[%dma_start3A_106] : memref<1024xf32, #tpu.memory_space<vmem>> -> memref<128xf32, #tpu.memory_space<vmem>>
      %dma_start3A_108 = arith.constant 0 : i32
      %dma_start3A_109 = tpu.memref_slice %arg8[%dma_start3A_105, %dma_start3A_108] : memref<8x128xi32, #tpu.memory_space<vmem>> -> memref<1x128xi32, #tpu.memory_space<vmem>>
      %dma_start3A_110 = tpu.memref_squeeze %dma_start3A_109 : memref<1x128xi32, #tpu.memory_space<vmem>> -> memref<128xi32, #tpu.memory_space<vmem>>
      %dma_start3A_111 = arith.constant 0 : i32
      %dma_start3A_112 = tpu.memref_slice %arg2[%dma_start3A_111] : memref<50000xf32, #tpu.memory_space<hbm>> -> memref<50000xf32, #tpu.memory_space<hbm>>
      tpu.enqueue_indirect_dma source(%dma_start3A_112 : memref<50000xf32, #tpu.memory_space<hbm>>) target(%dma_start3A_107 : memref<128xf32, #tpu.memory_space<vmem>>) offsets(%dma_start3A_110 : memref<128xi32, #tpu.memory_space<vmem>>) semaphore(%arg14 : memref<!tpu.dma_semaphore, #tpu.memory_space<semaphore_mem>>)
      %dma_start3A_113 = arith.constant 5 : i32
      %dma_start3A_114 = arith.constant 640 : i32
      %dma_start3A_115 = tpu.memref_slice %arg7[%dma_start3A_114] : memref<1024xf32, #tpu.memory_space<vmem>> -> memref<128xf32, #tpu.memory_space<vmem>>
      %dma_start3A_116 = arith.constant 0 : i32
      %dma_start3A_117 = tpu.memref_slice %arg8[%dma_start3A_113, %dma_start3A_116] : memref<8x128xi32, #tpu.memory_space<vmem>> -> memref<1x128xi32, #tpu.memory_space<vmem>>
      %dma_start3A_118 = tpu.memref_squeeze %dma_start3A_117 : memref<1x128xi32, #tpu.memory_space<vmem>> -> memref<128xi32, #tpu.memory_space<vmem>>
      %dma_start3A_119 = arith.constant 0 : i32
      %dma_start3A_120 = tpu.memref_slice %arg2[%dma_start3A_119] : memref<50000xf32, #tpu.memory_space<hbm>> -> memref<50000xf32, #tpu.memory_space<hbm>>
      tpu.enqueue_indirect_dma source(%dma_start3A_120 : memref<50000xf32, #tpu.memory_space<hbm>>) target(%dma_start3A_115 : memref<128xf32, #tpu.memory_space<vmem>>) offsets(%dma_start3A_118 : memref<128xi32, #tpu.memory_space<vmem>>) semaphore(%arg14 : memref<!tpu.dma_semaphore, #tpu.memory_space<semaphore_mem>>)
      %dma_start3A_121 = arith.constant 6 : i32
      %dma_start3A_122 = arith.constant 768 : i32
      %dma_start3A_123 = tpu.memref_slice %arg7[%dma_start3A_122] : memref<1024xf32, #tpu.memory_space<vmem>> -> memref<128xf32, #tpu.memory_space<vmem>>
      %dma_start3A_124 = arith.constant 0 : i32
      %dma_start3A_125 = tpu.memref_slice %arg8[%dma_start3A_121, %dma_start3A_124] : memref<8x128xi32, #tpu.memory_space<vmem>> -> memref<1x128xi32, #tpu.memory_space<vmem>>
      %dma_start3A_126 = tpu.memref_squeeze %dma_start3A_125 : memref<1x128xi32, #tpu.memory_space<vmem>> -> memref<128xi32, #tpu.memory_space<vmem>>
      %dma_start3A_127 = arith.constant 0 : i32
      %dma_start3A_128 = tpu.memref_slice %arg2[%dma_start3A_127] : memref<50000xf32, #tpu.memory_space<hbm>> -> memref<50000xf32, #tpu.memory_space<hbm>>
      tpu.enqueue_indirect_dma source(%dma_start3A_128 : memref<50000xf32, #tpu.memory_space<hbm>>) target(%dma_start3A_123 : memref<128xf32, #tpu.memory_space<vmem>>) offsets(%dma_start3A_126 : memref<128xi32, #tpu.memory_space<vmem>>) semaphore(%arg14 : memref<!tpu.dma_semaphore, #tpu.memory_space<semaphore_mem>>)
      %dma_start3A_129 = arith.constant 7 : i32
      %dma_start3A_130 = arith.constant 896 : i32
      %dma_start3A_131 = tpu.memref_slice %arg7[%dma_start3A_130] : memref<1024xf32, #tpu.memory_space<vmem>> -> memref<128xf32, #tpu.memory_space<vmem>>
      %dma_start3A_132 = arith.constant 0 : i32
      %dma_start3A_133 = tpu.memref_slice %arg8[%dma_start3A_129, %dma_start3A_132] : memref<8x128xi32, #tpu.memory_space<vmem>> -> memref<1x128xi32, #tpu.memory_space<vmem>>
      %dma_start3A_134 = tpu.memref_squeeze %dma_start3A_133 : memref<1x128xi32, #tpu.memory_space<vmem>> -> memref<128xi32, #tpu.memory_space<vmem>>
      %dma_start3A_135 = arith.constant 0 : i32
      %dma_start3A_136 = tpu.memref_slice %arg2[%dma_start3A_135] : memref<50000xf32, #tpu.memory_space<hbm>> -> memref<50000xf32, #tpu.memory_space<hbm>>
      tpu.enqueue_indirect_dma source(%dma_start3A_136 : memref<50000xf32, #tpu.memory_space<hbm>>) target(%dma_start3A_131 : memref<128xf32, #tpu.memory_space<vmem>>) offsets(%dma_start3A_134 : memref<128xi32, #tpu.memory_space<vmem>>) semaphore(%arg14 : memref<!tpu.dma_semaphore, #tpu.memory_space<semaphore_mem>>)
      %dma_wait3A = arith.constant 0 : i32
      %dma_wait3A_137 = arith.constant 0 : i32
      %dma_wait3A_138 = tpu.memref_slice %arg7[%dma_wait3A_137] : memref<1024xf32, #tpu.memory_space<vmem>> -> memref<128xf32, #tpu.memory_space<vmem>>
      %dma_wait3A_139 = arith.constant 0 : i32
      %dma_wait3A_140 = tpu.memref_slice %arg8[%dma_wait3A, %dma_wait3A_139] : memref<8x128xi32, #tpu.memory_space<vmem>> -> memref<1x128xi32, #tpu.memory_space<vmem>>
      %dma_wait3A_141 = tpu.memref_squeeze %dma_wait3A_140 : memref<1x128xi32, #tpu.memory_space<vmem>> -> memref<128xi32, #tpu.memory_space<vmem>>
      %dma_wait3A_142 = arith.constant 0 : i32
      %dma_wait3A_143 = tpu.memref_slice %arg2[%dma_wait3A_142] : memref<50000xf32, #tpu.memory_space<hbm>> -> memref<50000xf32, #tpu.memory_space<hbm>>
      tpu.wait_indirect_dma semaphore(%arg14 : memref<!tpu.dma_semaphore, #tpu.memory_space<semaphore_mem>>) src(%dma_wait3A_143 : memref<50000xf32, #tpu.memory_space<hbm>>) dst(%dma_wait3A_138 : memref<128xf32, #tpu.memory_space<vmem>>)
      %dma_wait3A_144 = arith.constant 1 : i32
      %dma_wait3A_145 = arith.constant 128 : i32
      %dma_wait3A_146 = tpu.memref_slice %arg7[%dma_wait3A_145] : memref<1024xf32, #tpu.memory_space<vmem>> -> memref<128xf32, #tpu.memory_space<vmem>>
      %dma_wait3A_147 = arith.constant 0 : i32
      %dma_wait3A_148 = tpu.memref_slice %arg8[%dma_wait3A_144, %dma_wait3A_147] : memref<8x128xi32, #tpu.memory_space<vmem>> -> memref<1x128xi32, #tpu.memory_space<vmem>>
      %dma_wait3A_149 = tpu.memref_squeeze %dma_wait3A_148 : memref<1x128xi32, #tpu.memory_space<vmem>> -> memref<128xi32, #tpu.memory_space<vmem>>
      %dma_wait3A_150 = arith.constant 0 : i32
      %dma_wait3A_151 = tpu.memref_slice %arg2[%dma_wait3A_150] : memref<50000xf32, #tpu.memory_space<hbm>> -> memref<50000xf32, #tpu.memory_space<hbm>>
      tpu.wait_indirect_dma semaphore(%arg14 : memref<!tpu.dma_semaphore, #tpu.memory_space<semaphore_mem>>) src(%dma_wait3A_151 : memref<50000xf32, #tpu.memory_space<hbm>>) dst(%dma_wait3A_146 : memref<128xf32, #tpu.memory_space<vmem>>)
      %dma_wait3A_152 = arith.constant 2 : i32
      %dma_wait3A_153 = arith.constant 256 : i32
      %dma_wait3A_154 = tpu.memref_slice %arg7[%dma_wait3A_153] : memref<1024xf32, #tpu.memory_space<vmem>> -> memref<128xf32, #tpu.memory_space<vmem>>
      %dma_wait3A_155 = arith.constant 0 : i32
      %dma_wait3A_156 = tpu.memref_slice %arg8[%dma_wait3A_152, %dma_wait3A_155] : memref<8x128xi32, #tpu.memory_space<vmem>> -> memref<1x128xi32, #tpu.memory_space<vmem>>
      %dma_wait3A_157 = tpu.memref_squeeze %dma_wait3A_156 : memref<1x128xi32, #tpu.memory_space<vmem>> -> memref<128xi32, #tpu.memory_space<vmem>>
      %dma_wait3A_158 = arith.constant 0 : i32
      %dma_wait3A_159 = tpu.memref_slice %arg2[%dma_wait3A_158] : memref<50000xf32, #tpu.memory_space<hbm>> -> memref<50000xf32, #tpu.memory_space<hbm>>
      tpu.wait_indirect_dma semaphore(%arg14 : memref<!tpu.dma_semaphore, #tpu.memory_space<semaphore_mem>>) src(%dma_wait3A_159 : memref<50000xf32, #tpu.memory_space<hbm>>) dst(%dma_wait3A_154 : memref<128xf32, #tpu.memory_space<vmem>>)
      %dma_wait3A_160 = arith.constant 3 : i32
      %dma_wait3A_161 = arith.constant 384 : i32
      %dma_wait3A_162 = tpu.memref_slice %arg7[%dma_wait3A_161] : memref<1024xf32, #tpu.memory_space<vmem>> -> memref<128xf32, #tpu.memory_space<vmem>>
      %dma_wait3A_163 = arith.constant 0 : i32
      %dma_wait3A_164 = tpu.memref_slice %arg8[%dma_wait3A_160, %dma_wait3A_163] : memref<8x128xi32, #tpu.memory_space<vmem>> -> memref<1x128xi32, #tpu.memory_space<vmem>>
      %dma_wait3A_165 = tpu.memref_squeeze %dma_wait3A_164 : memref<1x128xi32, #tpu.memory_space<vmem>> -> memref<128xi32, #tpu.memory_space<vmem>>
      %dma_wait3A_166 = arith.constant 0 : i32
      %dma_wait3A_167 = tpu.memref_slice %arg2[%dma_wait3A_166] : memref<50000xf32, #tpu.memory_space<hbm>> -> memref<50000xf32, #tpu.memory_space<hbm>>
      tpu.wait_indirect_dma semaphore(%arg14 : memref<!tpu.dma_semaphore, #tpu.memory_space<semaphore_mem>>) src(%dma_wait3A_167 : memref<50000xf32, #tpu.memory_space<hbm>>) dst(%dma_wait3A_162 : memref<128xf32, #tpu.memory_space<vmem>>)
      %dma_wait3A_168 = arith.constant 4 : i32
      %dma_wait3A_169 = arith.constant 512 : i32
      %dma_wait3A_170 = tpu.memref_slice %arg7[%dma_wait3A_169] : memref<1024xf32, #tpu.memory_space<vmem>> -> memref<128xf32, #tpu.memory_space<vmem>>
      %dma_wait3A_171 = arith.constant 0 : i32
      %dma_wait3A_172 = tpu.memref_slice %arg8[%dma_wait3A_168, %dma_wait3A_171] : memref<8x128xi32, #tpu.memory_space<vmem>> -> memref<1x128xi32, #tpu.memory_space<vmem>>
      %dma_wait3A_173 = tpu.memref_squeeze %dma_wait3A_172 : memref<1x128xi32, #tpu.memory_space<vmem>> -> memref<128xi32, #tpu.memory_space<vmem>>
      %dma_wait3A_174 = arith.constant 0 : i32
      %dma_wait3A_175 = tpu.memref_slice %arg2[%dma_wait3A_174] : memref<50000xf32, #tpu.memory_space<hbm>> -> memref<50000xf32, #tpu.memory_space<hbm>>
      tpu.wait_indirect_dma semaphore(%arg14 : memref<!tpu.dma_semaphore, #tpu.memory_space<semaphore_mem>>) src(%dma_wait3A_175 : memref<50000xf32, #tpu.memory_space<hbm>>) dst(%dma_wait3A_170 : memref<128xf32, #tpu.memory_space<vmem>>)
      %dma_wait3A_176 = arith.constant 5 : i32
      %dma_wait3A_177 = arith.constant 640 : i32
      %dma_wait3A_178 = tpu.memref_slice %arg7[%dma_wait3A_177] : memref<1024xf32, #tpu.memory_space<vmem>> -> memref<128xf32, #tpu.memory_space<vmem>>
      %dma_wait3A_179 = arith.constant 0 : i32
      %dma_wait3A_180 = tpu.memref_slice %arg8[%dma_wait3A_176, %dma_wait3A_179] : memref<8x128xi32, #tpu.memory_space<vmem>> -> memref<1x128xi32, #tpu.memory_space<vmem>>
      %dma_wait3A_181 = tpu.memref_squeeze %dma_wait3A_180 : memref<1x128xi32, #tpu.memory_space<vmem>> -> memref<128xi32, #tpu.memory_space<vmem>>
      %dma_wait3A_182 = arith.constant 0 : i32
      %dma_wait3A_183 = tpu.memref_slice %arg2[%dma_wait3A_182] : memref<50000xf32, #tpu.memory_space<hbm>> -> memref<50000xf32, #tpu.memory_space<hbm>>
      tpu.wait_indirect_dma semaphore(%arg14 : memref<!tpu.dma_semaphore, #tpu.memory_space<semaphore_mem>>) src(%dma_wait3A_183 : memref<50000xf32, #tpu.memory_space<hbm>>) dst(%dma_wait3A_178 : memref<128xf32, #tpu.memory_space<vmem>>)
      %dma_wait3A_184 = arith.constant 6 : i32
      %dma_wait3A_185 = arith.constant 768 : i32
      %dma_wait3A_186 = tpu.memref_slice %arg7[%dma_wait3A_185] : memref<1024xf32, #tpu.memory_space<vmem>> -> memref<128xf32, #tpu.memory_space<vmem>>
      %dma_wait3A_187 = arith.constant 0 : i32
      %dma_wait3A_188 = tpu.memref_slice %arg8[%dma_wait3A_184, %dma_wait3A_187] : memref<8x128xi32, #tpu.memory_space<vmem>> -> memref<1x128xi32, #tpu.memory_space<vmem>>
      %dma_wait3A_189 = tpu.memref_squeeze %dma_wait3A_188 : memref<1x128xi32, #tpu.memory_space<vmem>> -> memref<128xi32, #tpu.memory_space<vmem>>
      %dma_wait3A_190 = arith.constant 0 : i32
      %dma_wait3A_191 = tpu.memref_slice %arg2[%dma_wait3A_190] : memref<50000xf32, #tpu.memory_space<hbm>> -> memref<50000xf32, #tpu.memory_space<hbm>>
      tpu.wait_indirect_dma semaphore(%arg14 : memref<!tpu.dma_semaphore, #tpu.memory_space<semaphore_mem>>) src(%dma_wait3A_191 : memref<50000xf32, #tpu.memory_space<hbm>>) dst(%dma_wait3A_186 : memref<128xf32, #tpu.memory_space<vmem>>)
      %dma_wait3A_192 = arith.constant 7 : i32
      %dma_wait3A_193 = arith.constant 896 : i32
      %dma_wait3A_194 = tpu.memref_slice %arg7[%dma_wait3A_193] : memref<1024xf32, #tpu.memory_space<vmem>> -> memref<128xf32, #tpu.memory_space<vmem>>
      %dma_wait3A_195 = arith.constant 0 : i32
      %dma_wait3A_196 = tpu.memref_slice %arg8[%dma_wait3A_192, %dma_wait3A_195] : memref<8x128xi32, #tpu.memory_space<vmem>> -> memref<1x128xi32, #tpu.memory_space<vmem>>
      %dma_wait3A_197 = tpu.memref_squeeze %dma_wait3A_196 : memref<1x128xi32, #tpu.memory_space<vmem>> -> memref<128xi32, #tpu.memory_space<vmem>>
      %dma_wait3A_198 = arith.constant 0 : i32
      %dma_wait3A_199 = tpu.memref_slice %arg2[%dma_wait3A_198] : memref<50000xf32, #tpu.memory_space<hbm>> -> memref<50000xf32, #tpu.memory_space<hbm>>
      tpu.wait_indirect_dma semaphore(%arg14 : memref<!tpu.dma_semaphore, #tpu.memory_space<semaphore_mem>>) src(%dma_wait3A_199 : memref<50000xf32, #tpu.memory_space<hbm>>) dst(%dma_wait3A_194 : memref<128xf32, #tpu.memory_space<vmem>>)
      %scan3A_200 = arith.constant 0 : i32
      %scan3A_201 = arith.constant 0 : i32
      %scan3A_202 = arith.constant 64 : i32
      %scan3A_203 = arith.addi %scan3A_201, %scan3A_202 : i32
      %scan3A_204 = arith.constant 8 : i32
      scf.for %scan3A_334 = %scan3A_201 to %scan3A_203 step %scan3A_204  : i32 {
        %mul3A_335 = arith.constant 16 : i32
        %mul3A_336 = arith.muli %scan3A_334, %mul3A_335 : i32
        %get3A = arith.index_cast %mul3A_336 : i32 to index
        %get3A_337 = tpu.vector_load %arg7[%get3A] {strides = array<i32>} : memref<1024xf32, #tpu.memory_space<vmem>>, vector<16xf32>,
        %get3A_338 = vector.shape_cast %get3A_337 : vector<16xf32> to vector<16xf32>
        %get3A_339 = arith.index_cast %mul3A_336 : i32 to index
        %get3A_340 = tpu.vector_load %arg10[%get3A_339] {strides = array<i32>} : memref<1024xf32, #tpu.memory_space<vmem>>, vector<16xf32>,
        %get3A_341 = vector.shape_cast %get3A_340 : vector<16xf32> to vector<16xf32>
        %add3A_342 = arith.addf %get3A_338, %get3A_341 : vector<16xf32>
        %max3A = arith.constant 0.000000e+00 : f32
        %max3A_343 = vector.broadcast %max3A : f32 to vector<16xf32>
        %max3A_344 = arith.maximumf %add3A_342, %max3A_343 : vector<16xf32>
        %swap3A_345 = arith.index_cast %mul3A_336 : i32 to index
        %swap3A_346 = tpu.vector_load %arg11[%swap3A_345] {strides = array<i32>} : memref<1024xf32, #tpu.memory_space<vmem>>, vector<16xf32>,
        %swap3A_347 = vector.shape_cast %swap3A_346 : vector<16xf32> to vector<16xf32>
        %swap3A_348 = vector.shape_cast %max3A_344 : vector<16xf32> to vector<16xf32>
        tpu.vector_store %arg11[%swap3A_345], %swap3A_348 {strides = array<i32>} : memref<1024xf32, #tpu.memory_space<vmem>>, vector<16xf32>,
        %scan3A_349 = arith.constant 1 : i32
        %scan3A_350 = arith.addi %scan3A_334, %scan3A_349 : i32
        %mul3A_351 = arith.constant 16 : i32
        %mul3A_352 = arith.muli %scan3A_350, %mul3A_351 : i32
        %get3A_353 = arith.index_cast %mul3A_352 : i32 to index
        %get3A_354 = tpu.vector_load %arg7[%get3A_353] {strides = array<i32>} : memref<1024xf32, #tpu.memory_space<vmem>>, vector<16xf32>,
        %get3A_355 = vector.shape_cast %get3A_354 : vector<16xf32> to vector<16xf32>
        %get3A_356 = arith.index_cast %mul3A_352 : i32 to index
        %get3A_357 = tpu.vector_load %arg10[%get3A_356] {strides = array<i32>} : memref<1024xf32, #tpu.memory_space<vmem>>, vector<16xf32>,
        %get3A_358 = vector.shape_cast %get3A_357 : vector<16xf32> to vector<16xf32>
        %add3A_359 = arith.addf %get3A_355, %get3A_358 : vector<16xf32>
        %max3A_360 = arith.constant 0.000000e+00 : f32
        %max3A_361 = vector.broadcast %max3A_360 : f32 to vector<16xf32>
        %max3A_362 = arith.maximumf %add3A_359, %max3A_361 : vector<16xf32>
        %swap3A_363 = arith.index_cast %mul3A_352 : i32 to index
        %swap3A_364 = tpu.vector_load %arg11[%swap3A_363] {strides = array<i32>} : memref<1024xf32, #tpu.memory_space<vmem>>, vector<16xf32>,
        %swap3A_365 = vector.shape_cast %swap3A_364 : vector<16xf32> to vector<16xf32>
        %swap3A_366 = vector.shape_cast %max3A_362 : vector<16xf32> to vector<16xf32>
        tpu.vector_store %arg11[%swap3A_363], %swap3A_366 {strides = array<i32>} : memref<1024xf32, #tpu.memory_space<vmem>>, vector<16xf32>,
        %scan3A_367 = arith.constant 2 : i32
        %scan3A_368 = arith.addi %scan3A_334, %scan3A_367 : i32
        %mul3A_369 = arith.constant 16 : i32
        %mul3A_370 = arith.muli %scan3A_368, %mul3A_369 : i32
        %get3A_371 = arith.index_cast %mul3A_370 : i32 to index
        %get3A_372 = tpu.vector_load %arg7[%get3A_371] {strides = array<i32>} : memref<1024xf32, #tpu.memory_space<vmem>>, vector<16xf32>,
        %get3A_373 = vector.shape_cast %get3A_372 : vector<16xf32> to vector<16xf32>
        %get3A_374 = arith.index_cast %mul3A_370 : i32 to index
        %get3A_375 = tpu.vector_load %arg10[%get3A_374] {strides = array<i32>} : memref<1024xf32, #tpu.memory_space<vmem>>, vector<16xf32>,
        %get3A_376 = vector.shape_cast %get3A_375 : vector<16xf32> to vector<16xf32>
        %add3A_377 = arith.addf %get3A_373, %get3A_376 : vector<16xf32>
        %max3A_378 = arith.constant 0.000000e+00 : f32
        %max3A_379 = vector.broadcast %max3A_378 : f32 to vector<16xf32>
        %max3A_380 = arith.maximumf %add3A_377, %max3A_379 : vector<16xf32>
        %swap3A_381 = arith.index_cast %mul3A_370 : i32 to index
        %swap3A_382 = tpu.vector_load %arg11[%swap3A_381] {strides = array<i32>} : memref<1024xf32, #tpu.memory_space<vmem>>, vector<16xf32>,
        %swap3A_383 = vector.shape_cast %swap3A_382 : vector<16xf32> to vector<16xf32>
        %swap3A_384 = vector.shape_cast %max3A_380 : vector<16xf32> to vector<16xf32>
        tpu.vector_store %arg11[%swap3A_381], %swap3A_384 {strides = array<i32>} : memref<1024xf32, #tpu.memory_space<vmem>>, vector<16xf32>,
        %scan3A_385 = arith.constant 3 : i32
        %scan3A_386 = arith.addi %scan3A_334, %scan3A_385 : i32
        %mul3A_387 = arith.constant 16 : i32
        %mul3A_388 = arith.muli %scan3A_386, %mul3A_387 : i32
        %get3A_389 = arith.index_cast %mul3A_388 : i32 to index
        %get3A_390 = tpu.vector_load %arg7[%get3A_389] {strides = array<i32>} : memref<1024xf32, #tpu.memory_space<vmem>>, vector<16xf32>,
        %get3A_391 = vector.shape_cast %get3A_390 : vector<16xf32> to vector<16xf32>
        %get3A_392 = arith.index_cast %mul3A_388 : i32 to index
        %get3A_393 = tpu.vector_load %arg10[%get3A_392] {strides = array<i32>} : memref<1024xf32, #tpu.memory_space<vmem>>, vector<16xf32>,
        %get3A_394 = vector.shape_cast %get3A_393 : vector<16xf32> to vector<16xf32>
        %add3A_395 = arith.addf %get3A_391, %get3A_394 : vector<16xf32>
        %max3A_396 = arith.constant 0.000000e+00 : f32
        %max3A_397 = vector.broadcast %max3A_396 : f32 to vector<16xf32>
        %max3A_398 = arith.maximumf %add3A_395, %max3A_397 : vector<16xf32>
        %swap3A_399 = arith.index_cast %mul3A_388 : i32 to index
        %swap3A_400 = tpu.vector_load %arg11[%swap3A_399] {strides = array<i32>} : memref<1024xf32, #tpu.memory_space<vmem>>, vector<16xf32>,
        %swap3A_401 = vector.shape_cast %swap3A_400 : vector<16xf32> to vector<16xf32>
        %swap3A_402 = vector.shape_cast %max3A_398 : vector<16xf32> to vector<16xf32>
        tpu.vector_store %arg11[%swap3A_399], %swap3A_402 {strides = array<i32>} : memref<1024xf32, #tpu.memory_space<vmem>>, vector<16xf32>,
        %scan3A_403 = arith.constant 4 : i32
        %scan3A_404 = arith.addi %scan3A_334, %scan3A_403 : i32
        %mul3A_405 = arith.constant 16 : i32
        %mul3A_406 = arith.muli %scan3A_404, %mul3A_405 : i32
        %get3A_407 = arith.index_cast %mul3A_406 : i32 to index
        %get3A_408 = tpu.vector_load %arg7[%get3A_407] {strides = array<i32>} : memref<1024xf32, #tpu.memory_space<vmem>>, vector<16xf32>,
        %get3A_409 = vector.shape_cast %get3A_408 : vector<16xf32> to vector<16xf32>
        %get3A_410 = arith.index_cast %mul3A_406 : i32 to index
        %get3A_411 = tpu.vector_load %arg10[%get3A_410] {strides = array<i32>} : memref<1024xf32, #tpu.memory_space<vmem>>, vector<16xf32>,
        %get3A_412 = vector.shape_cast %get3A_411 : vector<16xf32> to vector<16xf32>
        %add3A_413 = arith.addf %get3A_409, %get3A_412 : vector<16xf32>
        %max3A_414 = arith.constant 0.000000e+00 : f32
        %max3A_415 = vector.broadcast %max3A_414 : f32 to vector<16xf32>
        %max3A_416 = arith.maximumf %add3A_413, %max3A_415 : vector<16xf32>
        %swap3A_417 = arith.index_cast %mul3A_406 : i32 to index
        %swap3A_418 = tpu.vector_load %arg11[%swap3A_417] {strides = array<i32>} : memref<1024xf32, #tpu.memory_space<vmem>>, vector<16xf32>,
        %swap3A_419 = vector.shape_cast %swap3A_418 : vector<16xf32> to vector<16xf32>
        %swap3A_420 = vector.shape_cast %max3A_416 : vector<16xf32> to vector<16xf32>
        tpu.vector_store %arg11[%swap3A_417], %swap3A_420 {strides = array<i32>} : memref<1024xf32, #tpu.memory_space<vmem>>, vector<16xf32>,
        %scan3A_421 = arith.constant 5 : i32
        %scan3A_422 = arith.addi %scan3A_334, %scan3A_421 : i32
        %mul3A_423 = arith.constant 16 : i32
        %mul3A_424 = arith.muli %scan3A_422, %mul3A_423 : i32
        %get3A_425 = arith.index_cast %mul3A_424 : i32 to index
        %get3A_426 = tpu.vector_load %arg7[%get3A_425] {strides = array<i32>} : memref<1024xf32, #tpu.memory_space<vmem>>, vector<16xf32>,
        %get3A_427 = vector.shape_cast %get3A_426 : vector<16xf32> to vector<16xf32>
        %get3A_428 = arith.index_cast %mul3A_424 : i32 to index
        %get3A_429 = tpu.vector_load %arg10[%get3A_428] {strides = array<i32>} : memref<1024xf32, #tpu.memory_space<vmem>>, vector<16xf32>,
        %get3A_430 = vector.shape_cast %get3A_429 : vector<16xf32> to vector<16xf32>
        %add3A_431 = arith.addf %get3A_427, %get3A_430 : vector<16xf32>
        %max3A_432 = arith.constant 0.000000e+00 : f32
        %max3A_433 = vector.broadcast %max3A_432 : f32 to vector<16xf32>
        %max3A_434 = arith.maximumf %add3A_431, %max3A_433 : vector<16xf32>
        %swap3A_435 = arith.index_cast %mul3A_424 : i32 to index
        %swap3A_436 = tpu.vector_load %arg11[%swap3A_435] {strides = array<i32>} : memref<1024xf32, #tpu.memory_space<vmem>>, vector<16xf32>,
        %swap3A_437 = vector.shape_cast %swap3A_436 : vector<16xf32> to vector<16xf32>
        %swap3A_438 = vector.shape_cast %max3A_434 : vector<16xf32> to vector<16xf32>
        tpu.vector_store %arg11[%swap3A_435], %swap3A_438 {strides = array<i32>} : memref<1024xf32, #tpu.memory_space<vmem>>, vector<16xf32>,
        %scan3A_439 = arith.constant 6 : i32
        %scan3A_440 = arith.addi %scan3A_334, %scan3A_439 : i32
        %mul3A_441 = arith.constant 16 : i32
        %mul3A_442 = arith.muli %scan3A_440, %mul3A_441 : i32
        %get3A_443 = arith.index_cast %mul3A_442 : i32 to index
        %get3A_444 = tpu.vector_load %arg7[%get3A_443] {strides = array<i32>} : memref<1024xf32, #tpu.memory_space<vmem>>, vector<16xf32>,
        %get3A_445 = vector.shape_cast %get3A_444 : vector<16xf32> to vector<16xf32>
        %get3A_446 = arith.index_cast %mul3A_442 : i32 to index
        %get3A_447 = tpu.vector_load %arg10[%get3A_446] {strides = array<i32>} : memref<1024xf32, #tpu.memory_space<vmem>>, vector<16xf32>,
        %get3A_448 = vector.shape_cast %get3A_447 : vector<16xf32> to vector<16xf32>
        %add3A_449 = arith.addf %get3A_445, %get3A_448 : vector<16xf32>
        %max3A_450 = arith.constant 0.000000e+00 : f32
        %max3A_451 = vector.broadcast %max3A_450 : f32 to vector<16xf32>
        %max3A_452 = arith.maximumf %add3A_449, %max3A_451 : vector<16xf32>
        %swap3A_453 = arith.index_cast %mul3A_442 : i32 to index
        %swap3A_454 = tpu.vector_load %arg11[%swap3A_453] {strides = array<i32>} : memref<1024xf32, #tpu.memory_space<vmem>>, vector<16xf32>,
        %swap3A_455 = vector.shape_cast %swap3A_454 : vector<16xf32> to vector<16xf32>
        %swap3A_456 = vector.shape_cast %max3A_452 : vector<16xf32> to vector<16xf32>
        tpu.vector_store %arg11[%swap3A_453], %swap3A_456 {strides = array<i32>} : memref<1024xf32, #tpu.memory_space<vmem>>, vector<16xf32>,
        %scan3A_457 = arith.constant 7 : i32
        %scan3A_458 = arith.addi %scan3A_334, %scan3A_457 : i32
        %mul3A_459 = arith.constant 16 : i32
        %mul3A_460 = arith.muli %scan3A_458, %mul3A_459 : i32
        %get3A_461 = arith.index_cast %mul3A_460 : i32 to index
        %get3A_462 = tpu.vector_load %arg7[%get3A_461] {strides = array<i32>} : memref<1024xf32, #tpu.memory_space<vmem>>, vector<16xf32>,
        %get3A_463 = vector.shape_cast %get3A_462 : vector<16xf32> to vector<16xf32>
        %get3A_464 = arith.index_cast %mul3A_460 : i32 to index
        %get3A_465 = tpu.vector_load %arg10[%get3A_464] {strides = array<i32>} : memref<1024xf32, #tpu.memory_space<vmem>>, vector<16xf32>,
        %get3A_466 = vector.shape_cast %get3A_465 : vector<16xf32> to vector<16xf32>
        %add3A_467 = arith.addf %get3A_463, %get3A_466 : vector<16xf32>
        %max3A_468 = arith.constant 0.000000e+00 : f32
        %max3A_469 = vector.broadcast %max3A_468 : f32 to vector<16xf32>
        %max3A_470 = arith.maximumf %add3A_467, %max3A_469 : vector<16xf32>
        %swap3A_471 = arith.index_cast %mul3A_460 : i32 to index
        %swap3A_472 = tpu.vector_load %arg11[%swap3A_471] {strides = array<i32>} : memref<1024xf32, #tpu.memory_space<vmem>>, vector<16xf32>,
        %swap3A_473 = vector.shape_cast %swap3A_472 : vector<16xf32> to vector<16xf32>
        %swap3A_474 = vector.shape_cast %max3A_470 : vector<16xf32> to vector<16xf32>
        tpu.vector_store %arg11[%swap3A_471], %swap3A_474 {strides = array<i32>} : memref<1024xf32, #tpu.memory_space<vmem>>, vector<16xf32>,
      }
      %scan3A_205 = arith.constant 64 : i32
      %dma_start3A_206 = arith.constant 0 : i32
      %dma_start3A_207 = arith.constant 0 : i32
      %dma_start3A_208 = tpu.memref_slice %arg11[%dma_start3A_207] : memref<1024xf32, #tpu.memory_space<vmem>> -> memref<128xf32, #tpu.memory_space<vmem>>
      %dma_start3A_209 = arith.constant 0 : i32
      %dma_start3A_210 = tpu.memref_slice %arg9[%dma_start3A_206, %dma_start3A_209] : memref<8x128xi32, #tpu.memory_space<vmem>> -> memref<1x128xi32, #tpu.memory_space<vmem>>
      %dma_start3A_211 = tpu.memref_squeeze %dma_start3A_210 : memref<1x128xi32, #tpu.memory_space<vmem>> -> memref<128xi32, #tpu.memory_space<vmem>>
      %dma_start3A_212 = arith.constant 0 : i32
      %dma_start3A_213 = tpu.memref_slice %arg13[%dma_start3A_212] : memref<50176xf32, #tpu.memory_space<vmem_shared>> -> memref<50176xf32, #tpu.memory_space<vmem_shared>>
      tpu.enqueue_indirect_dma source(%dma_start3A_208 : memref<128xf32, #tpu.memory_space<vmem>>) target(%dma_start3A_213 : memref<50176xf32, #tpu.memory_space<vmem_shared>>) offsets(%dma_start3A_211 : memref<128xi32, #tpu.memory_space<vmem>>) semaphore(%arg15 : memref<!tpu.dma_semaphore, #tpu.memory_space<semaphore_mem>>) {add = true}
      %dma_start3A_214 = arith.constant 1 : i32
      %dma_start3A_215 = arith.constant 128 : i32
      %dma_start3A_216 = tpu.memref_slice %arg11[%dma_start3A_215] : memref<1024xf32, #tpu.memory_space<vmem>> -> memref<128xf32, #tpu.memory_space<vmem>>
      %dma_start3A_217 = arith.constant 0 : i32
      %dma_start3A_218 = tpu.memref_slice %arg9[%dma_start3A_214, %dma_start3A_217] : memref<8x128xi32, #tpu.memory_space<vmem>> -> memref<1x128xi32, #tpu.memory_space<vmem>>
      %dma_start3A_219 = tpu.memref_squeeze %dma_start3A_218 : memref<1x128xi32, #tpu.memory_space<vmem>> -> memref<128xi32, #tpu.memory_space<vmem>>
      %dma_start3A_220 = arith.constant 0 : i32
      %dma_start3A_221 = tpu.memref_slice %arg13[%dma_start3A_220] : memref<50176xf32, #tpu.memory_space<vmem_shared>> -> memref<50176xf32, #tpu.memory_space<vmem_shared>>
      tpu.enqueue_indirect_dma source(%dma_start3A_216 : memref<128xf32, #tpu.memory_space<vmem>>) target(%dma_start3A_221 : memref<50176xf32, #tpu.memory_space<vmem_shared>>) offsets(%dma_start3A_219 : memref<128xi32, #tpu.memory_space<vmem>>) semaphore(%arg15 : memref<!tpu.dma_semaphore, #tpu.memory_space<semaphore_mem>>) {add = true}
      %dma_start3A_222 = arith.constant 2 : i32
      %dma_start3A_223 = arith.constant 256 : i32
      %dma_start3A_224 = tpu.memref_slice %arg11[%dma_start3A_223] : memref<1024xf32, #tpu.memory_space<vmem>> -> memref<128xf32, #tpu.memory_space<vmem>>
      %dma_start3A_225 = arith.constant 0 : i32
      %dma_start3A_226 = tpu.memref_slice %arg9[%dma_start3A_222, %dma_start3A_225] : memref<8x128xi32, #tpu.memory_space<vmem>> -> memref<1x128xi32, #tpu.memory_space<vmem>>
      %dma_start3A_227 = tpu.memref_squeeze %dma_start3A_226 : memref<1x128xi32, #tpu.memory_space<vmem>> -> memref<128xi32, #tpu.memory_space<vmem>>
      %dma_start3A_228 = arith.constant 0 : i32
      %dma_start3A_229 = tpu.memref_slice %arg13[%dma_start3A_228] : memref<50176xf32, #tpu.memory_space<vmem_shared>> -> memref<50176xf32, #tpu.memory_space<vmem_shared>>
      tpu.enqueue_indirect_dma source(%dma_start3A_224 : memref<128xf32, #tpu.memory_space<vmem>>) target(%dma_start3A_229 : memref<50176xf32, #tpu.memory_space<vmem_shared>>) offsets(%dma_start3A_227 : memref<128xi32, #tpu.memory_space<vmem>>) semaphore(%arg15 : memref<!tpu.dma_semaphore, #tpu.memory_space<semaphore_mem>>) {add = true}
      %dma_start3A_230 = arith.constant 3 : i32
      %dma_start3A_231 = arith.constant 384 : i32
      %dma_start3A_232 = tpu.memref_slice %arg11[%dma_start3A_231] : memref<1024xf32, #tpu.memory_space<vmem>> -> memref<128xf32, #tpu.memory_space<vmem>>
      %dma_start3A_233 = arith.constant 0 : i32
      %dma_start3A_234 = tpu.memref_slice %arg9[%dma_start3A_230, %dma_start3A_233] : memref<8x128xi32, #tpu.memory_space<vmem>> -> memref<1x128xi32, #tpu.memory_space<vmem>>
      %dma_start3A_235 = tpu.memref_squeeze %dma_start3A_234 : memref<1x128xi32, #tpu.memory_space<vmem>> -> memref<128xi32, #tpu.memory_space<vmem>>
      %dma_start3A_236 = arith.constant 0 : i32
      %dma_start3A_237 = tpu.memref_slice %arg13[%dma_start3A_236] : memref<50176xf32, #tpu.memory_space<vmem_shared>> -> memref<50176xf32, #tpu.memory_space<vmem_shared>>
      tpu.enqueue_indirect_dma source(%dma_start3A_232 : memref<128xf32, #tpu.memory_space<vmem>>) target(%dma_start3A_237 : memref<50176xf32, #tpu.memory_space<vmem_shared>>) offsets(%dma_start3A_235 : memref<128xi32, #tpu.memory_space<vmem>>) semaphore(%arg15 : memref<!tpu.dma_semaphore, #tpu.memory_space<semaphore_mem>>) {add = true}
      %dma_start3A_238 = arith.constant 4 : i32
      %dma_start3A_239 = arith.constant 512 : i32
      %dma_start3A_240 = tpu.memref_slice %arg11[%dma_start3A_239] : memref<1024xf32, #tpu.memory_space<vmem>> -> memref<128xf32, #tpu.memory_space<vmem>>
      %dma_start3A_241 = arith.constant 0 : i32
      %dma_start3A_242 = tpu.memref_slice %arg9[%dma_start3A_238, %dma_start3A_241] : memref<8x128xi32, #tpu.memory_space<vmem>> -> memref<1x128xi32, #tpu.memory_space<vmem>>
      %dma_start3A_243 = tpu.memref_squeeze %dma_start3A_242 : memref<1x128xi32, #tpu.memory_space<vmem>> -> memref<128xi32, #tpu.memory_space<vmem>>
      %dma_start3A_244 = arith.constant 0 : i32
      %dma_start3A_245 = tpu.memref_slice %arg13[%dma_start3A_244] : memref<50176xf32, #tpu.memory_space<vmem_shared>> -> memref<50176xf32, #tpu.memory_space<vmem_shared>>
      tpu.enqueue_indirect_dma source(%dma_start3A_240 : memref<128xf32, #tpu.memory_space<vmem>>) target(%dma_start3A_245 : memref<50176xf32, #tpu.memory_space<vmem_shared>>) offsets(%dma_start3A_243 : memref<128xi32, #tpu.memory_space<vmem>>) semaphore(%arg15 : memref<!tpu.dma_semaphore, #tpu.memory_space<semaphore_mem>>) {add = true}
      %dma_start3A_246 = arith.constant 5 : i32
      %dma_start3A_247 = arith.constant 640 : i32
      %dma_start3A_248 = tpu.memref_slice %arg11[%dma_start3A_247] : memref<1024xf32, #tpu.memory_space<vmem>> -> memref<128xf32, #tpu.memory_space<vmem>>
      %dma_start3A_249 = arith.constant 0 : i32
      %dma_start3A_250 = tpu.memref_slice %arg9[%dma_start3A_246, %dma_start3A_249] : memref<8x128xi32, #tpu.memory_space<vmem>> -> memref<1x128xi32, #tpu.memory_space<vmem>>
      %dma_start3A_251 = tpu.memref_squeeze %dma_start3A_250 : memref<1x128xi32, #tpu.memory_space<vmem>> -> memref<128xi32, #tpu.memory_space<vmem>>
      %dma_start3A_252 = arith.constant 0 : i32
      %dma_start3A_253 = tpu.memref_slice %arg13[%dma_start3A_252] : memref<50176xf32, #tpu.memory_space<vmem_shared>> -> memref<50176xf32, #tpu.memory_space<vmem_shared>>
      tpu.enqueue_indirect_dma source(%dma_start3A_248 : memref<128xf32, #tpu.memory_space<vmem>>) target(%dma_start3A_253 : memref<50176xf32, #tpu.memory_space<vmem_shared>>) offsets(%dma_start3A_251 : memref<128xi32, #tpu.memory_space<vmem>>) semaphore(%arg15 : memref<!tpu.dma_semaphore, #tpu.memory_space<semaphore_mem>>) {add = true}
      %dma_start3A_254 = arith.constant 6 : i32
      %dma_start3A_255 = arith.constant 768 : i32
      %dma_start3A_256 = tpu.memref_slice %arg11[%dma_start3A_255] : memref<1024xf32, #tpu.memory_space<vmem>> -> memref<128xf32, #tpu.memory_space<vmem>>
      %dma_start3A_257 = arith.constant 0 : i32
      %dma_start3A_258 = tpu.memref_slice %arg9[%dma_start3A_254, %dma_start3A_257] : memref<8x128xi32, #tpu.memory_space<vmem>> -> memref<1x128xi32, #tpu.memory_space<vmem>>
      %dma_start3A_259 = tpu.memref_squeeze %dma_start3A_258 : memref<1x128xi32, #tpu.memory_space<vmem>> -> memref<128xi32, #tpu.memory_space<vmem>>
      %dma_start3A_260 = arith.constant 0 : i32
      %dma_start3A_261 = tpu.memref_slice %arg13[%dma_start3A_260] : memref<50176xf32, #tpu.memory_space<vmem_shared>> -> memref<50176xf32, #tpu.memory_space<vmem_shared>>
      tpu.enqueue_indirect_dma source(%dma_start3A_256 : memref<128xf32, #tpu.memory_space<vmem>>) target(%dma_start3A_261 : memref<50176xf32, #tpu.memory_space<vmem_shared>>) offsets(%dma_start3A_259 : memref<128xi32, #tpu.memory_space<vmem>>) semaphore(%arg15 : memref<!tpu.dma_semaphore, #tpu.memory_space<semaphore_mem>>) {add = true}
      %dma_start3A_262 = arith.constant 7 : i32
      %dma_start3A_263 = arith.constant 896 : i32
      %dma_start3A_264 = tpu.memref_slice %arg11[%dma_start3A_263] : memref<1024xf32, #tpu.memory_space<vmem>> -> memref<128xf32, #tpu.memory_space<vmem>>
      %dma_start3A_265 = arith.constant 0 : i32
      %dma_start3A_266 = tpu.memref_slice %arg9[%dma_start3A_262, %dma_start3A_265] : memref<8x128xi32, #tpu.memory_space<vmem>> -> memref<1x128xi32, #tpu.memory_space<vmem>>
      %dma_start3A_267 = tpu.memref_squeeze %dma_start3A_266 : memref<1x128xi32, #tpu.memory_space<vmem>> -> memref<128xi32, #tpu.memory_space<vmem>>
      %dma_start3A_268 = arith.constant 0 : i32
      %dma_start3A_269 = tpu.memref_slice %arg13[%dma_start3A_268] : memref<50176xf32, #tpu.memory_space<vmem_shared>> -> memref<50176xf32, #tpu.memory_space<vmem_shared>>
      tpu.enqueue_indirect_dma source(%dma_start3A_264 : memref<128xf32, #tpu.memory_space<vmem>>) target(%dma_start3A_269 : memref<50176xf32, #tpu.memory_space<vmem_shared>>) offsets(%dma_start3A_267 : memref<128xi32, #tpu.memory_space<vmem>>) semaphore(%arg15 : memref<!tpu.dma_semaphore, #tpu.memory_space<semaphore_mem>>) {add = true}
      %dma_wait3A_270 = arith.constant 0 : i32
      %dma_wait3A_271 = arith.constant 0 : i32
      %dma_wait3A_272 = tpu.memref_slice %arg11[%dma_wait3A_271] : memref<1024xf32, #tpu.memory_space<vmem>> -> memref<128xf32, #tpu.memory_space<vmem>>
      %dma_wait3A_273 = arith.constant 0 : i32
      %dma_wait3A_274 = tpu.memref_slice %arg9[%dma_wait3A_270, %dma_wait3A_273] : memref<8x128xi32, #tpu.memory_space<vmem>> -> memref<1x128xi32, #tpu.memory_space<vmem>>
      %dma_wait3A_275 = tpu.memref_squeeze %dma_wait3A_274 : memref<1x128xi32, #tpu.memory_space<vmem>> -> memref<128xi32, #tpu.memory_space<vmem>>
      %dma_wait3A_276 = arith.constant 0 : i32
      %dma_wait3A_277 = tpu.memref_slice %arg13[%dma_wait3A_276] : memref<50176xf32, #tpu.memory_space<vmem_shared>> -> memref<50176xf32, #tpu.memory_space<vmem_shared>>
      tpu.wait_indirect_dma semaphore(%arg15 : memref<!tpu.dma_semaphore, #tpu.memory_space<semaphore_mem>>) src(%dma_wait3A_272 : memref<128xf32, #tpu.memory_space<vmem>>) dst(%dma_wait3A_277 : memref<50176xf32, #tpu.memory_space<vmem_shared>>)
      %dma_wait3A_278 = arith.constant 1 : i32
      %dma_wait3A_279 = arith.constant 128 : i32
      %dma_wait3A_280 = tpu.memref_slice %arg11[%dma_wait3A_279] : memref<1024xf32, #tpu.memory_space<vmem>> -> memref<128xf32, #tpu.memory_space<vmem>>
      %dma_wait3A_281 = arith.constant 0 : i32
      %dma_wait3A_282 = tpu.memref_slice %arg9[%dma_wait3A_278, %dma_wait3A_281] : memref<8x128xi32, #tpu.memory_space<vmem>> -> memref<1x128xi32, #tpu.memory_space<vmem>>
      %dma_wait3A_283 = tpu.memref_squeeze %dma_wait3A_282 : memref<1x128xi32, #tpu.memory_space<vmem>> -> memref<128xi32, #tpu.memory_space<vmem>>
      %dma_wait3A_284 = arith.constant 0 : i32
      %dma_wait3A_285 = tpu.memref_slice %arg13[%dma_wait3A_284] : memref<50176xf32, #tpu.memory_space<vmem_shared>> -> memref<50176xf32, #tpu.memory_space<vmem_shared>>
      tpu.wait_indirect_dma semaphore(%arg15 : memref<!tpu.dma_semaphore, #tpu.memory_space<semaphore_mem>>) src(%dma_wait3A_280 : memref<128xf32, #tpu.memory_space<vmem>>) dst(%dma_wait3A_285 : memref<50176xf32, #tpu.memory_space<vmem_shared>>)
      %dma_wait3A_286 = arith.constant 2 : i32
      %dma_wait3A_287 = arith.constant 256 : i32
      %dma_wait3A_288 = tpu.memref_slice %arg11[%dma_wait3A_287] : memref<1024xf32, #tpu.memory_space<vmem>> -> memref<128xf32, #tpu.memory_space<vmem>>
      %dma_wait3A_289 = arith.constant 0 : i32
      %dma_wait3A_290 = tpu.memref_slice %arg9[%dma_wait3A_286, %dma_wait3A_289] : memref<8x128xi32, #tpu.memory_space<vmem>> -> memref<1x128xi32, #tpu.memory_space<vmem>>
      %dma_wait3A_291 = tpu.memref_squeeze %dma_wait3A_290 : memref<1x128xi32, #tpu.memory_space<vmem>> -> memref<128xi32, #tpu.memory_space<vmem>>
      %dma_wait3A_292 = arith.constant 0 : i32
      %dma_wait3A_293 = tpu.memref_slice %arg13[%dma_wait3A_292] : memref<50176xf32, #tpu.memory_space<vmem_shared>> -> memref<50176xf32, #tpu.memory_space<vmem_shared>>
      tpu.wait_indirect_dma semaphore(%arg15 : memref<!tpu.dma_semaphore, #tpu.memory_space<semaphore_mem>>) src(%dma_wait3A_288 : memref<128xf32, #tpu.memory_space<vmem>>) dst(%dma_wait3A_293 : memref<50176xf32, #tpu.memory_space<vmem_shared>>)
      %dma_wait3A_294 = arith.constant 3 : i32
      %dma_wait3A_295 = arith.constant 384 : i32
      %dma_wait3A_296 = tpu.memref_slice %arg11[%dma_wait3A_295] : memref<1024xf32, #tpu.memory_space<vmem>> -> memref<128xf32, #tpu.memory_space<vmem>>
      %dma_wait3A_297 = arith.constant 0 : i32
      %dma_wait3A_298 = tpu.memref_slice %arg9[%dma_wait3A_294, %dma_wait3A_297] : memref<8x128xi32, #tpu.memory_space<vmem>> -> memref<1x128xi32, #tpu.memory_space<vmem>>
      %dma_wait3A_299 = tpu.memref_squeeze %dma_wait3A_298 : memref<1x128xi32, #tpu.memory_space<vmem>> -> memref<128xi32, #tpu.memory_space<vmem>>
      %dma_wait3A_300 = arith.constant 0 : i32
      %dma_wait3A_301 = tpu.memref_slice %arg13[%dma_wait3A_300] : memref<50176xf32, #tpu.memory_space<vmem_shared>> -> memref<50176xf32, #tpu.memory_space<vmem_shared>>
      tpu.wait_indirect_dma semaphore(%arg15 : memref<!tpu.dma_semaphore, #tpu.memory_space<semaphore_mem>>) src(%dma_wait3A_296 : memref<128xf32, #tpu.memory_space<vmem>>) dst(%dma_wait3A_301 : memref<50176xf32, #tpu.memory_space<vmem_shared>>)
      %dma_wait3A_302 = arith.constant 4 : i32
      %dma_wait3A_303 = arith.constant 512 : i32
      %dma_wait3A_304 = tpu.memref_slice %arg11[%dma_wait3A_303] : memref<1024xf32, #tpu.memory_space<vmem>> -> memref<128xf32, #tpu.memory_space<vmem>>
      %dma_wait3A_305 = arith.constant 0 : i32
      %dma_wait3A_306 = tpu.memref_slice %arg9[%dma_wait3A_302, %dma_wait3A_305] : memref<8x128xi32, #tpu.memory_space<vmem>> -> memref<1x128xi32, #tpu.memory_space<vmem>>
      %dma_wait3A_307 = tpu.memref_squeeze %dma_wait3A_306 : memref<1x128xi32, #tpu.memory_space<vmem>> -> memref<128xi32, #tpu.memory_space<vmem>>
      %dma_wait3A_308 = arith.constant 0 : i32
      %dma_wait3A_309 = tpu.memref_slice %arg13[%dma_wait3A_308] : memref<50176xf32, #tpu.memory_space<vmem_shared>> -> memref<50176xf32, #tpu.memory_space<vmem_shared>>
      tpu.wait_indirect_dma semaphore(%arg15 : memref<!tpu.dma_semaphore, #tpu.memory_space<semaphore_mem>>) src(%dma_wait3A_304 : memref<128xf32, #tpu.memory_space<vmem>>) dst(%dma_wait3A_309 : memref<50176xf32, #tpu.memory_space<vmem_shared>>)
      %dma_wait3A_310 = arith.constant 5 : i32
      %dma_wait3A_311 = arith.constant 640 : i32
      %dma_wait3A_312 = tpu.memref_slice %arg11[%dma_wait3A_311] : memref<1024xf32, #tpu.memory_space<vmem>> -> memref<128xf32, #tpu.memory_space<vmem>>
      %dma_wait3A_313 = arith.constant 0 : i32
      %dma_wait3A_314 = tpu.memref_slice %arg9[%dma_wait3A_310, %dma_wait3A_313] : memref<8x128xi32, #tpu.memory_space<vmem>> -> memref<1x128xi32, #tpu.memory_space<vmem>>
      %dma_wait3A_315 = tpu.memref_squeeze %dma_wait3A_314 : memref<1x128xi32, #tpu.memory_space<vmem>> -> memref<128xi32, #tpu.memory_space<vmem>>
      %dma_wait3A_316 = arith.constant 0 : i32
      %dma_wait3A_317 = tpu.memref_slice %arg13[%dma_wait3A_316] : memref<50176xf32, #tpu.memory_space<vmem_shared>> -> memref<50176xf32, #tpu.memory_space<vmem_shared>>
      tpu.wait_indirect_dma semaphore(%arg15 : memref<!tpu.dma_semaphore, #tpu.memory_space<semaphore_mem>>) src(%dma_wait3A_312 : memref<128xf32, #tpu.memory_space<vmem>>) dst(%dma_wait3A_317 : memref<50176xf32, #tpu.memory_space<vmem_shared>>)
      %dma_wait3A_318 = arith.constant 6 : i32
      %dma_wait3A_319 = arith.constant 768 : i32
      %dma_wait3A_320 = tpu.memref_slice %arg11[%dma_wait3A_319] : memref<1024xf32, #tpu.memory_space<vmem>> -> memref<128xf32, #tpu.memory_space<vmem>>
      %dma_wait3A_321 = arith.constant 0 : i32
      %dma_wait3A_322 = tpu.memref_slice %arg9[%dma_wait3A_318, %dma_wait3A_321] : memref<8x128xi32, #tpu.memory_space<vmem>> -> memref<1x128xi32, #tpu.memory_space<vmem>>
      %dma_wait3A_323 = tpu.memref_squeeze %dma_wait3A_322 : memref<1x128xi32, #tpu.memory_space<vmem>> -> memref<128xi32, #tpu.memory_space<vmem>>
      %dma_wait3A_324 = arith.constant 0 : i32
      %dma_wait3A_325 = tpu.memref_slice %arg13[%dma_wait3A_324] : memref<50176xf32, #tpu.memory_space<vmem_shared>> -> memref<50176xf32, #tpu.memory_space<vmem_shared>>
      tpu.wait_indirect_dma semaphore(%arg15 : memref<!tpu.dma_semaphore, #tpu.memory_space<semaphore_mem>>) src(%dma_wait3A_320 : memref<128xf32, #tpu.memory_space<vmem>>) dst(%dma_wait3A_325 : memref<50176xf32, #tpu.memory_space<vmem_shared>>)
      %dma_wait3A_326 = arith.constant 7 : i32
      %dma_wait3A_327 = arith.constant 896 : i32
      %dma_wait3A_328 = tpu.memref_slice %arg11[%dma_wait3A_327] : memref<1024xf32, #tpu.memory_space<vmem>> -> memref<128xf32, #tpu.memory_space<vmem>>
      %dma_wait3A_329 = arith.constant 0 : i32
      %dma_wait3A_330 = tpu.memref_slice %arg9[%dma_wait3A_326, %dma_wait3A_329] : memref<8x128xi32, #tpu.memory_space<vmem>> -> memref<1x128xi32, #tpu.memory_space<vmem>>
      %dma_wait3A_331 = tpu.memref_squeeze %dma_wait3A_330 : memref<1x128xi32, #tpu.memory_space<vmem>> -> memref<128xi32, #tpu.memory_space<vmem>>
      %dma_wait3A_332 = arith.constant 0 : i32
      %dma_wait3A_333 = tpu.memref_slice %arg13[%dma_wait3A_332] : memref<50176xf32, #tpu.memory_space<vmem_shared>> -> memref<50176xf32, #tpu.memory_space<vmem_shared>>
      tpu.wait_indirect_dma semaphore(%arg15 : memref<!tpu.dma_semaphore, #tpu.memory_space<semaphore_mem>>) src(%dma_wait3A_328 : memref<128xf32, #tpu.memory_space<vmem>>) dst(%dma_wait3A_333 : memref<50176xf32, #tpu.memory_space<vmem_shared>>)
    }
    %scan3A_61 = arith.constant 25 : i32
    %barrier3A_62 = arith.constant 0 : index
    tpu.barrier barrier_id(%barrier3A_62)
    %mul3A_63 = arith.constant 3136 : i32
    %mul3A_64 = arith.muli %arg1, %mul3A_63 : i32
    "tpu.region"() ({
      %run_scoped3A = tpu.sem_alloc : memref<!tpu.dma_semaphore, #tpu.memory_space<semaphore_mem>>
      %dma_start3A = tpu.memref_slice %arg13[%mul3A_64] : memref<50176xf32, #tpu.memory_space<vmem_shared>> -> memref<3136xf32, #tpu.memory_space<vmem_shared>>
      %dma_start3A_68 = tpu.memref_slice %arg13[%mul3A_64] : memref<50176xf32, #tpu.memory_space<vmem_shared>> -> memref<3136xf32, #tpu.memory_space<vmem_shared>>
      tpu.enqueue_dma source(%dma_start3A_68 : memref<3136xf32, #tpu.memory_space<vmem_shared>>) target(%arg12 : memref<3136xf32, #tpu.memory_space<vmem>>) target_semaphore(%run_scoped3A : memref<!tpu.dma_semaphore, #tpu.memory_space<semaphore_mem>>)
      %dma_wait3A = tpu.memref_slice %arg13[%mul3A_64] : memref<50176xf32, #tpu.memory_space<vmem_shared>> -> memref<3136xf32, #tpu.memory_space<vmem_shared>>
      %dma_wait3A_69 = tpu.memref_slice %arg13[%mul3A_64] : memref<50176xf32, #tpu.memory_space<vmem_shared>> -> memref<3136xf32, #tpu.memory_space<vmem_shared>>
      tpu.wait_dma2 semaphore(%run_scoped3A : memref<!tpu.dma_semaphore, #tpu.memory_space<semaphore_mem>>) src(%dma_wait3A_69 : memref<3136xf32, #tpu.memory_space<vmem_shared>>) dst(%arg12 : memref<3136xf32, #tpu.memory_space<vmem>>)
      tpu.yield
    }) : () -> ()
    %mul3A_65 = arith.constant 50176 : i32
    %mul3A_66 = arith.muli %arg0, %mul3A_65 : i32
    %add3A_67 = arith.addi %mul3A_66, %mul3A_64 : i32
    "tpu.region"() ({
      %run_scoped3A = tpu.sem_alloc : memref<!tpu.dma_semaphore, #tpu.memory_space<semaphore_mem>>
      %dma_start3A = tpu.memref_slice %arg6[%add3A_67] : memref<100352xf32, #tpu.memory_space<hbm>> -> memref<3136xf32, #tpu.memory_space<hbm>>
      %dma_start3A_68 = tpu.memref_slice %arg6[%add3A_67] : memref<100352xf32, #tpu.memory_space<hbm>> -> memref<3136xf32, #tpu.memory_space<hbm>>
      tpu.enqueue_dma source(%arg12 : memref<3136xf32, #tpu.memory_space<vmem>>) target(%dma_start3A_68 : memref<3136xf32, #tpu.memory_space<hbm>>) target_semaphore(%run_scoped3A : memref<!tpu.dma_semaphore, #tpu.memory_space<semaphore_mem>>)
      %dma_wait3A = tpu.memref_slice %arg6[%add3A_67] : memref<100352xf32, #tpu.memory_space<hbm>> -> memref<3136xf32, #tpu.memory_space<hbm>>
      %dma_wait3A_69 = tpu.memref_slice %arg6[%add3A_67] : memref<100352xf32, #tpu.memory_space<hbm>> -> memref<3136xf32, #tpu.memory_space<hbm>>
      tpu.wait_dma2 semaphore(%run_scoped3A : memref<!tpu.dma_semaphore, #tpu.memory_space<semaphore_mem>>) src(%arg12 : memref<3136xf32, #tpu.memory_space<vmem>>) dst(%dma_wait3A_69 : memref<3136xf32, #tpu.memory_space<hbm>>)
      tpu.yield
    }) : () -> ()
    return
  }
}

module attributes {stable_mosaic.version = 14 : i64} {
  func.func @_proj_body(%arg0: i32, %arg1: memref<3200x16xf32, #tpu.memory_space<vmem>>, %arg2: memref<16x1xf32, #tpu.memory_space<vmem>>, %arg3: memref<1x1xf32, #tpu.memory_space<vmem>>, %arg4: memref<16x64xf32, #tpu.memory_space<vmem>>, %arg5: memref<1x64xf32, #tpu.memory_space<vmem>>, %arg6: memref<3200x1xf32, #tpu.memory_space<vmem>>, %arg7: memref<3200x32xf32, #tpu.memory_space<vmem>>, %arg8: memref<3200x32xf32, #tpu.memory_space<vmem>>) attributes {dimension_semantics = [#tpu.dimension_semantics<arbitrary>], iteration_bounds = array<i64: 250>, scalar_prefetch = 0 : i64, scratch_operands = 0 : i64, tpu.core_type = #tpu.core_type<tc>, window_params = [{transform_indices = @transform_0, window_bounds = array<i64: 3200, 16>}, {pipeline_mode = #tpu.pipeline_mode<synchronous>, transform_indices = @transform_1, window_bounds = array<i64: 16, 1>}, {pipeline_mode = #tpu.pipeline_mode<synchronous>, transform_indices = @transform_2, window_bounds = array<i64: 1, 1>}, {pipeline_mode = #tpu.pipeline_mode<synchronous>, transform_indices = @transform_3, window_bounds = array<i64: 16, 64>}, {pipeline_mode = #tpu.pipeline_mode<synchronous>, transform_indices = @transform_4, window_bounds = array<i64: 1, 64>}, {transform_indices = @transform_5, window_bounds = array<i64: 3200, 1>}, {transform_indices = @transform_6, window_bounds = array<i64: 3200, 32>}, {transform_indices = @transform_7, window_bounds = array<i64: 3200, 32>}]} {
    %get3A = arith.constant 0 : index
    %get3A_0 = arith.constant 0 : index
    %get3A_1 = vector.load %arg1[%get3A, %get3A_0] : memref<3200x16xf32, #tpu.memory_space<vmem>>, vector<3200x16xf32>
    %get3A_2 = arith.constant 0 : index
    %get3A_3 = arith.constant 0 : index
    %get3A_4 = vector.load %arg2[%get3A_2, %get3A_3] : memref<16x1xf32, #tpu.memory_space<vmem>>, vector<16x1xf32>
    %dot_general3A = arith.constant dense<0.000000e+00> : vector<3200x1xf32>
    %dot_general3A_5 = tpu.matmul %get3A_1, %get3A_4, %dot_general3A {dimension_numbers = #tpu.dot_dimension_numbers<[1], [0], [0], [1], [0, 0, 1, 1], [], []>, transpose_lhs_hint = false} : vector<3200x16xf32>, vector<16x1xf32>, vector<3200x1xf32> -> vector<3200x1xf32>
    %get3A_6 = arith.constant 0 : index
    %get3A_7 = arith.constant 0 : index
    %get3A_8 = vector.load %arg3[%get3A_6, %get3A_7] : memref<1x1xf32, #tpu.memory_space<vmem>>, vector<1x1xf32>
    %add3A = vector.broadcast %get3A_8 : vector<1x1xf32> to vector<3200x1xf32>
    %add3A_9 = arith.addf %dot_general3A_5, %add3A : vector<3200x1xf32>
    %swap3A = arith.constant 0 : index
    %swap3A_10 = arith.constant 0 : index
    %swap3A_11 = vector.load %arg6[%swap3A, %swap3A_10] : memref<3200x1xf32, #tpu.memory_space<vmem>>, vector<3200x1xf32>
    tpu.vector_store %arg6[%swap3A, %swap3A_10], %add3A_9 {strides = array<i32>} : memref<3200x1xf32, #tpu.memory_space<vmem>>, vector<3200x1xf32>,
    %get3A_12 = arith.constant 0 : index
    %get3A_13 = arith.constant 0 : index
    %get3A_14 = vector.load %arg4[%get3A_12, %get3A_13] : memref<16x64xf32, #tpu.memory_space<vmem>>, vector<16x64xf32>
    %dot_general3A_15 = arith.constant dense<0.000000e+00> : vector<3200x64xf32>
    %dot_general3A_16 = tpu.matmul %get3A_1, %get3A_14, %dot_general3A_15 {dimension_numbers = #tpu.dot_dimension_numbers<[1], [0], [0], [1], [0, 0, 1, 1], [], []>, transpose_lhs_hint = false} : vector<3200x16xf32>, vector<16x64xf32>, vector<3200x64xf32> -> vector<3200x64xf32>
    %get3A_17 = arith.constant 0 : index
    %get3A_18 = arith.constant 0 : index
    %get3A_19 = vector.load %arg5[%get3A_17, %get3A_18] : memref<1x64xf32, #tpu.memory_space<vmem>>, vector<1x64xf32>
    %add3A_20 = vector.broadcast %get3A_19 : vector<1x64xf32> to vector<3200x64xf32>
    %add3A_21 = arith.addf %dot_general3A_16, %add3A_20 : vector<3200x64xf32>
    %slice3A = vector.extract_strided_slice %add3A_21 {offsets = [0, 0], sizes = [3200, 32], strides = [1, 1]} : vector<3200x64xf32> to vector<3200x32xf32>
    %swap3A_22 = arith.constant 0 : index
    %swap3A_23 = arith.constant 0 : index
    %swap3A_24 = vector.load %arg7[%swap3A_22, %swap3A_23] : memref<3200x32xf32, #tpu.memory_space<vmem>>, vector<3200x32xf32>
    tpu.vector_store %arg7[%swap3A_22, %swap3A_23], %slice3A {strides = array<i32>} : memref<3200x32xf32, #tpu.memory_space<vmem>>, vector<3200x32xf32>,
    %slice3A_25 = vector.extract_strided_slice %add3A_21 {offsets = [0, 32], sizes = [3200, 32], strides = [1, 1]} : vector<3200x64xf32> to vector<3200x32xf32>
    %swap3A_26 = arith.constant 0 : index
    %swap3A_27 = arith.constant 0 : index
    %swap3A_28 = vector.load %arg8[%swap3A_26, %swap3A_27] : memref<3200x32xf32, #tpu.memory_space<vmem>>, vector<3200x32xf32>
    tpu.vector_store %arg8[%swap3A_26, %swap3A_27], %slice3A_25 {strides = array<i32>} : memref<3200x32xf32, #tpu.memory_space<vmem>>, vector<3200x32xf32>,
    return
  }
  func.func @transform_0(%arg0: i32) -> (i32, i32) {
    %c0_i32 = arith.constant 0 : i32
    %c0_i32_0 = arith.constant 0 : i32
    return %arg0, %c0_i32 : i32, i32
  }
  func.func @transform_1(%arg0: i32) -> (i32, i32) {
    %c0_i32 = arith.constant 0 : i32
    %c0_i32_0 = arith.constant 0 : i32
    %c0_i32_1 = arith.constant 0 : i32
    return %c0_i32, %c0_i32_0 : i32, i32
  }
  func.func @transform_2(%arg0: i32) -> (i32, i32) {
    %c0_i32 = arith.constant 0 : i32
    %c0_i32_0 = arith.constant 0 : i32
    %c0_i32_1 = arith.constant 0 : i32
    return %c0_i32, %c0_i32_0 : i32, i32
  }
  func.func @transform_3(%arg0: i32) -> (i32, i32) {
    %c0_i32 = arith.constant 0 : i32
    %c0_i32_0 = arith.constant 0 : i32
    %c0_i32_1 = arith.constant 0 : i32
    return %c0_i32, %c0_i32_0 : i32, i32
  }
  func.func @transform_4(%arg0: i32) -> (i32, i32) {
    %c0_i32 = arith.constant 0 : i32
    %c0_i32_0 = arith.constant 0 : i32
    %c0_i32_1 = arith.constant 0 : i32
    return %c0_i32, %c0_i32_0 : i32, i32
  }
  func.func @transform_5(%arg0: i32) -> (i32, i32) {
    %c0_i32 = arith.constant 0 : i32
    %c0_i32_0 = arith.constant 0 : i32
    return %arg0, %c0_i32 : i32, i32
  }
  func.func @transform_6(%arg0: i32) -> (i32, i32) {
    %c0_i32 = arith.constant 0 : i32
    %c0_i32_0 = arith.constant 0 : i32
    return %arg0, %c0_i32 : i32, i32
  }
  func.func @transform_7(%arg0: i32) -> (i32, i32) {
    %c0_i32 = arith.constant 0 : i32
    %c0_i32_0 = arith.constant 0 : i32
    return %arg0, %c0_i32 : i32, i32
  }
}

module attributes {stable_mosaic.version = 14 : i64} {
  func.func @_mlp1_body(%arg0: i32, %arg1: memref<2000x1xf32, #tpu.memory_space<vmem>>, %arg2: memref<2x2000x1xf32, #tpu.memory_space<vmem>>, %arg3: memref<1x1xf32, #tpu.memory_space<vmem>>, %arg4: memref<1x64xf32, #tpu.memory_space<vmem>>, %arg5: memref<1x64xf32, #tpu.memory_space<vmem>>, %arg6: memref<64x64xf32, #tpu.memory_space<vmem>>, %arg7: memref<1x64xf32, #tpu.memory_space<vmem>>, %arg8: memref<2000x128xf32, #tpu.memory_space<vmem>>) attributes {dimension_semantics = [#tpu.dimension_semantics<arbitrary>], iteration_bounds = array<i64: 25>, scalar_prefetch = 0 : i64, scratch_operands = 0 : i64, tpu.core_type = #tpu.core_type<tc>, window_params = [{transform_indices = @transform_0, window_bounds = array<i64: 2000, 1>}, {transform_indices = @transform_1, window_bounds = array<i64: 2, 2000, 1>}, {pipeline_mode = #tpu.pipeline_mode<synchronous>, transform_indices = @transform_2, window_bounds = array<i64: 1, 1>}, {pipeline_mode = #tpu.pipeline_mode<synchronous>, transform_indices = @transform_3, window_bounds = array<i64: 1, 64>}, {pipeline_mode = #tpu.pipeline_mode<synchronous>, transform_indices = @transform_4, window_bounds = array<i64: 1, 64>}, {pipeline_mode = #tpu.pipeline_mode<synchronous>, transform_indices = @transform_5, window_bounds = array<i64: 64, 64>}, {pipeline_mode = #tpu.pipeline_mode<synchronous>, transform_indices = @transform_6, window_bounds = array<i64: 1, 64>}, {transform_indices = @transform_7, window_bounds = array<i64: 2000, 128>}]} {
    %get3A = arith.constant 0 : index
    %get3A_0 = arith.constant 0 : index
    %get3A_1 = vector.load %arg3[%get3A, %get3A_0] : memref<1x1xf32, #tpu.memory_space<vmem>>, vector<1x1xf32>
    %get3A_2 = vector.extract %get3A_1[0, 0] : f32 from vector<1x1xf32>
    %add3A = arith.constant 1.000000e+00 : f32
    %add3A_3 = arith.addf %add3A, %get3A_2 : f32
    %get3A_4 = arith.constant 0 : index
    %get3A_5 = arith.constant 0 : index
    %get3A_6 = vector.load %arg1[%get3A_4, %get3A_5] : memref<2000x1xf32, #tpu.memory_space<vmem>>, vector<2000x1xf32>
    %mul3A = vector.broadcast %add3A_3 : f32 to vector<2000x1xf32>
    %mul3A_7 = arith.mulf %mul3A, %get3A_6 : vector<2000x1xf32>
    %get3A_8 = arith.constant 0 : index
    %get3A_9 = arith.constant 0 : index
    %get3A_10 = arith.constant 0 : index
    %get3A_11 = vector.load %arg2[%get3A_8, %get3A_9, %get3A_10] : memref<2x2000x1xf32, #tpu.memory_space<vmem>>, vector<1x2000x1xf32>
    %get3A_12 = vector.shape_cast %get3A_11 : vector<1x2000x1xf32> to vector<2000x1xf32>
    %add3A_13 = arith.addf %mul3A_7, %get3A_12 : vector<2000x1xf32>
    %get3A_14 = arith.constant 1 : index
    %get3A_15 = arith.constant 0 : index
    %get3A_16 = arith.constant 0 : index
    %get3A_17 = vector.load %arg2[%get3A_14, %get3A_15, %get3A_16] : memref<2x2000x1xf32, #tpu.memory_space<vmem>>, vector<1x2000x1xf32>
    %get3A_18 = vector.shape_cast %get3A_17 : vector<1x2000x1xf32> to vector<2000x1xf32>
    %add3A_19 = arith.addf %add3A_13, %get3A_18 : vector<2000x1xf32>
    %get3A_20 = arith.constant 0 : index
    %get3A_21 = arith.constant 0 : index
    %get3A_22 = vector.load %arg4[%get3A_20, %get3A_21] : memref<1x64xf32, #tpu.memory_space<vmem>>, vector<1x64xf32>
    %mul3A_23 = vector.broadcast %add3A_19 : vector<2000x1xf32> to vector<2000x64xf32>
    %mul3A_24 = vector.broadcast %get3A_22 : vector<1x64xf32> to vector<2000x64xf32>
    %mul3A_25 = arith.mulf %mul3A_23, %mul3A_24 : vector<2000x64xf32>
    %get3A_26 = arith.constant 0 : index
    %get3A_27 = arith.constant 0 : index
    %get3A_28 = vector.load %arg5[%get3A_26, %get3A_27] : memref<1x64xf32, #tpu.memory_space<vmem>>, vector<1x64xf32>
    %add3A_29 = vector.broadcast %get3A_28 : vector<1x64xf32> to vector<2000x64xf32>
    %add3A_30 = arith.addf %mul3A_25, %add3A_29 : vector<2000x64xf32>
    %max3A = arith.constant 0.000000e+00 : f32
    %max3A_31 = vector.broadcast %max3A : f32 to vector<2000x64xf32>
    %max3A_32 = arith.maximumf %add3A_30, %max3A_31 : vector<2000x64xf32>
    %get3A_33 = arith.constant 0 : index
    %get3A_34 = arith.constant 0 : index
    %get3A_35 = vector.load %arg6[%get3A_33, %get3A_34] : memref<64x64xf32, #tpu.memory_space<vmem>>, vector<64x64xf32>
    %dot_general3A = arith.constant dense<0.000000e+00> : vector<2000x64xf32>
    %dot_general3A_36 = tpu.matmul %max3A_32, %get3A_35, %dot_general3A {dimension_numbers = #tpu.dot_dimension_numbers<[1], [0], [0], [1], [0, 0, 1, 1], [], []>, transpose_lhs_hint = false} : vector<2000x64xf32>, vector<64x64xf32>, vector<2000x64xf32> -> vector<2000x64xf32>
    %get3A_37 = arith.constant 0 : index
    %get3A_38 = arith.constant 0 : index
    %get3A_39 = vector.load %arg7[%get3A_37, %get3A_38] : memref<1x64xf32, #tpu.memory_space<vmem>>, vector<1x64xf32>
    %add3A_40 = vector.broadcast %get3A_39 : vector<1x64xf32> to vector<2000x64xf32>
    %add3A_41 = arith.addf %dot_general3A_36, %add3A_40 : vector<2000x64xf32>
    %gt3A = arith.constant 0.000000e+00 : f32
    %gt3A_42 = vector.broadcast %gt3A : f32 to vector<2000x64xf32>
    %gt3A_43 = arith.cmpf ogt, %add3A_41, %gt3A_42 : vector<2000x64xf32>
    %mul3A_44 = arith.constant 1.000000e-01 : f32
    %mul3A_45 = vector.broadcast %mul3A_44 : f32 to vector<2000x64xf32>
    %mul3A_46 = arith.mulf %mul3A_45, %add3A_41 : vector<2000x64xf32>
    %select_n3A = arith.select %gt3A_43, %add3A_41, %mul3A_46 : vector<2000x64xi1>, vector<2000x64xf32>
    %broadcast_in_dim3A = arith.constant 0.000000e+00 : f32
    %broadcast_in_dim3A_47 = vector.broadcast %broadcast_in_dim3A : f32 to vector<2000x64xf32>
    %concatenate3A = tpu.concatenate %select_n3A, %broadcast_in_dim3A_47 in 1 : vector<2000x64xf32>, vector<2000x64xf32> -> vector<2000x128xf32>
    %swap3A = arith.constant 0 : index
    %swap3A_48 = arith.constant 0 : index
    %swap3A_49 = vector.load %arg8[%swap3A, %swap3A_48] : memref<2000x128xf32, #tpu.memory_space<vmem>>, vector<2000x128xf32>
    tpu.vector_store %arg8[%swap3A, %swap3A_48], %concatenate3A {strides = array<i32>} : memref<2000x128xf32, #tpu.memory_space<vmem>>, vector<2000x128xf32>,
    return
  }
  func.func @transform_0(%arg0: i32) -> (i32, i32) {
    %c0_i32 = arith.constant 0 : i32
    %c0_i32_0 = arith.constant 0 : i32
    return %arg0, %c0_i32 : i32, i32
  }
  func.func @transform_1(%arg0: i32) -> (i32, i32, i32) {
    %c0_i32 = arith.constant 0 : i32
    %c0_i32_0 = arith.constant 0 : i32
    %c0_i32_1 = arith.constant 0 : i32
    return %c0_i32, %arg0, %c0_i32_0 : i32, i32, i32
  }
  func.func @transform_2(%arg0: i32) -> (i32, i32) {
    %c0_i32 = arith.constant 0 : i32
    %c0_i32_0 = arith.constant 0 : i32
    %c0_i32_1 = arith.constant 0 : i32
    return %c0_i32, %c0_i32_0 : i32, i32
  }
  func.func @transform_3(%arg0: i32) -> (i32, i32) {
    %c0_i32 = arith.constant 0 : i32
    %c0_i32_0 = arith.constant 0 : i32
    %c0_i32_1 = arith.constant 0 : i32
    return %c0_i32, %c0_i32_0 : i32, i32
  }
  func.func @transform_4(%arg0: i32) -> (i32, i32) {
    %c0_i32 = arith.constant 0 : i32
    %c0_i32_0 = arith.constant 0 : i32
    %c0_i32_1 = arith.constant 0 : i32
    return %c0_i32, %c0_i32_0 : i32, i32
  }
  func.func @transform_5(%arg0: i32) -> (i32, i32) {
    %c0_i32 = arith.constant 0 : i32
    %c0_i32_0 = arith.constant 0 : i32
    %c0_i32_1 = arith.constant 0 : i32
    return %c0_i32, %c0_i32_0 : i32, i32
  }
  func.func @transform_6(%arg0: i32) -> (i32, i32) {
    %c0_i32 = arith.constant 0 : i32
    %c0_i32_0 = arith.constant 0 : i32
    %c0_i32_1 = arith.constant 0 : i32
    return %c0_i32, %c0_i32_0 : i32, i32
  }
  func.func @transform_7(%arg0: i32) -> (i32, i32) {
    %c0_i32 = arith.constant 0 : i32
    %c0_i32_0 = arith.constant 0 : i32
    return %arg0, %c0_i32 : i32, i32
  }
}

module attributes {stable_mosaic.version = 14 : i64} {
  func.func @_mlp2_body(%arg0: i32, %arg1: memref<2000x128xf32, #tpu.memory_space<vmem>>, %arg2: memref<2x2000x32xf32, #tpu.memory_space<vmem>>, %arg3: memref<1x1xf32, #tpu.memory_space<vmem>>, %arg4: memref<64x64xf32, #tpu.memory_space<vmem>>, %arg5: memref<1x64xf32, #tpu.memory_space<vmem>>, %arg6: memref<64x64xf32, #tpu.memory_space<vmem>>, %arg7: memref<1x64xf32, #tpu.memory_space<vmem>>, %arg8: memref<64x32xf32, #tpu.memory_space<vmem>>, %arg9: memref<1x32xf32, #tpu.memory_space<vmem>>, %arg10: memref<64x32xf32, #tpu.memory_space<vmem>>, %arg11: memref<1x32xf32, #tpu.memory_space<vmem>>, %arg12: memref<2000x32xf32, #tpu.memory_space<vmem>>, %arg13: memref<2000x32xf32, #tpu.memory_space<vmem>>, %arg14: memref<2000x32xf32, #tpu.memory_space<vmem>>, %arg15: memref<2000x32xf32, #tpu.memory_space<vmem>>) attributes {dimension_semantics = [#tpu.dimension_semantics<arbitrary>], iteration_bounds = array<i64: 25>, scalar_prefetch = 0 : i64, scratch_operands = 0 : i64, tpu.core_type = #tpu.core_type<tc>, window_params = [{transform_indices = @transform_0, window_bounds = array<i64: 2000, 128>}, {transform_indices = @transform_1, window_bounds = array<i64: 2, 2000, 32>}, {pipeline_mode = #tpu.pipeline_mode<synchronous>, transform_indices = @transform_2, window_bounds = array<i64: 1, 1>}, {pipeline_mode = #tpu.pipeline_mode<synchronous>, transform_indices = @transform_3, window_bounds = array<i64: 64, 64>}, {pipeline_mode = #tpu.pipeline_mode<synchronous>, transform_indices = @transform_4, window_bounds = array<i64: 1, 64>}, {pipeline_mode = #tpu.pipeline_mode<synchronous>, transform_indices = @transform_5, window_bounds = array<i64: 64, 64>}, {pipeline_mode = #tpu.pipeline_mode<synchronous>, transform_indices = @transform_6, window_bounds = array<i64: 1, 64>}, {pipeline_mode = #tpu.pipeline_mode<synchronous>, transform_indices = @transform_7, window_bounds = array<i64: 64, 32>}, {pipeline_mode = #tpu.pipeline_mode<synchronous>, transform_indices = @transform_8, window_bounds = array<i64: 1, 32>}, {pipeline_mode = #tpu.pipeline_mode<synchronous>, transform_indices = @transform_9, window_bounds = array<i64: 64, 32>}, {pipeline_mode = #tpu.pipeline_mode<synchronous>, transform_indices = @transform_10, window_bounds = array<i64: 1, 32>}, {transform_indices = @transform_11, window_bounds = array<i64: 2000, 32>}, {transform_indices = @transform_12, window_bounds = array<i64: 2000, 32>}, {transform_indices = @transform_13, window_bounds = array<i64: 2000, 32>}, {transform_indices = @transform_14, window_bounds = array<i64: 2000, 32>}]} {
    %get3A = arith.constant 0 : index
    %get3A_0 = arith.constant 0 : index
    %get3A_1 = vector.load %arg1[%get3A, %get3A_0] : memref<2000x128xf32, #tpu.memory_space<vmem>>, vector<2000x64xf32>
    %get3A_2 = arith.constant 0 : index
    %get3A_3 = arith.constant 0 : index
    %get3A_4 = arith.constant 0 : index
    %get3A_5 = vector.load %arg2[%get3A_2, %get3A_3, %get3A_4] : memref<2x2000x32xf32, #tpu.memory_space<vmem>>, vector<1x2000x32xf32>
    %get3A_6 = vector.shape_cast %get3A_5 : vector<1x2000x32xf32> to vector<2000x32xf32>
    %get3A_7 = arith.constant 1 : index
    %get3A_8 = arith.constant 0 : index
    %get3A_9 = arith.constant 0 : index
    %get3A_10 = vector.load %arg2[%get3A_7, %get3A_8, %get3A_9] : memref<2x2000x32xf32, #tpu.memory_space<vmem>>, vector<1x2000x32xf32>
    %get3A_11 = vector.shape_cast %get3A_10 : vector<1x2000x32xf32> to vector<2000x32xf32>
    %concatenate3A = tpu.concatenate %get3A_6, %get3A_11 in 1 : vector<2000x32xf32>, vector<2000x32xf32> -> vector<2000x64xf32>
    %get3A_12 = arith.constant 0 : index
    %get3A_13 = arith.constant 0 : index
    %get3A_14 = vector.load %arg3[%get3A_12, %get3A_13] : memref<1x1xf32, #tpu.memory_space<vmem>>, vector<1x1xf32>
    %get3A_15 = vector.extract %get3A_14[0, 0] : f32 from vector<1x1xf32>
    %add3A = arith.constant 1.000000e+00 : f32
    %add3A_16 = arith.addf %add3A, %get3A_15 : f32
    %mul3A = vector.broadcast %add3A_16 : f32 to vector<2000x64xf32>
    %mul3A_17 = arith.mulf %mul3A, %get3A_1 : vector<2000x64xf32>
    %add3A_18 = arith.addf %mul3A_17, %concatenate3A : vector<2000x64xf32>
    %get3A_19 = arith.constant 0 : index
    %get3A_20 = arith.constant 0 : index
    %get3A_21 = vector.load %arg4[%get3A_19, %get3A_20] : memref<64x64xf32, #tpu.memory_space<vmem>>, vector<64x64xf32>
    %dot_general3A = arith.constant dense<0.000000e+00> : vector<2000x64xf32>
    %dot_general3A_22 = tpu.matmul %add3A_18, %get3A_21, %dot_general3A {dimension_numbers = #tpu.dot_dimension_numbers<[1], [0], [0], [1], [0, 0, 1, 1], [], []>, transpose_lhs_hint = false} : vector<2000x64xf32>, vector<64x64xf32>, vector<2000x64xf32> -> vector<2000x64xf32>
    %get3A_23 = arith.constant 0 : index
    %get3A_24 = arith.constant 0 : index
    %get3A_25 = vector.load %arg5[%get3A_23, %get3A_24] : memref<1x64xf32, #tpu.memory_space<vmem>>, vector<1x64xf32>
    %add3A_26 = vector.broadcast %get3A_25 : vector<1x64xf32> to vector<2000x64xf32>
    %add3A_27 = arith.addf %dot_general3A_22, %add3A_26 : vector<2000x64xf32>
    %max3A = arith.constant 0.000000e+00 : f32
    %max3A_28 = vector.broadcast %max3A : f32 to vector<2000x64xf32>
    %max3A_29 = arith.maximumf %add3A_27, %max3A_28 : vector<2000x64xf32>
    %get3A_30 = arith.constant 0 : index
    %get3A_31 = arith.constant 0 : index
    %get3A_32 = vector.load %arg6[%get3A_30, %get3A_31] : memref<64x64xf32, #tpu.memory_space<vmem>>, vector<64x64xf32>
    %dot_general3A_33 = arith.constant dense<0.000000e+00> : vector<2000x64xf32>
    %dot_general3A_34 = tpu.matmul %max3A_29, %get3A_32, %dot_general3A_33 {dimension_numbers = #tpu.dot_dimension_numbers<[1], [0], [0], [1], [0, 0, 1, 1], [], []>, transpose_lhs_hint = false} : vector<2000x64xf32>, vector<64x64xf32>, vector<2000x64xf32> -> vector<2000x64xf32>
    %get3A_35 = arith.constant 0 : index
    %get3A_36 = arith.constant 0 : index
    %get3A_37 = vector.load %arg7[%get3A_35, %get3A_36] : memref<1x64xf32, #tpu.memory_space<vmem>>, vector<1x64xf32>
    %add3A_38 = vector.broadcast %get3A_37 : vector<1x64xf32> to vector<2000x64xf32>
    %add3A_39 = arith.addf %dot_general3A_34, %add3A_38 : vector<2000x64xf32>
    %gt3A = arith.constant 0.000000e+00 : f32
    %gt3A_40 = vector.broadcast %gt3A : f32 to vector<2000x64xf32>
    %gt3A_41 = arith.cmpf ogt, %add3A_39, %gt3A_40 : vector<2000x64xf32>
    %mul3A_42 = arith.constant 1.000000e-01 : f32
    %mul3A_43 = vector.broadcast %mul3A_42 : f32 to vector<2000x64xf32>
    %mul3A_44 = arith.mulf %mul3A_43, %add3A_39 : vector<2000x64xf32>
    %select_n3A = arith.select %gt3A_41, %add3A_39, %mul3A_44 : vector<2000x64xi1>, vector<2000x64xf32>
    %get3A_45 = arith.constant 0 : index
    %get3A_46 = arith.constant 0 : index
    %get3A_47 = vector.load %arg8[%get3A_45, %get3A_46] : memref<64x32xf32, #tpu.memory_space<vmem>>, vector<64x32xf32>
    %dot_general3A_48 = arith.constant dense<0.000000e+00> : vector<2000x32xf32>
    %dot_general3A_49 = tpu.matmul %select_n3A, %get3A_47, %dot_general3A_48 {dimension_numbers = #tpu.dot_dimension_numbers<[1], [0], [0], [1], [0, 0, 1, 1], [], []>, transpose_lhs_hint = false} : vector<2000x64xf32>, vector<64x32xf32>, vector<2000x32xf32> -> vector<2000x32xf32>
    %get3A_50 = arith.constant 0 : index
    %get3A_51 = arith.constant 0 : index
    %get3A_52 = vector.load %arg9[%get3A_50, %get3A_51] : memref<1x32xf32, #tpu.memory_space<vmem>>, vector<1x32xf32>
    %add3A_53 = vector.broadcast %get3A_52 : vector<1x32xf32> to vector<2000x32xf32>
    %add3A_54 = arith.addf %dot_general3A_49, %add3A_53 : vector<2000x32xf32>
    %get3A_55 = arith.constant 0 : index
    %get3A_56 = arith.constant 0 : index
    %get3A_57 = vector.load %arg10[%get3A_55, %get3A_56] : memref<64x32xf32, #tpu.memory_space<vmem>>, vector<64x32xf32>
    %dot_general3A_58 = arith.constant dense<0.000000e+00> : vector<2000x32xf32>
    %dot_general3A_59 = tpu.matmul %select_n3A, %get3A_57, %dot_general3A_58 {dimension_numbers = #tpu.dot_dimension_numbers<[1], [0], [0], [1], [0, 0, 1, 1], [], []>, transpose_lhs_hint = false} : vector<2000x64xf32>, vector<64x32xf32>, vector<2000x32xf32> -> vector<2000x32xf32>
    %get3A_60 = arith.constant 0 : index
    %get3A_61 = arith.constant 0 : index
    %get3A_62 = vector.load %arg11[%get3A_60, %get3A_61] : memref<1x32xf32, #tpu.memory_space<vmem>>, vector<1x32xf32>
    %add3A_63 = vector.broadcast %get3A_62 : vector<1x32xf32> to vector<2000x32xf32>
    %add3A_64 = arith.addf %dot_general3A_59, %add3A_63 : vector<2000x32xf32>
    %mul3A_65 = arith.constant 5.000000e-01 : f32
    %mul3A_66 = vector.broadcast %mul3A_65 : f32 to vector<2000x32xf32>
    %mul3A_67 = arith.mulf %mul3A_66, %add3A_64 : vector<2000x32xf32>
    %exp3A = math.exp %mul3A_67 : vector<2000x32xf32>
    %get3A_68 = arith.constant 0 : index
    %get3A_69 = arith.constant 0 : index
    %get3A_70 = vector.load %arg12[%get3A_68, %get3A_69] : memref<2000x32xf32, #tpu.memory_space<vmem>>, vector<2000x32xf32>
    %mul3A_71 = arith.mulf %get3A_70, %exp3A : vector<2000x32xf32>
    %add3A_72 = arith.addf %add3A_54, %mul3A_71 : vector<2000x32xf32>
    %swap3A = arith.constant 0 : index
    %swap3A_73 = arith.constant 0 : index
    %swap3A_74 = vector.load %arg13[%swap3A, %swap3A_73] : memref<2000x32xf32, #tpu.memory_space<vmem>>, vector<2000x32xf32>
    tpu.vector_store %arg13[%swap3A, %swap3A_73], %add3A_72 {strides = array<i32>} : memref<2000x32xf32, #tpu.memory_space<vmem>>, vector<2000x32xf32>,
    %swap3A_75 = arith.constant 0 : index
    %swap3A_76 = arith.constant 0 : index
    %swap3A_77 = vector.load %arg14[%swap3A_75, %swap3A_76] : memref<2000x32xf32, #tpu.memory_space<vmem>>, vector<2000x32xf32>
    tpu.vector_store %arg14[%swap3A_75, %swap3A_76], %add3A_54 {strides = array<i32>} : memref<2000x32xf32, #tpu.memory_space<vmem>>, vector<2000x32xf32>,
    %swap3A_78 = arith.constant 0 : index
    %swap3A_79 = arith.constant 0 : index
    %swap3A_80 = vector.load %arg15[%swap3A_78, %swap3A_79] : memref<2000x32xf32, #tpu.memory_space<vmem>>, vector<2000x32xf32>
    tpu.vector_store %arg15[%swap3A_78, %swap3A_79], %add3A_64 {strides = array<i32>} : memref<2000x32xf32, #tpu.memory_space<vmem>>, vector<2000x32xf32>,
    return
  }
  func.func @transform_0(%arg0: i32) -> (i32, i32) {
    %c0_i32 = arith.constant 0 : i32
    %c0_i32_0 = arith.constant 0 : i32
    return %arg0, %c0_i32 : i32, i32
  }
  func.func @transform_1(%arg0: i32) -> (i32, i32, i32) {
    %c0_i32 = arith.constant 0 : i32
    %c0_i32_0 = arith.constant 0 : i32
    %c0_i32_1 = arith.constant 0 : i32
    return %c0_i32, %arg0, %c0_i32_0 : i32, i32, i32
  }
  func.func @transform_2(%arg0: i32) -> (i32, i32) {
    %c0_i32 = arith.constant 0 : i32
    %c0_i32_0 = arith.constant 0 : i32
    %c0_i32_1 = arith.constant 0 : i32
    return %c0_i32, %c0_i32_0 : i32, i32
  }
  func.func @transform_3(%arg0: i32) -> (i32, i32) {
    %c0_i32 = arith.constant 0 : i32
    %c0_i32_0 = arith.constant 0 : i32
    %c0_i32_1 = arith.constant 0 : i32
    return %c0_i32, %c0_i32_0 : i32, i32
  }
  func.func @transform_4(%arg0: i32) -> (i32, i32) {
    %c0_i32 = arith.constant 0 : i32
    %c0_i32_0 = arith.constant 0 : i32
    %c0_i32_1 = arith.constant 0 : i32
    return %c0_i32, %c0_i32_0 : i32, i32
  }
  func.func @transform_5(%arg0: i32) -> (i32, i32) {
    %c0_i32 = arith.constant 0 : i32
    %c0_i32_0 = arith.constant 0 : i32
    %c0_i32_1 = arith.constant 0 : i32
    return %c0_i32, %c0_i32_0 : i32, i32
  }
  func.func @transform_6(%arg0: i32) -> (i32, i32) {
    %c0_i32 = arith.constant 0 : i32
    %c0_i32_0 = arith.constant 0 : i32
    %c0_i32_1 = arith.constant 0 : i32
    return %c0_i32, %c0_i32_0 : i32, i32
  }
  func.func @transform_7(%arg0: i32) -> (i32, i32) {
    %c0_i32 = arith.constant 0 : i32
    %c0_i32_0 = arith.constant 0 : i32
    %c0_i32_1 = arith.constant 0 : i32
    return %c0_i32, %c0_i32_0 : i32, i32
  }
  func.func @transform_8(%arg0: i32) -> (i32, i32) {
    %c0_i32 = arith.constant 0 : i32
    %c0_i32_0 = arith.constant 0 : i32
    %c0_i32_1 = arith.constant 0 : i32
    return %c0_i32, %c0_i32_0 : i32, i32
  }
  func.func @transform_9(%arg0: i32) -> (i32, i32) {
    %c0_i32 = arith.constant 0 : i32
    %c0_i32_0 = arith.constant 0 : i32
    %c0_i32_1 = arith.constant 0 : i32
    return %c0_i32, %c0_i32_0 : i32, i32
  }
  func.func @transform_10(%arg0: i32) -> (i32, i32) {
    %c0_i32 = arith.constant 0 : i32
    %c0_i32_0 = arith.constant 0 : i32
    %c0_i32_1 = arith.constant 0 : i32
    return %c0_i32, %c0_i32_0 : i32, i32
  }
  func.func @transform_11(%arg0: i32) -> (i32, i32) {
    %c0_i32 = arith.constant 0 : i32
    %c0_i32_0 = arith.constant 0 : i32
    return %arg0, %c0_i32 : i32, i32
  }
  func.func @transform_12(%arg0: i32) -> (i32, i32) {
    %c0_i32 = arith.constant 0 : i32
    %c0_i32_0 = arith.constant 0 : i32
    return %arg0, %c0_i32 : i32, i32
  }
  func.func @transform_13(%arg0: i32) -> (i32, i32) {
    %c0_i32 = arith.constant 0 : i32
    %c0_i32_0 = arith.constant 0 : i32
    return %arg0, %c0_i32 : i32, i32
  }
  func.func @transform_14(%arg0: i32) -> (i32, i32) {
    %c0_i32 = arith.constant 0 : i32
    %c0_i32_0 = arith.constant 0 : i32
    return %arg0, %c0_i32 : i32, i32
  }
}

module attributes {stable_mosaic.version = 14 : i64} {
  func.func @_pool_body(%arg0: i32, %arg1: memref<2000x32xf32, #tpu.memory_space<vmem>>, %arg2: memref<2000x1xi32, #tpu.memory_space<vmem>>, %arg3: memref<32x10xf32, #tpu.memory_space<vmem>>, %arg4: memref<1x10xf32, #tpu.memory_space<vmem>>, %arg5: memref<128x10xf32, #tpu.memory_space<vmem>>, %arg6: memref<128x32xf32, #tpu.memory_space<vmem>>, %arg7: memref<128x1xf32, #tpu.memory_space<vmem>>) attributes {dimension_semantics = [#tpu.dimension_semantics<arbitrary>], iteration_bounds = array<i64: 25>, scalar_prefetch = 0 : i64, scratch_operands = 2 : i64, tpu.core_type = #tpu.core_type<tc>, window_params = [{transform_indices = @transform_0, window_bounds = array<i64: 2000, 32>}, {transform_indices = @transform_1, window_bounds = array<i64: 2000, 1>}, {pipeline_mode = #tpu.pipeline_mode<synchronous>, transform_indices = @transform_2, window_bounds = array<i64: 32, 10>}, {pipeline_mode = #tpu.pipeline_mode<synchronous>, transform_indices = @transform_3, window_bounds = array<i64: 1, 10>}, {pipeline_mode = #tpu.pipeline_mode<synchronous>, transform_indices = @transform_4, window_bounds = array<i64: 128, 10>}]} {
    %eq3A = arith.constant 0 : i32
    %eq3A_0 = arith.cmpi eq, %arg0, %eq3A : i32
    %convert_element_type3A = arith.extui %eq3A_0 : i1 to i32
    %cond3A = arith.constant 0 : i32
    %cond3A_1 = arith.cmpi ne, %convert_element_type3A, %cond3A : i32
    scf.if %cond3A_1 {
      %broadcast_in_dim3A_37 = arith.constant 0.000000e+00 : f32
      %broadcast_in_dim3A_38 = vector.broadcast %broadcast_in_dim3A_37 : f32 to vector<128x32xf32>
      %swap3A_39 = arith.constant 0 : index
      %swap3A_40 = arith.constant 0 : index
      %swap3A_41 = vector.load %arg6[%swap3A_39, %swap3A_40] : memref<128x32xf32, #tpu.memory_space<vmem>>, vector<128x32xf32>
      tpu.vector_store %arg6[%swap3A_39, %swap3A_40], %broadcast_in_dim3A_38 {strides = array<i32>} : memref<128x32xf32, #tpu.memory_space<vmem>>, vector<128x32xf32>,
      %broadcast_in_dim3A_42 = arith.constant 0.000000e+00 : f32
      %broadcast_in_dim3A_43 = vector.broadcast %broadcast_in_dim3A_42 : f32 to vector<128x1xf32>
      %swap3A_44 = arith.constant 0 : index
      %swap3A_45 = arith.constant 0 : index
      %swap3A_46 = vector.load %arg7[%swap3A_44, %swap3A_45] : memref<128x1xf32, #tpu.memory_space<vmem>>, vector<128x1xf32>
      tpu.vector_store %arg7[%swap3A_44, %swap3A_45], %broadcast_in_dim3A_43 {strides = array<i32>} : memref<128x1xf32, #tpu.memory_space<vmem>>, vector<128x1xf32>,
    } else {
    }
    %iota3A = tpu.iota {dimensions = array<i32: 1>} : vector<2000x128xi32>
    %get3A = arith.constant 0 : index
    %get3A_2 = arith.constant 0 : index
    %get3A_3 = vector.load %arg2[%get3A, %get3A_2] : memref<2000x1xi32, #tpu.memory_space<vmem>>, vector<2000x1xi32>
    %eq3A_4 = vector.broadcast %get3A_3 : vector<2000x1xi32> to vector<2000x128xi32>
    %eq3A_5 = arith.cmpi eq, %iota3A, %eq3A_4 : vector<2000x128xi32>
    %convert_element_type3A_6 = arith.extui %eq3A_5 : vector<2000x128xi1> to vector<2000x128xi32>
    %convert_element_type3A_7 = arith.sitofp %convert_element_type3A_6 : vector<2000x128xi32> to vector<2000x128xf32>
    %get3A_8 = arith.constant 0 : index
    %get3A_9 = arith.constant 0 : index
    %get3A_10 = vector.load %arg1[%get3A_8, %get3A_9] : memref<2000x32xf32, #tpu.memory_space<vmem>>, vector<2000x32xf32>
    %ne3A = arith.cmpf one, %get3A_10, %get3A_10 : vector<2000x32xf32>
    %jit3A = arith.constant 0.000000e+00 : f32
    %broadcast_in_dim3A = vector.broadcast %jit3A : f32 to vector<2000x32xf32>
    %select_n3A = arith.select %ne3A, %broadcast_in_dim3A, %get3A_10 : vector<2000x32xi1>, vector<2000x32xf32>
    %jit3A_11 = arith.constant -9.99999968E+37 : f32
    %jit3A_12 = arith.constant 9.99999968E+37 : f32
    %max3A = vector.broadcast %jit3A_11 : f32 to vector<2000x32xf32>
    %max3A_13 = arith.maximumf %max3A, %select_n3A : vector<2000x32xf32>
    %min3A = vector.broadcast %jit3A_12 : f32 to vector<2000x32xf32>
    %min3A_14 = arith.minimumf %min3A, %max3A_13 : vector<2000x32xf32>
    %get3A_15 = arith.constant 0 : index
    %get3A_16 = arith.constant 0 : index
    %get3A_17 = vector.load %arg6[%get3A_15, %get3A_16] : memref<128x32xf32, #tpu.memory_space<vmem>>, vector<128x32xf32>
    %dot_general3A = arith.constant dense<0.000000e+00> : vector<128x32xf32>
    %dot_general3A_18 = tpu.matmul %convert_element_type3A_7, %min3A_14, %dot_general3A {dimension_numbers = #tpu.dot_dimension_numbers<[0], [0], [1], [1], [0, 1, 1, 1], [], []>, transpose_lhs_hint = false} : vector<2000x128xf32>, vector<2000x32xf32>, vector<128x32xf32> -> vector<128x32xf32>
    %add3A = arith.addf %get3A_17, %dot_general3A_18 : vector<128x32xf32>
    %swap3A = arith.constant 0 : index
    %swap3A_19 = arith.constant 0 : index
    %swap3A_20 = vector.load %arg6[%swap3A, %swap3A_19] : memref<128x32xf32, #tpu.memory_space<vmem>>, vector<128x32xf32>
    tpu.vector_store %arg6[%swap3A, %swap3A_19], %add3A {strides = array<i32>} : memref<128x32xf32, #tpu.memory_space<vmem>>, vector<128x32xf32>,
    %get3A_21 = arith.constant 0 : index
    %get3A_22 = arith.constant 0 : index
    %get3A_23 = vector.load %arg7[%get3A_21, %get3A_22] : memref<128x1xf32, #tpu.memory_space<vmem>>, vector<128x1xf32>
    %broadcast_in_dim3A_24 = arith.constant 1.000000e+00 : f32
    %broadcast_in_dim3A_25 = vector.broadcast %broadcast_in_dim3A_24 : f32 to vector<2000x1xf32>
    %dot_general3A_26 = arith.constant dense<0.000000e+00> : vector<128x1xf32>
    %dot_general3A_27 = tpu.matmul %convert_element_type3A_7, %broadcast_in_dim3A_25, %dot_general3A_26 {dimension_numbers = #tpu.dot_dimension_numbers<[0], [0], [1], [1], [0, 1, 1, 1], [], []>, transpose_lhs_hint = false} : vector<2000x128xf32>, vector<2000x1xf32>, vector<128x1xf32> -> vector<128x1xf32>
    %add3A_28 = arith.addf %get3A_23, %dot_general3A_27 : vector<128x1xf32>
    %swap3A_29 = arith.constant 0 : index
    %swap3A_30 = arith.constant 0 : index
    %swap3A_31 = vector.load %arg7[%swap3A_29, %swap3A_30] : memref<128x1xf32, #tpu.memory_space<vmem>>, vector<128x1xf32>
    tpu.vector_store %arg7[%swap3A_29, %swap3A_30], %add3A_28 {strides = array<i32>} : memref<128x1xf32, #tpu.memory_space<vmem>>, vector<128x1xf32>,
    %eq3A_32 = arith.constant 24 : i32
    %eq3A_33 = arith.cmpi eq, %arg0, %eq3A_32 : i32
    %convert_element_type3A_34 = arith.extui %eq3A_33 : i1 to i32
    %cond3A_35 = arith.constant 0 : i32
    %cond3A_36 = arith.cmpi ne, %convert_element_type3A_34, %cond3A_35 : i32
    scf.if %cond3A_36 {
      %get3A_37 = arith.constant 0 : index
      %get3A_38 = arith.constant 0 : index
      %get3A_39 = vector.load %arg6[%get3A_37, %get3A_38] : memref<128x32xf32, #tpu.memory_space<vmem>>, vector<128x32xf32>
      %get3A_40 = arith.constant 0 : index
      %get3A_41 = arith.constant 0 : index
      %get3A_42 = vector.load %arg7[%get3A_40, %get3A_41] : memref<128x1xf32, #tpu.memory_space<vmem>>, vector<128x1xf32>
      %max3A_43 = arith.constant 1.000000e+00 : f32
      %max3A_44 = vector.broadcast %max3A_43 : f32 to vector<128x1xf32>
      %max3A_45 = arith.maximumf %get3A_42, %max3A_44 : vector<128x1xf32>
      %div3A = vector.broadcast %max3A_45 : vector<128x1xf32> to vector<128x32xf32>
      %div3A_46 = arith.divf %get3A_39, %div3A : vector<128x32xf32>
      %get3A_47 = arith.constant 0 : index
      %get3A_48 = arith.constant 0 : index
      %get3A_49 = vector.load %arg3[%get3A_47, %get3A_48] : memref<32x10xf32, #tpu.memory_space<vmem>>, vector<32x10xf32>
      %dot_general3A_50 = arith.constant dense<0.000000e+00> : vector<128x10xf32>
      %dot_general3A_51 = tpu.matmul %div3A_46, %get3A_49, %dot_general3A_50 {dimension_numbers = #tpu.dot_dimension_numbers<[1], [0], [0], [1], [0, 0, 1, 1], [], []>, transpose_lhs_hint = false} : vector<128x32xf32>, vector<32x10xf32>, vector<128x10xf32> -> vector<128x10xf32>
      %get3A_52 = arith.constant 0 : index
      %get3A_53 = arith.constant 0 : index
      %get3A_54 = vector.load %arg4[%get3A_52, %get3A_53] : memref<1x10xf32, #tpu.memory_space<vmem>>, vector<1x10xf32>
      %add3A_55 = vector.broadcast %get3A_54 : vector<1x10xf32> to vector<128x10xf32>
      %add3A_56 = arith.addf %dot_general3A_51, %add3A_55 : vector<128x10xf32>
      %swap3A_57 = arith.constant 0 : index
      %swap3A_58 = arith.constant 0 : index
      %swap3A_59 = vector.load %arg5[%swap3A_57, %swap3A_58] : memref<128x10xf32, #tpu.memory_space<vmem>>, vector<128x10xf32>
      tpu.vector_store %arg5[%swap3A_57, %swap3A_58], %add3A_56 {strides = array<i32>} : memref<128x10xf32, #tpu.memory_space<vmem>>, vector<128x10xf32>,
    } else {
    }
    return
  }
  func.func @transform_0(%arg0: i32) -> (i32, i32) {
    %c0_i32 = arith.constant 0 : i32
    %c0_i32_0 = arith.constant 0 : i32
    return %arg0, %c0_i32 : i32, i32
  }
  func.func @transform_1(%arg0: i32) -> (i32, i32) {
    %c0_i32 = arith.constant 0 : i32
    %c0_i32_0 = arith.constant 0 : i32
    return %arg0, %c0_i32 : i32, i32
  }
  func.func @transform_2(%arg0: i32) -> (i32, i32) {
    %c0_i32 = arith.constant 0 : i32
    %c0_i32_0 = arith.constant 0 : i32
    %c0_i32_1 = arith.constant 0 : i32
    return %c0_i32, %c0_i32_0 : i32, i32
  }
  func.func @transform_3(%arg0: i32) -> (i32, i32) {
    %c0_i32 = arith.constant 0 : i32
    %c0_i32_0 = arith.constant 0 : i32
    %c0_i32_1 = arith.constant 0 : i32
    return %c0_i32, %c0_i32_0 : i32, i32
  }
  func.func @transform_4(%arg0: i32) -> (i32, i32) {
    %c0_i32 = arith.constant 0 : i32
    %c0_i32_0 = arith.constant 0 : i32
    %c0_i32_1 = arith.constant 0 : i32
    return %c0_i32, %c0_i32_0 : i32, i32
  }
}

</mosaic_0001>

<sc_bundles>
// kernel: kernel.7.cloned.1.call-start
scs
__scs_entry_jumppad:
0x0: {  	(pc) =	sbr.rel $0x88, $3  }
0x1: {  	(tag) =	ssettag $0x0;
	lr =	simm.s32 $0x1  }
0x2: {  	[smem:$0x3F88] =	sst lr;
	_ =	strace $0xD0000000  }
0x3: {  	_ = 	snop  }
0x4: {  	_ = 	snop  }
0x5: {  	_ = 	snop  }
0x6: {  	_ = 	snop  }
0x7: {  	_ = 	snop  }
__scs_overlays_trampoline_lowered:
0x8: {  	[smem:$0x3F97] =	sst s0  }
0x9: {  	[smem:$0x3F98] =	sst s1  }
0xa: {  	[smem:$0x3F99] =	sst s2  }
0xb: {  	[smem:$0x3F9A] =	sst s3  }
0xc: {  	[smem:$0x3F9B] =	sst s4  }
0xd: {  	[smem:$0x3F9C] =	sst s5  }
0xe: {  	[smem:$0x3F9D] =	sst s6  }
0xf: {  	[smem:$0x3F9E] =	sst s7  }
0x10: {  	[smem:$0x3F9F] =	sst s8  }
0x11: {  	[smem:$0x3FA0] =	sst s9;
	s0 =	simm.s32 @!p0 $0x0  }
0x12: {  	s1 =	sld [smem:$0x3F86];
	s0 =	simm.s32 @p0 $0x1  }
0x13: {  	[smem:$0x3FA1] =	sst s0;
	s0 =	simm.s32 @!p1 $0x0  }
0x14: {  	s2 =	sld [smem:$0x3F85];
	s0 =	simm.s32 @p1 $0x1  }
0x15: {  	[smem:$0x3FA2] =	sst s0;
	s0 =	simm.s32 @!p2 $0x0  }
0x16: {  	s3 =	sld [smem:$0x3FDB];
	s0 =	simm.s32 @p2 $0x1  }
0x17: {  	s4 =	simm.s32 $0x1BF5;
	[smem:$0x3FA4] =	sst s0  }
0x18: {  	s0 =	sld [smem:$0x3F87];
	_ =	swait.ge [sflag:s4], $0x0  }
0x19: {  	s7 =	sld [smem:$0x3F88]  }
0x1a: {  	s8 =	sadd.s32 $0xFFFFE003, lr  }
0x1b: {  	s9 =	sadd.s32 $0xFFFFFEF7, lr;
	s5 =	simm.s32 $0xFFFFFFFF;
	p2 =	slt.u32 s8, $0xFFFFF086  }
0x1c: {  	p1 =	slt.u32 s9, $0xF7A;
	s5 =	simm.s32 @!p2 $0x0  }
0x1d: {  	s5 =	simm.s32 @p1 $0x1;
	p0 =	seq.s32 s7, s2  }
0x1e: {  	s7 =	smul.u32 @!p0 $0xF7A, s2;
	p2 =	seq.s32 @!p0 s5, $0x0  }
0x1f: {  	s9 =	smul.u32 $0xF7A, s1;
	s8 =	simm.s32 @!p0 $0x1BF5;
	p2 =	por !p2, p0  }
0x20: {  	[sflag:s8] =	ssyncset.s32 @!p0 $0xFFFFF086;
	s6 =	sadd.s32 @!p0 s3, s7;
	s7 =	simm.s32 @!p0 $0x108  }
0x21: {  	s3 =	sadd.s32 s3, s9;
	s6 =	sadd.s32 @!p0 $0x88, s6;
	s7 =	simm.s32 @p2 $0x1082  }
0x22: {  	[simem:s7], [sflag:s8] =	dma.local @!p0 [hbm:s6], $0xF7A  }
0x23: {  	s9 =	sor.u32 $0xD0000000, s2;
	s6 =	simm.s32 $0x108;
	_ =	swait.ge @!p0 [sflag:s8], $0x0  }
0x24: {  	s3 =	sadd.s32 $0x88, s3;
	s6 =	simm.s32 @!p1 $0x1082;
	[sflag:s4] =	ssyncset.s32 $0xFFFFF086  }
0x25: {  	[simem:s6], [sflag:s4] =	dma.local [hbm:s3], $0xF7A  }
0x26: {  	[smem:$0x3F88] =	sst s1;
	(tag) =	ssettag s2;
	_ =	strace s9  }
0x27: {  	s1 =	sld [smem:$0x3F98]  }
0x28: {  	s2 =	sld [smem:$0x3F99]  }
0x29: {  	s4 =	sld [smem:$0x3F9B]  }
0x2a: {  	p0 =	seq.s32 s5, $0x0;
	s5 =	sld [smem:$0x3F9C]  }
0x2b: {  	s6 =	sld [smem:$0x3F9D]  }
0x2c: {  	s7 =	sld [smem:$0x3F9E]  }
0x2d: {  	s3 =	simm.s32 $0x108;
	s8 =	sld [smem:$0x3F9F]  }
0x2e: {  	s3 =	simm.s32 @!p0 $0x1082;
	s9 =	sld [smem:$0x3FA0]  }
0x2f: {  	lr =	sadd.s32 s0, s3;
	s0 =	sld [smem:$0x3F97]  }
0x30: {  	s3 =	sld [smem:$0x3F9A]  }
0x31: {  	[smem:$0x3FA3] =	sst s10  }
0x32: {  	s10 =	sld [smem:$0x3FA1];
	_ =	sdelay $0x3  }
0x33: {  	p0 =	seq.s32 s10, $0x1;
	s10 =	sld [smem:$0x3FA3];
	_ =	sdelay $0x3  }
0x34: {  	[smem:$0x3FA3] =	sst s10  }
0x35: {  	s10 =	sld [smem:$0x3FA2];
	_ =	sdelay $0x3  }
0x36: {  	p1 =	seq.s32 s10, $0x1;
	s10 =	sld [smem:$0x3FA3];
	_ =	sdelay $0x3  }
0x37: {  	[smem:$0x3FA3] =	sst s10  }
0x38: {  	s10 =	sld [smem:$0x3FA4]  }
0x39: {  	_ = 	snop;
	(pc) =	sbr.ind lr, $3  }
0x3a: {  	_ = 	snop  }
0x3b: {  	_ = 	snop  }
0x3c: {  	p2 =	seq.s32 s10, $0x1;
	s10 =	sld [smem:$0x3FA3]  }
0x3d: {  	_ =	shalt  }
0x3e: {  	_ =	shalt  }
0x3f: {  	_ =	shalt  }
0x40: {  	_ =	shalt  }
0x41: {  	_ =	shalt  }
0x42: {  	_ =	shalt  }
0x43: {  	_ =	shalt  }
0x44: {  	_ =	shalt  }
0x45: {  	_ =	shalt  }
0x46: {  	_ =	shalt  }
0x47: {  	_ =	shalt  }
0x48: {  	_ =	shalt  }
0x49: {  	_ =	shalt  }
0x4a: {  	_ =	shalt  }
0x4b: {  	_ =	shalt  }
0x4c: {  	_ =	shalt  }
0x4d: {  	_ =	shalt  }
0x4e: {  	_ =	shalt  }
0x4f: {  	_ =	shalt  }
0x50: {  	_ =	shalt  }
0x51: {  	_ =	shalt  }
0x52: {  	_ =	shalt  }
0x53: {  	_ =	shalt  }
0x54: {  	_ =	shalt  }
0x55: {  	_ =	shalt  }
0x56: {  	_ =	shalt  }
0x57: {  	_ =	shalt  }
0x58: {  	_ =	shalt  }
0x59: {  	_ =	shalt  }
0x5a: {  	_ =	shalt  }
0x5b: {  	_ =	shalt  }
0x5c: {  	_ =	shalt  }
0x5d: {  	_ =	shalt  }
0x5e: {  	_ =	shalt  }
0x5f: {  	_ =	shalt  }
0x60: {  	_ =	shalt  }
0x61: {  	_ =	shalt  }
0x62: {  	_ =	shalt  }
0x63: {  	_ =	shalt  }
0x64: {  	_ =	shalt  }
0x65: {  	_ =	shalt  }
0x66: {  	_ =	shalt  }
0x67: {  	_ =	shalt  }
0x68: {  	_ =	shalt  }
0x69: {  	_ =	shalt  }
0x6a: {  	_ =	shalt  }
0x6b: {  	_ =	shalt  }
0x6c: {  	_ =	shalt  }
0x6d: {  	_ =	shalt  }
0x6e: {  	_ =	shalt  }
0x6f: {  	_ =	shalt  }
0x70: {  	_ =	shalt  }
0x71: {  	_ =	shalt  }
0x72: {  	_ =	shalt  }
0x73: {  	_ =	shalt  }
0x74: {  	_ =	shalt  }
0x75: {  	_ =	shalt  }
0x76: {  	_ =	shalt  }
0x77: {  	_ =	shalt  }
0x78: {  	_ =	shalt  }
0x79: {  	_ =	shalt  }
0x7a: {  	_ =	shalt  }
0x7b: {  	_ =	shalt  }
0x7c: {  	_ =	shalt  }
0x7d: {  	_ =	shalt  }
0x7e: {  	_ =	shalt  }
0x7f: {  	_ =	shalt  }
0x80: {  	_ =	shalt  }
0x81: {  	_ =	shalt  }
0x82: {  	_ =	shalt  }
0x83: {  	_ =	shalt  }
0x84: {  	_ =	shalt  }
0x85: {  	_ =	shalt  }
0x86: {  	_ =	shalt  }
0x87: {  	_ =	shalt  }
.Lfunc_end0:
.L_simem_size_0:
called_computation.1_lowered:
.L_overlay_start_0:
0x88: {  	s2 =	sld [smem:$0x3FD9]  }
0x89: {  	s3 =	sld [smem:$0x3FFE];
	_ =	sdelay $0x1  }
0x8a: {  	s1 =	srdreg.scid  }
0x8b: {  	s0 =	sand.u32 $0x1, s1  }
0x8c: {  	s14 =	sshll.u32 s0, $0xA;
	s2 =	sadd.s32 s3, s2  }
0x8d: {  	s2 =	sadd.s32 s2, s14  }
0x8e: {  	[smem:$0x3FAF] =	sst s2  }
0x8f: {  	_ = 	snop  }
0x90: {  	s2 =	sld [smem:$0x3FD0];
	_ =	sdelay $0x2  }
0x91: {  	s4 =	simm.s32 $0xA;
	s5 =	simm.s32 $0x10;
	s15 =	sld [smem:$0x3FC9]  }
0x92: {  	[smem:s5], [sflag:s4] =	dma.local [hbm:s2], $0x1  }
0x93: {  	_ =	swait.eq [sflag:s4], $0x1  }
0x94: {  	s16 =	sld [smem:$0x10];
	[sflag:s4] =	ssyncset.done $0x0  }
0x95: {  	s17 =	sld [smem:$0x11];
	[sflag:s4] =	ssyncadd.s32 $0xFFFFFFFF  }
0x96: {  	s18 =	sld [smem:$0x12];
	(tm) =	ssettm $0x1  }
0x97: {  	s6 =	sld [smem:$0x3FFB];
	_ =	sdelay $0x3  }
0x98: {  	_ =	strace s6  }
0x99: {  	s6 =	sld [smem:$0x3FFC];
	_ =	sdelay $0x3  }
0x9a: {  	_ =	strace s6  }
0x9b: {  	s6 =	sld [smem:$0x3FFD];
	_ =	sdelay $0x3  }
0x9c: {  	_ =	strace s6  }
0x9d: {  	_ =	strace $0x8FFFFFFF  }
0x9e: {  	s19 =	sld [smem:$0x3FDB];
	_ =	sdelay $0x1  }
0x9f: {  	s7 =	simm.s32 $_scs_section_size  }
0xa0: {  	s8 =	simm.s32 $_size__tile_overlayer_lowered;
	s9 =	simm.s32 $_tile_overlayer_lowered  }
0xa1: {  	s22 =	simm.s32 $0x1BFF;
	s21 =	sshll.u32 s9, $0x1;
	s6 =	sadd.s32 s7, s19  }
0xa2: {  	s10 =	simm.s32 $0x0;
	s20 =	sshll.u32 s8, $0x1;
	s8 =	sadd.s32 s21, s6  }
0xa3: {  	[timem:s10], [sflag:s22] =	dma.local [hbm:s8], s20  }
0xa4: {  	_ =	swait.ge [sflag:s22], s20  }
0xa5: {  	s7 =	ssub.s32 $0x0, s20;
	[sflag:s22] =	ssyncset.done $0x0  }
0xa6: {  	[sflag:s22] =	ssyncadd.s32 s7;
	_ =	sdelay $0x1  }
0xa7: {  	s23 =	simm.s32 $0x1B8B  }
0xa8: {  	_ =	swait.ge [sflag:s23], $0x1  }
0xa9: {  	[sflag:s23] =	ssyncset.done $0x0  }
0xaa: {  	s25 =	simm.s32 $0x1B8E;
	s24 =	sld [smem:$0x3FFE];
	[sflag:s23] =	ssyncadd.s32 $0xFFFFFFFF  }
0xab: {  	s26 =	simm.s32 $execute0_lowered;
	[smem:$0x3FD2] =	sst s25  }
0xac: {  	s8 =	sshll.u32 s26, $0x1;
	_ =	strace $0x80000046;
	[dreg:$0x1] =	wrdreg $0xFFFFFFFF  }
0xad: {  	s28 =	simm.s32 $_size_execute0_lowered;
	s6 =	sadd.s32 s6, s8;
	[dreg:$0x0] =	wrdreg $0x0  }
0xae: {  	s8 =	sshll.u32 s28, $0x1;
	[dreg:$0x2] =	wrdreg s6  }
0xaf: {  	[dreg:$0x3] =	wrdreg s8  }
0xb0: {  	[dreg:$0x4] =	wrdreg $0xC0  }
0xb1: {  	_ =	task [dreg:s10], $0x5FFFF  }
0xb2: {  	[dreg:$0x1] =	wrdreg $0xFFFFFFFF  }
0xb3: {  	[dreg:$0x0] =	wrdreg $0x60  }
0xb4: {  	[dreg:$0x2] =	wrdreg s15  }
0xb5: {  	[dreg:$0x3] =	wrdreg s18  }
0xb6: {  	[dreg:$0x4] =	wrdreg s16  }
0xb7: {  	[dreg:$0x5] =	wrdreg s17  }
0xb8: {  	[dreg:$0x6] =	wrdreg s24  }
0xb9: {  	[dreg:$0x7] =	wrdreg $0x20800  }
0xba: {  	[dreg:$0x8] =	wrdreg $0x9  }
0xbb: {  	_ =	task.clear_ibuf [dreg:s10], $0x9FFFF;
	_ =	strace $0x90000046  }
0xbc: {  	s29 =	simm.s32 $0x9;
	_ =	strace $0x80000048  }
0xbd: {  	_ =	swait.ge [sflag:s29], $0x1  }
0xbe: {  	[sflag:s29] =	ssyncadd.s32 $0xFFFFFFFF  }
0xbf: {  	_ =	strace $0x90000048  }
0xc0: {  	_ =	sfence  }
0xc1: {  	s30 =	sld [smem:$0x0];
	_ =	sdelay $0x2  }
0xc2: {  	s31 =	sshll.u32 s1, $0xD;
	s1 =	sshrl.u32 s1, $0x2  }
0xc3: {  	s3 =	sand.u32 $0x4000, s31;
	s1 =	sadd.s32 s1, s30  }
0xc4: {  	s0 =	sor.u32 s3, s0;
	s1 =	sshll.u32 s1, $0x11  }
0xc5: {  	s0 =	sor.u32 s1, s0  }
0xc6: {  	s0 =	sadd.s32 $0x8F2B, s0  }
0xc7: {  	[sflag:s0] =	ssyncadd.remote.s32 $0x1  }
0xc8: {  	_ =	sfence.sel $0xFFFF  }
0xc9: {  	[dreg:$0x0] =	wrdreg $0xFFFFFFFF;
	(pc) =	sbr.abs _section_cstart, $3  }
0xca: {  	[dreg:$0x1] =	wrdreg $0xFFFFFFFF  }
0xcb: {  	_ =	task.clear_ibuf [dreg:s10], $0x2FFFF;
	_ =	strace $0x9FFFFFFF  }
0xcc: {  	(tm) =	ssettm $0x7FFFFFFF  }
0xcd: {  	_ =	shalt  }
tec
execute0_lowered:
.L_overlay_start_1:
0x0: {  	(tag) =	ssettag $0x1  }
0x1: {  	s1 =	rddreg [dreg:$0x0];
	s0 =	srdreg.scid  }
0x2: {  	s8 =	stileid.u32;
	s3 =	rddreg [dreg:$0x4]  }
0x3: {  	s6 =	rddreg [dreg:$0x5];
	s7 =	simm.s32 $0x0;
	s29 =	simm.s32 $0x1400  }
0x4: {  	s16 =	simm.s32 $0x3;
	s17 =	simm.s32 $0x400;
	s18 =	simm.s32 $0x800  }
0x5: {  	s20 =	simm.s32 $0x80;
	s10 =	simm.s32 $0x1;
	s11 =	simm.s32 $0x1000  }
0x6: {  	s13 =	simm.s32 $0x880;
	s14 =	simm.s32 $0x1080;
	s15 =	simm.s32 $0x1100  }
0x7: {  	s19 =	simm.s32 $0x1200;
	s21 =	simm.s32 $0xA80;
	s28 =	simm.s32 $0x2  }
0x8: {  	s0 =	sand.u32 $0x1, s0;
	s2 =	smul.u32 $0xC40, s8;
	[smem:$0x7FF] =	sst s7  }
0x9: {  	s8 =	sshll.u32 s8, $0x1;
	s4 =	smul.u32 $0xC400, s0;
	_ =	strace $0x80000047  }
0xa: {  	s22 =	ssub.s32 $0x2, s0;
	s0 =	sor.u32 s0, s8;
	s8 =	simm.s32 $0x900  }
0xb: {  	s5 =	sshrl.u32 s22, $0x1;
	s9 =	sadd.s32 s2, s6;
	s12 =	smul.u32 $0xC80, s0  }
0xc: {  	s4 =	sadd.s32 s2, s4;
	s23 =	ssub.s32 s22, s5;
	s24 =	sadd.s32 $0x400, s9  }
0xd: {  	s25 =	sadd.s32 $0x800, s9;
	s26 =	sadd.s32 $0xC00, s9;
	[dreg:$0x7] =	wrdreg s9  }
0xe: {  	s2 =	simm.s32 $0x980;
	s5 =	simm.s32 $0xA00;
	[dreg:$0x8] =	wrdreg s24  }
0xf: {  	s22 =	simm.s32 $0x1280;
	s4 =	sshrl.u32 s4, $0x3;
	[dreg:$0x9] =	wrdreg s25  }
0x10: {  	[dreg:$0xa] =	wrdreg s26;
	s31 =	smax.u32 s23, $0x1;
	s23 =	simm.s32 $0xB00  }
0x11: {  	s24 =	simm.s32 $0x1300;
	s25 =	simm.s32 $0xB80;
	s3 =	sadd.s32 s4, s3  }
0x12: {  	s26 =	simm.s32 $0x1380;
	[dreg:$0xc] =	wrdreg s31;
	s30 =	sadd.s32 $0x34800, s3  }
0x13: {  	v0 =	vimm.f32 $0.0e+00;
	s4 =	simm.s32 $0x0;
	s3 =	simm.s32 $0x1180;
	[dreg:$0xb] =	wrdreg s30  }
.LBB2_1:
0x14: {  	s0 =	simm.s32 $0x1440  }
0x15: {  	[tilespmem:s0+$0xFFFFFFC0] =	vst v0  }
0x16: {  	[tilespmem:s0+$0x30] =	vst v0  }
0x17: {  	[tilespmem:s0+$0x20] =	vst v0  }
0x18: {  	[tilespmem:s0+$0x10] =	vst v0  }
0x19: {  	[tilespmem:s0+$0x0] =	vst v0  }
0x1a: {  	[tilespmem:s0+$0xFFFFFFF0] =	vst v0  }
0x1b: {  	[dreg:$0xd] =	wrdreg s4;
	s4 =	simm.s32 $0x0;
	[tilespmem:s0+$0xFFFFFFE0] =	vst v0  }
.LBB2_2:
0x1c: {  	s4 =	sadd.s32 $0x8, s4;
	[tilespmem:s0+$0xFFFFFFD0] =	vst v0;
	s0 =	sadd.s32 $0x80, s0  }
0x1d: {  	[tilespmem:s0+$0xFFFFFFC0] =	vst v0;
	p0 =	slt.u32 s4, $0xB8  }
0x1e: {  	[tilespmem:s0+$0x30] =	vst v0  }
.Ltmp0:
0x1f: {  	[tilespmem:s0+$0x20] =	vst v0;
	(pc) =	sbr.rel @p0 .LBB2_2-.Ltmp0, $4  }
0x20: {  	[tilespmem:s0+$0x10] =	vst v0  }
0x21: {  	[tilespmem:s0+$0x0] =	vst v0  }
0x22: {  	[tilespmem:s0+$0xFFFFFFF0] =	vst v0  }
0x23: {  	[tilespmem:s0+$0xFFFFFFE0] =	vst v0  }
0x24: {  	[tilespmem:s0+$0xFFFFFFD0] =	vst v0  }
0x25: {  	[tilespmem:$0x2000] =	vst v0  }
0x26: {  	[tilespmem:$0x2010] =	vst v0  }
0x27: {  	[tilespmem:$0x2020] =	vst v0  }
0x28: {  	[tilespmem:$0x2030] =	vst v0  }
0x29: {  	[spmem:s9] =	stream.linear.scatter [tilespmem:s29], [sflag:$0x3], $0x400, $0x38;
	[tilespmem:$0x2CC0] =	vst v63  }
0x2a: {  	_ =	swait.ge [sflag:s16], $0x400  }
0x2b: {  	[sflag:s16] =	ssyncset.done $0x0  }
0x2c: {  	s9 =	rddreg [dreg:$0x8];
	[sflag:s16] =	ssyncadd.s32 $0xFFFFFC00  }
0x2d: {  	[spmem:s9] =	stream.linear.scatter [tilespmem:s29], [sflag:$0x3], $0x400, $0x38;
	[tilespmem:$0x2CC0] =	vst v63  }
0x2e: {  	_ =	swait.ge [sflag:s16], $0x400  }
0x2f: {  	[sflag:s16] =	ssyncset.done $0x0  }
0x30: {  	s30 =	rddreg [dreg:$0x9];
	[sflag:s16] =	ssyncadd.s32 $0xFFFFFC00  }
0x31: {  	[spmem:s30] =	stream.linear.scatter [tilespmem:s29], [sflag:$0x3], $0x400, $0x38;
	[tilespmem:$0x2CC0] =	vst v63  }
0x32: {  	_ =	swait.ge [sflag:s16], $0x400  }
0x33: {  	[sflag:s16] =	ssyncset.done $0x0  }
0x34: {  	s31 =	rddreg [dreg:$0xa];
	[sflag:s16] =	ssyncadd.s32 $0xFFFFFC00  }
0x35: {  	[spmem:s31] =	stream.linear.scatter [tilespmem:s29], [sflag:$0x3], $0x40, $0x38;
	[tilespmem:$0x2CC0] =	vst v63  }
0x36: {  	_ =	swait.ge [sflag:s16], $0x40  }
0x37: {  	[sflag:s16] =	ssyncset.done $0x0  }
0x38: {  	[sflag:s16] =	ssyncadd.s32 $0xFFFFFFC0  }
0x39: {  	s29 =	simm.s32 $0x0;
	[bflag:$0x0] =	sbarrier.arrive $0xFFFF  }
.LBB2_4:
0x3a: {  	s0 =	sshll.u32 s29, $0x7  }
0x3b: {  	s4 =	rddreg [dreg:$0x2];
	s0 =	sadd.s32 s12, s0  }
0x3c: {  	s4 =	sadd.s32 s4, s0  }
0x3d: {  	[tilespmem:s17], [sflag:$0x3] =	stream.linear.gather [hbm4b:s4+s7], $0x400, $0x38;
	[tilespmem:$0x2CC0] =	vst v63  }
0x3e: {  	_ =	swait.ge [sflag:s16], $0x400  }
0x3f: {  	[sflag:s16] =	ssyncset.done $0x0  }
0x40: {  	[sflag:s16] =	ssyncadd.s32 $0xFFFFFC00  }
0x41: {  	s9 =	rddreg [dreg:$0x3]  }
0x42: {  	s4 =	sadd.s32 s9, s0  }
0x43: {  	[tilespmem:s18], [sflag:$0x3] =	stream.linear.gather [hbm4b:s4+s7], $0x400, $0x38;
	[tilespmem:$0x2CC0] =	vst v63  }
0x44: {  	_ =	swait.ge [sflag:s16], $0x400  }
0x45: {  	[sflag:s16] =	ssyncset.done $0x0  }
0x46: {  	[sflag:s16] =	ssyncadd.s32 $0xFFFFFC00  }
0x47: {  	s9 =	rddreg [dreg:$0x1]  }
0x48: {  	s0 =	sadd.s32 s9, s0;
	s9 =	simm.s32 $0xC00  }
0x49: {  	[tilespmem:s9], [sflag:$0x3] =	stream.linear.gather [hbm4b:s0+s7], $0x400, $0x38;
	[tilespmem:$0x2CC0] =	vst v63  }
0x4a: {  	_ =	swait.ge [sflag:s16], $0x400  }
0x4b: {  	[sflag:s16] =	ssyncset.done $0x0  }
0x4c: {  	[sflag:s16] =	ssyncadd.s32 $0xFFFFFC00  }
0x4d: {  	[tilespmem:s7], [sflag:$0x1] =	stream.indirect.gather [hbm4b:s1+s20], $0x1, s17, s20, $0xb8;
	[tilespmem:$0x2CC0] =	vst v63  }
0x4e: {  	s9 =	simm.s32 $0x480  }
0x4f: {  	[tilespmem:s20], [sflag:$0x1] =	stream.indirect.gather [hbm4b:s1+s20], $0x1, s9, s20, $0xb8;
	[tilespmem:$0x2CC0] =	vst v63  }
0x50: {  	s4 =	simm.s32 $0x500;
	s9 =	simm.s32 $0x100  }
0x51: {  	[tilespmem:s9], [sflag:$0x1] =	stream.indirect.gather [hbm4b:s1+s20], $0x1, s4, s20, $0xb8;
	[tilespmem:$0x2CC0] =	vst v63  }
0x52: {  	s4 =	simm.s32 $0x580;
	s9 =	simm.s32 $0x180  }
0x53: {  	[tilespmem:s9], [sflag:$0x1] =	stream.indirect.gather [hbm4b:s1+s20], $0x1, s4, s20, $0xb8;
	[tilespmem:$0x2CC0] =	vst v63  }
0x54: {  	s4 =	simm.s32 $0x600;
	s9 =	simm.s32 $0x200  }
0x55: {  	[tilespmem:s9], [sflag:$0x1] =	stream.indirect.gather [hbm4b:s1+s20], $0x1, s4, s20, $0xb8;
	[tilespmem:$0x2CC0] =	vst v63  }
0x56: {  	s4 =	simm.s32 $0x680;
	s9 =	simm.s32 $0x280  }
0x57: {  	[tilespmem:s9], [sflag:$0x1] =	stream.indirect.gather [hbm4b:s1+s20], $0x1, s4, s20, $0xb8;
	[tilespmem:$0x2CC0] =	vst v63  }
0x58: {  	s4 =	simm.s32 $0x700;
	s9 =	simm.s32 $0x300  }
0x59: {  	[tilespmem:s9], [sflag:$0x1] =	stream.indirect.gather [hbm4b:s1+s20], $0x1, s4, s20, $0xb8;
	[tilespmem:$0x2CC0] =	vst v63  }
0x5a: {  	s4 =	simm.s32 $0x780;
	s9 =	simm.s32 $0x380  }
0x5b: {  	[tilespmem:s9], [sflag:$0x1] =	stream.indirect.gather [hbm4b:s1+s20], $0x1, s4, s20, $0xb8;
	[tilespmem:$0x2CC0] =	vst v63  }
0x5c: {  	_ =	swait.ge [sflag:s10], $0x80  }
0x5d: {  	[sflag:s10] =	ssyncset.done $0x0  }
0x5e: {  	[sflag:s10] =	ssyncadd.s32 $0xFFFFFF80  }
0x5f: {  	_ =	swait.ge [sflag:s10], $0x80  }
0x60: {  	[sflag:s10] =	ssyncset.done $0x0  }
0x61: {  	[sflag:s10] =	ssyncadd.s32 $0xFFFFFF80  }
0x62: {  	_ =	swait.ge [sflag:s10], $0x80  }
0x63: {  	[sflag:s10] =	ssyncset.done $0x0  }
0x64: {  	[sflag:s10] =	ssyncadd.s32 $0xFFFFFF80  }
0x65: {  	_ =	swait.ge [sflag:s10], $0x80  }
0x66: {  	[sflag:s10] =	ssyncset.done $0x0  }
0x67: {  	[sflag:s10] =	ssyncadd.s32 $0xFFFFFF80  }
0x68: {  	_ =	swait.ge [sflag:s10], $0x80  }
0x69: {  	[sflag:s10] =	ssyncset.done $0x0  }
0x6a: {  	[sflag:s10] =	ssyncadd.s32 $0xFFFFFF80  }
0x6b: {  	_ =	swait.ge [sflag:s10], $0x80  }
0x6c: {  	[sflag:s10] =	ssyncset.done $0x0  }
0x6d: {  	[sflag:s10] =	ssyncadd.s32 $0xFFFFFF80  }
0x6e: {  	_ =	swait.ge [sflag:s10], $0x80  }
0x6f: {  	[sflag:s10] =	ssyncset.done $0x0  }
0x70: {  	[sflag:s10] =	ssyncadd.s32 $0xFFFFFF80  }
0x71: {  	_ =	swait.ge [sflag:s10], $0x80  }
0x72: {  	[sflag:s10] =	ssyncset.done $0x0  }
0x73: {  	s30 =	simm.s32 $0x40;
	[sflag:s10] =	ssyncadd.s32 $0xFFFFFF80  }
0x74: {  	s31 =	simm.s32 $0xC40;
	v1 =	vld [tilespmem:s30+$0xFFFFFFC0]  }
0x75: {  	v2 =	vld [tilespmem:s31+$0xFFFFFFC0];
	_ =	sdelay $0x4  }
0x76: {  	v1 =	vadd.f32 v2, v1;
	_ =	sdelay $0x1  }
0x77: {  	s4 =	simm.s32 $0x1040;
	v1 =	vmax.f32 v1, $0.0e+00  }
0x78: {  	[tilespmem:s4+$0xFFFFFFC0] =	vst v1  }
0x79: {  	v1 =	vld [tilespmem:s30+$0xFFFFFFD0]  }
0x7a: {  	v2 =	vld [tilespmem:s31+$0xFFFFFFD0];
	_ =	sdelay $0x4  }
0x7b: {  	v1 =	vadd.f32 v2, v1;
	_ =	sdelay $0x1  }
0x7c: {  	v1 =	vmax.f32 v1, $0.0e+00  }
0x7d: {  	[tilespmem:s4+$0xFFFFFFD0] =	vst v1  }
0x7e: {  	v1 =	vld [tilespmem:s30+$0xFFFFFFE0]  }
0x7f: {  	v2 =	vld [tilespmem:s31+$0xFFFFFFE0];
	_ =	sdelay $0x4  }
0x80: {  	v1 =	vadd.f32 v2, v1;
	_ =	sdelay $0x1  }
0x81: {  	v1 =	vmax.f32 v1, $0.0e+00  }
0x82: {  	[tilespmem:s4+$0xFFFFFFE0] =	vst v1  }
0x83: {  	v1 =	vld [tilespmem:s30+$0xFFFFFFF0]  }
0x84: {  	v2 =	vld [tilespmem:s31+$0xFFFFFFF0];
	_ =	sdelay $0x4  }
0x85: {  	v1 =	vadd.f32 v2, v1;
	_ =	sdelay $0x1  }
0x86: {  	v1 =	vmax.f32 v1, $0.0e+00  }
0x87: {  	[tilespmem:s4+$0xFFFFFFF0] =	vst v1  }
0x88: {  	v1 =	vld [tilespmem:s30+$0x0]  }
0x89: {  	v2 =	vld [tilespmem:s31+$0x0];
	_ =	sdelay $0x4  }
0x8a: {  	v1 =	vadd.f32 v2, v1;
	_ =	sdelay $0x1  }
0x8b: {  	v1 =	vmax.f32 v1, $0.0e+00  }
0x8c: {  	[tilespmem:s4+$0x0] =	vst v1  }
0x8d: {  	v1 =	vld [tilespmem:s30+$0x10]  }
0x8e: {  	v2 =	vld [tilespmem:s31+$0x10];
	_ =	sdelay $0x4  }
0x8f: {  	v1 =	vadd.f32 v2, v1;
	_ =	sdelay $0x1  }
0x90: {  	v1 =	vmax.f32 v1, $0.0e+00  }
0x91: {  	[tilespmem:s4+$0x10] =	vst v1  }
0x92: {  	v1 =	vld [tilespmem:s30+$0x20]  }
0x93: {  	v2 =	vld [tilespmem:s31+$0x20];
	_ =	sdelay $0x4  }
0x94: {  	v1 =	vadd.f32 v2, v1;
	_ =	sdelay $0x1  }
0x95: {  	v1 =	vmax.f32 v1, $0.0e+00  }
0x96: {  	[tilespmem:s4+$0x20] =	vst v1  }
0x97: {  	v1 =	vld [tilespmem:s30+$0x30]  }
0x98: {  	s0 =	simm.s32 $0x0;
	s9 =	simm.s32 $0x10C0;
	v2 =	vld [tilespmem:s31+$0x30]  }
.LBB2_5:
0x99: {  	s0 =	sadd.s32 $0x8, s0;
	s30 =	sadd.s32 $0x80, s30;
	s31 =	sadd.s32 $0x80, s31  }
0x9a: {  	p0 =	slt.u32 s0, $0x38;
	_ =	sdelay $0x2  }
0x9b: {  	v1 =	vadd.f32 v2, v1;
	_ =	sdelay $0x1  }
0x9c: {  	v1 =	vmax.f32 v1, $0.0e+00  }
0x9d: {  	[tilespmem:s4+$0x30] =	vst v1;
	s4 =	smov.u32 s9  }
0x9e: {  	v1 =	vld [tilespmem:s30+$0xFFFFFFC0]  }
0x9f: {  	v2 =	vld [tilespmem:s31+$0xFFFFFFC0];
	_ =	sdelay $0x4  }
0xa0: {  	v1 =	vadd.f32 v2, v1;
	_ =	sdelay $0x1  }
0xa1: {  	v1 =	vmax.f32 v1, $0.0e+00  }
0xa2: {  	[tilespmem:s9+$0xFFFFFFC0] =	vst v1  }
0xa3: {  	v1 =	vld [tilespmem:s30+$0xFFFFFFD0]  }
0xa4: {  	v2 =	vld [tilespmem:s31+$0xFFFFFFD0];
	_ =	sdelay $0x4  }
0xa5: {  	v1 =	vadd.f32 v2, v1;
	_ =	sdelay $0x1  }
0xa6: {  	v1 =	vmax.f32 v1, $0.0e+00  }
0xa7: {  	[tilespmem:s9+$0xFFFFFFD0] =	vst v1  }
0xa8: {  	v1 =	vld [tilespmem:s30+$0xFFFFFFE0]  }
0xa9: {  	v2 =	vld [tilespmem:s31+$0xFFFFFFE0];
	_ =	sdelay $0x4  }
0xaa: {  	v1 =	vadd.f32 v2, v1;
	_ =	sdelay $0x1  }
0xab: {  	v1 =	vmax.f32 v1, $0.0e+00  }
0xac: {  	[tilespmem:s9+$0xFFFFFFE0] =	vst v1  }
0xad: {  	v1 =	vld [tilespmem:s30+$0xFFFFFFF0]  }
0xae: {  	v2 =	vld [tilespmem:s31+$0xFFFFFFF0];
	_ =	sdelay $0x4  }
0xaf: {  	v1 =	vadd.f32 v2, v1;
	_ =	sdelay $0x1  }
0xb0: {  	v1 =	vmax.f32 v1, $0.0e+00  }
0xb1: {  	[tilespmem:s9+$0xFFFFFFF0] =	vst v1  }
0xb2: {  	v1 =	vld [tilespmem:s30+$0x0]  }
0xb3: {  	v2 =	vld [tilespmem:s31+$0x0];
	_ =	sdelay $0x4  }
0xb4: {  	v1 =	vadd.f32 v2, v1;
	_ =	sdelay $0x1  }
0xb5: {  	v1 =	vmax.f32 v1, $0.0e+00  }
0xb6: {  	[tilespmem:s9+$0x0] =	vst v1  }
0xb7: {  	v1 =	vld [tilespmem:s30+$0x10]  }
0xb8: {  	v2 =	vld [tilespmem:s31+$0x10];
	_ =	sdelay $0x4  }
0xb9: {  	v1 =	vadd.f32 v2, v1;
	_ =	sdelay $0x1  }
0xba: {  	v1 =	vmax.f32 v1, $0.0e+00  }
0xbb: {  	[tilespmem:s9+$0x10] =	vst v1  }
0xbc: {  	v1 =	vld [tilespmem:s30+$0x20]  }
0xbd: {  	v2 =	vld [tilespmem:s31+$0x20];
	_ =	sdelay $0x4  }
0xbe: {  	v1 =	vadd.f32 v2, v1  }
.Ltmp1:
0xbf: {  	(pc) =	sbr.rel @p0 .LBB2_5-.Ltmp1, $4  }
0xc0: {  	v1 =	vmax.f32 v1, $0.0e+00  }
0xc1: {  	[tilespmem:s9+$0x20] =	vst v1  }
0xc2: {  	v1 =	vld [tilespmem:s30+$0x30]  }
0xc3: {  	s9 =	sadd.s32 $0x80, s9;
	v2 =	vld [tilespmem:s31+$0x30]  }
0xc4: {  	_ =	sdelay $0x3  }
0xc5: {  	v1 =	vadd.f32 v2, v1;
	_ =	sdelay $0x1  }
0xc6: {  	v1 =	vmax.f32 v1, $0.0e+00  }
0xc7: {  	[tilespmem:s4+$0x30] =	vst v1  }
0xc8: {  	[spmem:s6] =	stream.indirect.scatter.add.f32 [tilespmem:s11], [sflag:$0x2], $0x1, s18, s20, $0xb8;
	[tilespmem:$0x2CC0] =	vst v63  }
0xc9: {  	_ = 	snop  }
0xca: {  	[spmem:s6] =	stream.indirect.scatter.add.f32 [tilespmem:s14], [sflag:$0x2], $0x1, s13, s20, $0xb8;
	[tilespmem:$0x2CC0] =	vst v63  }
0xcb: {  	_ = 	snop  }
0xcc: {  	[spmem:s6] =	stream.indirect.scatter.add.f32 [tilespmem:s15], [sflag:$0x2], $0x1, s8, s20, $0xb8;
	[tilespmem:$0x2CC0] =	vst v63  }
0xcd: {  	_ = 	snop  }
0xce: {  	[spmem:s6] =	stream.indirect.scatter.add.f32 [tilespmem:s3], [sflag:$0x2], $0x1, s2, s20, $0xb8;
	[tilespmem:$0x2CC0] =	vst v63  }
0xcf: {  	_ = 	snop  }
0xd0: {  	[spmem:s6] =	stream.indirect.scatter.add.f32 [tilespmem:s19], [sflag:$0x2], $0x1, s5, s20, $0xb8;
	[tilespmem:$0x2CC0] =	vst v63  }
0xd1: {  	_ = 	snop  }
0xd2: {  	[spmem:s6] =	stream.indirect.scatter.add.f32 [tilespmem:s22], [sflag:$0x2], $0x1, s21, s20, $0xb8;
	[tilespmem:$0x2CC0] =	vst v63  }
0xd3: {  	_ = 	snop  }
0xd4: {  	[spmem:s6] =	stream.indirect.scatter.add.f32 [tilespmem:s24], [sflag:$0x2], $0x1, s23, s20, $0xb8;
	[tilespmem:$0x2CC0] =	vst v63  }
0xd5: {  	_ = 	snop  }
0xd6: {  	[spmem:s6] =	stream.indirect.scatter.add.f32 [tilespmem:s26], [sflag:$0x2], $0x1, s25, s20, $0xb8;
	[tilespmem:$0x2CC0] =	vst v63  }
0xd7: {  	_ =	swait.ge [sflag:s28], $0x80  }
0xd8: {  	[sflag:s28] =	ssyncset.done $0x0  }
0xd9: {  	[sflag:s28] =	ssyncadd.s32 $0xFFFFFF80  }
0xda: {  	_ =	swait.ge [sflag:s28], $0x80  }
0xdb: {  	[sflag:s28] =	ssyncset.done $0x0  }
0xdc: {  	[sflag:s28] =	ssyncadd.s32 $0xFFFFFF80  }
0xdd: {  	_ =	swait.ge [sflag:s28], $0x80  }
0xde: {  	[sflag:s28] =	ssyncset.done $0x0  }
0xdf: {  	[sflag:s28] =	ssyncadd.s32 $0xFFFFFF80  }
0xe0: {  	_ =	swait.ge [sflag:s28], $0x80  }
0xe1: {  	[sflag:s28] =	ssyncset.done $0x0  }
0xe2: {  	[sflag:s28] =	ssyncadd.s32 $0xFFFFFF80  }
0xe3: {  	_ =	swait.ge [sflag:s28], $0x80  }
0xe4: {  	[sflag:s28] =	ssyncset.done $0x0  }
0xe5: {  	[sflag:s28] =	ssyncadd.s32 $0xFFFFFF80  }
0xe6: {  	_ =	swait.ge [sflag:s28], $0x80  }
0xe7: {  	[sflag:s28] =	ssyncset.done $0x0  }
0xe8: {  	s29 =	sadd.s32 $0x1, s29;
	[sflag:s28] =	ssyncadd.s32 $0xFFFFFF80  }
0xe9: {  	p0 =	sne.s32 s29, $0x19;
	_ =	swait.ge [sflag:s28], $0x80  }
.Ltmp2:
0xea: {  	[sflag:s28] =	ssyncset.done $0x0;
	(pc) =	sbr.rel @p0 .LBB2_4-.Ltmp2, $4  }
0xeb: {  	[sflag:s28] =	ssyncadd.s32 $0xFFFFFF80  }
0xec: {  	_ =	swait.ge [sflag:s28], $0x80  }
0xed: {  	[sflag:s28] =	ssyncset.done $0x0  }
0xee: {  	[sflag:s28] =	ssyncadd.s32 $0xFFFFFF80  }
0xef: {  	[bflag:$0x0] =	sbarrier.arrive $0xFFFF  }
0xf0: {  	s29 =	simm.s32 $0x1400;
	s9 =	rddreg [dreg:$0x7]  }
0xf1: {  	[tilespmem:s29], [sflag:$0x3] =	stream.linear.gather [spmem:s9], $0xC40, $0x38;
	[tilespmem:$0x2CC0] =	vst v63  }
0xf2: {  	_ =	swait.ge [sflag:s16], $0xC40  }
0xf3: {  	[sflag:s16] =	ssyncset.done $0x0  }
0xf4: {  	s0 =	rddreg [dreg:$0xb];
	[sflag:s16] =	ssyncadd.s32 $0xFFFFF3C0  }
0xf5: {  	[hbm4b:s0+s7] =	stream.linear.scatter [tilespmem:s29], [sflag:$0x3], $0xC40, $0x38;
	[tilespmem:$0x2CC0] =	vst v63  }
0xf6: {  	_ =	swait.ge [sflag:s16], $0xC40  }
0xf7: {  	s4 =	rddreg [dreg:$0xd]  }
0xf8: {  	s31 =	rddreg [dreg:$0xc];
	s4 =	sadd.s32 $0x1, s4  }
0xf9: {  	p0 =	sne.s32 s4, s31  }
.Ltmp3:
0xfa: {  	_ = 	snop;
	(pc) =	sbr.rel @p0 .LBB2_1-.Ltmp3, $3  }
0xfb: {  	_ =	sdelay $0x1  }
0xfc: {  	[sflag:s16] =	ssyncset.done $0x0  }
0xfd: {  	[sflag:s16] =	ssyncadd.s32 $0xFFFFF3C0  }
0xfe: {  	_ =	sfence.sel $0x180000  }
0xff: {  	[bflag:$0x0] =	sbarrier.arrive $0xFFFF  }
0x100: {  	_ =	strace $0x90000047  }
0x101: {  	s0 =	stileid.u32;
	[bflag:$0x2] =	sbarrier.arrive $0xFFFF  }
0x102: {  	p0 =	sne.s32 s0, $0x0;
	s0 =	rddreg [dreg:$0x6]  }
0x103: {  	s0 =	sadd.s32 @!p0 $0x100000, s0  }
0x104: {  	[sflag:s0] =	ssyncadd.tile.s32 @!p0 $0x1;
	_ =	shalt  }
.Lfunc_end2:
_tile_overlayer_lowered:
.L_overlay_start_2:
0x105: {  	(tag) =	ssettag $0x2  }
0x106: {  	s0 =	rddreg [dreg:$0x0];
	s2 =	stileid.u32  }
0x107: {  	s1 =	rddreg [dreg:$0x1];
	p0 =	sne.s32 s2, $0x0  }
0x108: {  	s3 =	rddreg [dreg:$0x2];
	[bflag:$0x3] =	sbarrier.arrive $0xFFFF;
	s2 =	simm.s32 @!p0 $0x1C03  }
0x109: {  	[timem:s3], [sflag:s2] =	dma.local @!p0 [hbm:s0], s1  }
0x10a: {  	s0 =	simm.s32 @!p0 $0x3  }
0x10b: {  	_ =	swait.ge @!p0 [sflag:s0], s1  }
0x10c: {  	s1 =	ssub.s32 @!p0 $0x0, s1;
	[sflag:s0] =	ssyncset.done @!p0 $0x0  }
0x10d: {  	[sflag:s0] =	ssyncadd.s32 @!p0 s1  }
0x10e: {  	[bflag:$0x3] =	sbarrier.arrive $0xFFFF  }
0x10f: {  	_ =	shalt  }

// kernel: scatter_offload_async_start
scs
__scs_entry_jumppad:
0x0: {  	(pc) =	sbr.rel $0x88, $3  }
0x1: {  	(tag) =	ssettag $0x0;
	lr =	simm.s32 $0x1  }
0x2: {  	[smem:$0x3F88] =	sst lr;
	_ =	strace $0xD0000000  }
0x3: {  	_ = 	snop  }
0x4: {  	_ = 	snop  }
0x5: {  	_ = 	snop  }
0x6: {  	_ = 	snop  }
0x7: {  	_ = 	snop  }
__scs_overlays_trampoline_lowered:
0x8: {  	[smem:$0x3F97] =	sst s0  }
0x9: {  	[smem:$0x3F98] =	sst s1  }
0xa: {  	[smem:$0x3F99] =	sst s2  }
0xb: {  	[smem:$0x3F9A] =	sst s3  }
0xc: {  	[smem:$0x3F9B] =	sst s4  }
0xd: {  	[smem:$0x3F9C] =	sst s5  }
0xe: {  	[smem:$0x3F9D] =	sst s6  }
0xf: {  	[smem:$0x3F9E] =	sst s7  }
0x10: {  	[smem:$0x3F9F] =	sst s8  }
0x11: {  	[smem:$0x3FA0] =	sst s9;
	s0 =	simm.s32 @!p0 $0x0  }
0x12: {  	s1 =	sld [smem:$0x3F86];
	s0 =	simm.s32 @p0 $0x1  }
0x13: {  	[smem:$0x3FA1] =	sst s0;
	s0 =	simm.s32 @!p1 $0x0  }
0x14: {  	s2 =	sld [smem:$0x3F85];
	s0 =	simm.s32 @p1 $0x1  }
0x15: {  	[smem:$0x3FA2] =	sst s0;
	s0 =	simm.s32 @!p2 $0x0  }
0x16: {  	s3 =	sld [smem:$0x3FDB];
	s0 =	simm.s32 @p2 $0x1  }
0x17: {  	s4 =	simm.s32 $0x1BF5;
	[smem:$0x3FA4] =	sst s0  }
0x18: {  	s0 =	sld [smem:$0x3F87];
	_ =	swait.ge [sflag:s4], $0x0  }
0x19: {  	s7 =	sld [smem:$0x3F88]  }
0x1a: {  	s8 =	sadd.s32 $0xFFFFE003, lr  }
0x1b: {  	s9 =	sadd.s32 $0xFFFFFEF7, lr;
	s5 =	simm.s32 $0xFFFFFFFF;
	p2 =	slt.u32 s8, $0xFFFFF086  }
0x1c: {  	p1 =	slt.u32 s9, $0xF7A;
	s5 =	simm.s32 @!p2 $0x0  }
0x1d: {  	s5 =	simm.s32 @p1 $0x1;
	p0 =	seq.s32 s7, s2  }
0x1e: {  	s7 =	smul.u32 @!p0 $0xF7A, s2;
	p2 =	seq.s32 @!p0 s5, $0x0  }
0x1f: {  	s9 =	smul.u32 $0xF7A, s1;
	s8 =	simm.s32 @!p0 $0x1BF5;
	p2 =	por !p2, p0  }
0x20: {  	[sflag:s8] =	ssyncset.s32 @!p0 $0xFFFFF086;
	s6 =	sadd.s32 @!p0 s3, s7;
	s7 =	simm.s32 @!p0 $0x108  }
0x21: {  	s3 =	sadd.s32 s3, s9;
	s6 =	sadd.s32 @!p0 $0x88, s6;
	s7 =	simm.s32 @p2 $0x1082  }
0x22: {  	[simem:s7], [sflag:s8] =	dma.local @!p0 [hbm:s6], $0xF7A  }
0x23: {  	s9 =	sor.u32 $0xD0000000, s2;
	s6 =	simm.s32 $0x108;
	_ =	swait.ge @!p0 [sflag:s8], $0x0  }
0x24: {  	s3 =	sadd.s32 $0x88, s3;
	s6 =	simm.s32 @!p1 $0x1082;
	[sflag:s4] =	ssyncset.s32 $0xFFFFF086  }
0x25: {  	[simem:s6], [sflag:s4] =	dma.local [hbm:s3], $0xF7A  }
0x26: {  	[smem:$0x3F88] =	sst s1;
	(tag) =	ssettag s2;
	_ =	strace s9  }
0x27: {  	s1 =	sld [smem:$0x3F98]  }
0x28: {  	s2 =	sld [smem:$0x3F99]  }
0x29: {  	s4 =	sld [smem:$0x3F9B]  }
0x2a: {  	p0 =	seq.s32 s5, $0x0;
	s5 =	sld [smem:$0x3F9C]  }
0x2b: {  	s6 =	sld [smem:$0x3F9D]  }
0x2c: {  	s7 =	sld [smem:$0x3F9E]  }
0x2d: {  	s3 =	simm.s32 $0x108;
	s8 =	sld [smem:$0x3F9F]  }
0x2e: {  	s3 =	simm.s32 @!p0 $0x1082;
	s9 =	sld [smem:$0x3FA0]  }
0x2f: {  	lr =	sadd.s32 s0, s3;
	s0 =	sld [smem:$0x3F97]  }
0x30: {  	s3 =	sld [smem:$0x3F9A]  }
0x31: {  	[smem:$0x3FA3] =	sst s10  }
0x32: {  	s10 =	sld [smem:$0x3FA1];
	_ =	sdelay $0x3  }
0x33: {  	p0 =	seq.s32 s10, $0x1;
	s10 =	sld [smem:$0x3FA3];
	_ =	sdelay $0x3  }
0x34: {  	[smem:$0x3FA3] =	sst s10  }
0x35: {  	s10 =	sld [smem:$0x3FA2];
	_ =	sdelay $0x3  }
0x36: {  	p1 =	seq.s32 s10, $0x1;
	s10 =	sld [smem:$0x3FA3];
	_ =	sdelay $0x3  }
0x37: {  	[smem:$0x3FA3] =	sst s10  }
0x38: {  	s10 =	sld [smem:$0x3FA4]  }
0x39: {  	_ = 	snop;
	(pc) =	sbr.ind lr, $3  }
0x3a: {  	_ = 	snop  }
0x3b: {  	_ = 	snop  }
0x3c: {  	p2 =	seq.s32 s10, $0x1;
	s10 =	sld [smem:$0x3FA3]  }
0x3d: {  	_ =	shalt  }
0x3e: {  	_ =	shalt  }
0x3f: {  	_ =	shalt  }
0x40: {  	_ =	shalt  }
0x41: {  	_ =	shalt  }
0x42: {  	_ =	shalt  }
0x43: {  	_ =	shalt  }
0x44: {  	_ =	shalt  }
0x45: {  	_ =	shalt  }
0x46: {  	_ =	shalt  }
0x47: {  	_ =	shalt  }
0x48: {  	_ =	shalt  }
0x49: {  	_ =	shalt  }
0x4a: {  	_ =	shalt  }
0x4b: {  	_ =	shalt  }
0x4c: {  	_ =	shalt  }
0x4d: {  	_ =	shalt  }
0x4e: {  	_ =	shalt  }
0x4f: {  	_ =	shalt  }
0x50: {  	_ =	shalt  }
0x51: {  	_ =	shalt  }
0x52: {  	_ =	shalt  }
0x53: {  	_ =	shalt  }
0x54: {  	_ =	shalt  }
0x55: {  	_ =	shalt  }
0x56: {  	_ =	shalt  }
0x57: {  	_ =	shalt  }
0x58: {  	_ =	shalt  }
0x59: {  	_ =	shalt  }
0x5a: {  	_ =	shalt  }
0x5b: {  	_ =	shalt  }
0x5c: {  	_ =	shalt  }
0x5d: {  	_ =	shalt  }
0x5e: {  	_ =	shalt  }
0x5f: {  	_ =	shalt  }
0x60: {  	_ =	shalt  }
0x61: {  	_ =	shalt  }
0x62: {  	_ =	shalt  }
0x63: {  	_ =	shalt  }
0x64: {  	_ =	shalt  }
0x65: {  	_ =	shalt  }
0x66: {  	_ =	shalt  }
0x67: {  	_ =	shalt  }
0x68: {  	_ =	shalt  }
0x69: {  	_ =	shalt  }
0x6a: {  	_ =	shalt  }
0x6b: {  	_ =	shalt  }
0x6c: {  	_ =	shalt  }
0x6d: {  	_ =	shalt  }
0x6e: {  	_ =	shalt  }
0x6f: {  	_ =	shalt  }
0x70: {  	_ =	shalt  }
0x71: {  	_ =	shalt  }
0x72: {  	_ =	shalt  }
0x73: {  	_ =	shalt  }
0x74: {  	_ =	shalt  }
0x75: {  	_ =	shalt  }
0x76: {  	_ =	shalt  }
0x77: {  	_ =	shalt  }
0x78: {  	_ =	shalt  }
0x79: {  	_ =	shalt  }
0x7a: {  	_ =	shalt  }
0x7b: {  	_ =	shalt  }
0x7c: {  	_ =	shalt  }
0x7d: {  	_ =	shalt  }
0x7e: {  	_ =	shalt  }
0x7f: {  	_ =	shalt  }
0x80: {  	_ =	shalt  }
0x81: {  	_ =	shalt  }
0x82: {  	_ =	shalt  }
0x83: {  	_ =	shalt  }
0x84: {  	_ =	shalt  }
0x85: {  	_ =	shalt  }
0x86: {  	_ =	shalt  }
0x87: {  	_ =	shalt  }
.Lfunc_end0:
.L_simem_size_0:
called_computation_lowered:
.L_overlay_start_0:
0x88: {  	s2 =	sld [smem:$0x3FD9]  }
0x89: {  	s3 =	sld [smem:$0x3FFE];
	_ =	sdelay $0x1  }
0x8a: {  	s1 =	srdreg.scid  }
0x8b: {  	s0 =	sand.u32 $0x1, s1  }
0x8c: {  	s15 =	sshll.u32 s0, $0xA;
	s2 =	sadd.s32 s3, s2  }
0x8d: {  	s2 =	sadd.s32 s2, s15  }
0x8e: {  	[smem:$0x3FAF] =	sst s2  }
0x8f: {  	_ = 	snop  }
0x90: {  	(tm) =	ssettm $0x1  }
0x91: {  	s16 =	sld [smem:$0x3FFB];
	_ =	sdelay $0x3  }
0x92: {  	_ =	strace s16  }
0x93: {  	s2 =	sld [smem:$0x3FFC];
	_ =	sdelay $0x3  }
0x94: {  	_ =	strace s2  }
0x95: {  	s2 =	sld [smem:$0x3FFD];
	_ =	sdelay $0x3  }
0x96: {  	_ =	strace s2  }
0x97: {  	_ =	strace $0x8FFFFFFF  }
0x98: {  	s17 =	sld [smem:$0x3FDB];
	_ =	sdelay $0x1  }
0x99: {  	s18 =	simm.s32 $_scs_section_size  }
0x9a: {  	s4 =	simm.s32 $_size__tile_overlayer_lowered;
	s5 =	simm.s32 $_tile_overlayer_lowered  }
0x9b: {  	s21 =	simm.s32 $0x1BFF;
	s20 =	sshll.u32 s5, $0x1;
	s2 =	sadd.s32 s18, s17  }
0x9c: {  	s6 =	simm.s32 $0x0;
	s19 =	sshll.u32 s4, $0x1;
	s4 =	sadd.s32 s20, s2  }
0x9d: {  	[timem:s6], [sflag:s21] =	dma.local [hbm:s4], s19  }
0x9e: {  	_ =	swait.ge [sflag:s21], s19  }
0x9f: {  	s3 =	ssub.s32 $0x0, s19;
	[sflag:s21] =	ssyncset.done $0x0  }
0xa0: {  	[sflag:s21] =	ssyncadd.s32 s3;
	_ =	sdelay $0x1  }
0xa1: {  	s22 =	simm.s32 $0x1B8B  }
0xa2: {  	_ =	swait.ge [sflag:s22], $0x1  }
0xa3: {  	[sflag:s22] =	ssyncset.done $0x0  }
0xa4: {  	s23 =	sld [smem:$0x3FFE];
	[sflag:s22] =	ssyncadd.s32 $0xFFFFFFFF  }
0xa5: {  	s25 =	simm.s32 $0x1B8E;
	s24 =	sld [smem:$0x0]  }
0xa6: {  	s26 =	simm.s32 $execute0_lowered;
	[smem:$0x3FD2] =	sst s25  }
0xa7: {  	s5 =	sshll.u32 s26, $0x1;
	_ =	strace $0x80000049;
	[dreg:$0x1] =	wrdreg $0xFFFFFFFF  }
0xa8: {  	s28 =	simm.s32 $_size_execute0_lowered;
	s2 =	sadd.s32 s2, s5;
	[dreg:$0x0] =	wrdreg $0x0  }
0xa9: {  	s5 =	sshll.u32 s28, $0x1;
	[dreg:$0x2] =	wrdreg s2  }
0xaa: {  	[dreg:$0x3] =	wrdreg s5  }
0xab: {  	[dreg:$0x4] =	wrdreg $0xC0  }
0xac: {  	_ =	task [dreg:s6], $0x5FFFF  }
0xad: {  	[dreg:$0x1] =	wrdreg $0xFFFFFFFF  }
0xae: {  	[dreg:$0x0] =	wrdreg $0x60  }
0xaf: {  	[dreg:$0x2] =	wrdreg s23  }
0xb0: {  	[dreg:$0x3] =	wrdreg s1  }
0xb1: {  	[dreg:$0x4] =	wrdreg s24  }
0xb2: {  	[dreg:$0x5] =	wrdreg $0x9  }
0xb3: {  	_ =	task.clear_ibuf [dreg:s6], $0x6FFFF;
	_ =	strace $0x90000049  }
0xb4: {  	s29 =	simm.s32 $0x9;
	_ =	strace $0x8000004B  }
0xb5: {  	_ =	swait.ge [sflag:s29], $0x1  }
0xb6: {  	[sflag:s29] =	ssyncadd.s32 $0xFFFFFFFF  }
0xb7: {  	_ =	strace $0x9000004B  }
0xb8: {  	_ =	sfence  }
0xb9: {  	s30 =	sld [smem:$0x0];
	_ =	sdelay $0x2  }
0xba: {  	s31 =	sshll.u32 s1, $0xD;
	s1 =	sshrl.u32 s1, $0x2  }
0xbb: {  	s3 =	sand.u32 $0x4000, s31;
	s1 =	sadd.s32 s1, s30  }
0xbc: {  	s0 =	sor.u32 s3, s0;
	s1 =	sshll.u32 s1, $0x11  }
0xbd: {  	s0 =	sor.u32 s1, s0  }
0xbe: {  	s0 =	sadd.s32 $0x8F2B, s0  }
0xbf: {  	[sflag:s0] =	ssyncadd.remote.s32 $0x1  }
0xc0: {  	_ =	sfence.sel $0xFFFF  }
0xc1: {  	[dreg:$0x0] =	wrdreg $0xFFFFFFFF;
	(pc) =	sbr.abs _section_cstart, $3  }
0xc2: {  	[dreg:$0x1] =	wrdreg $0xFFFFFFFF  }
0xc3: {  	_ =	task.clear_ibuf [dreg:s6], $0x2FFFF;
	_ =	strace $0x9FFFFFFF  }
0xc4: {  	(tm) =	ssettm $0x7FFFFFFF  }
0xc5: {  	_ =	shalt  }
tec
execute0_lowered:
.L_overlay_start_1:
0x0: {  	(tag) =	ssettag $0x1  }
0x1: {  	s2 =	rddreg [dreg:$0x0]  }
0x2: {  	s4 =	rddreg [dreg:$0x1];
	_ =	strace $0x8000004A;
	s0 =	simm.s32 $0x1  }
0x3: {  	s3 =	simm.s32 $0x88;
	v0 =	vimm.s32 $0x0;
	[sflag:s0] =	ssyncpa.u1 $0x0  }
0x4: {  	s1 =	sadd.s32 $0x197D800, s2;
	[tilespmem:s3+$0x30] =	vst v0  }
0x5: {  	s0 =	sadd.s32 $0x1C000, s2;
	s6 =	sadd.s32 $0x1BC8E00, s2;
	[tilespmem:s3+$0x20] =	vst v0  }
0x6: {  	s2 =	sadd.s32 $0x1965000, s2;
	s7 =	sand.u32 $0x1, s4;
	s4 =	simm.s32 $0x40;
	[tilespmem:s3+$0x10] =	vst v0  }
.LBB2_1:
0x7: {  	s4 =	sadd.s32 $0x40, s4  }
0x8: {  	[tilespmem:s3+$0x0] =	vst v0;
	s3 =	sadd.s32 $0x40, s3;
	p0 =	slt.u32 s4, $0x5040  }
.Ltmp0:
0x9: {  	(pc) =	sbr.rel @p0 .LBB2_1-.Ltmp0, $4  }
0xa: {  	_ = 	snop  }
0xb: {  	[tilespmem:s3+$0x30] =	vst v0  }
0xc: {  	[tilespmem:s3+$0x20] =	vst v0  }
0xd: {  	[tilespmem:s3+$0x10] =	vst v0  }
0xe: {  	s8 =	stileid.u32  }
0xf: {  	s4 =	smul.u32 $0x4E, s8  }
0x10: {  	s5 =	smin.u32 s8, $0x2  }
0x11: {  	s4 =	sadd.s32 s5, s4  }
0x12: {  	p0 =	slt.u32 s8, $0x2;
	s12 =	smul.u32 $0x140, s4;
	s4 =	simm.s32 $0x62C0  }
0x13: {  	s4 =	simm.s32 @!p0 $0x6180  }
0x14: {  	s25 =	simm.s32 $0x2;
	s4 =	sadd.s32 s4, s12  }
0x15: {  	s28 =	simm.s32 $0x9;
	s9 =	simm.s32 $0xA;
	s14 =	smin.u32 s4, $0x61A80  }
0x16: {  	s30 =	simm.s32 $0xB;
	[dreg:$0x4] =	wrdreg s7;
	s4 =	ssub.s32 s14, s12  }
0x17: {  	s31 =	smul.u32 $0xC350, s7;
	s13 =	simm.s32 $0x1;
	p0 =	sgt.s32 s4, $0x0  }
0x18: {  	s19 =	simm.s32 $0x0;
	s20 =	simm.s32 $0xA808;
	s4 =	simm.s32 @!p0 $0x0  }
0x19: {  	s21 =	simm.s32 $0xFFFFFFFF;
	p1 =	por $0x0, $0x0;
	s26 =	smulhi.u32 $0x66666667, s4  }
0x1a: {  	[tilespmem:s3+$0x0] =	vst v0;
	s23 =	simm.s32 $0x0;
	[sflag:s25] =	ssyncpa.u1 $0x0;
	s18 =	sshll.u32 s8, $0x7  }
0x1b: {  	s0 =	sadd.s32 s31, s0;
	[dreg:$0xa] =	wrdreg s18;
	s3 =	sshrl.u32 s26, $0x7  }
0x1c: {  	v0 =	vimm.s32 $0xFFFFFFFF;
	s17 =	sadd.s32 s31, s2;
	[dreg:$0x9] =	wrdreg s0;
	s29 =	smul.u32 $0x140, s3  }
0x1d: {  	s25 =	simm.s32 $0x0;
	[tilespmem:$0xA108] =	vst v0;
	[sflag:s28] =	ssyncpa.u1 $0x0;
	[dreg:$0x8] =	wrdreg s17  }
.Ltmp1:
0x1e: {  	p0 =	sne.s32 s4, s29;
	s4 =	simm.s32 $0x1;
	(pc) =	sbr.rel .LBB2_3-.Ltmp1, $4  }
0x1f: {  	[sflag:s9] =	ssyncpa.u1 $0x0;
	[dreg:$0x5] =	wrdreg s12;
	s4 =	simm.s32 @!p0 $0x0  }
0x20: {  	[sflag:s30] =	ssyncpa.u1 $0x0;
	[dreg:$0x6] =	wrdreg s14;
	s15 =	sadd.s32 s4, s3  }
0x21: {  	s24 =	smov.u32 s12;
	s22 =	sadd.s32 $0x1, s15;
	[dreg:$0x7] =	wrdreg s15  }
0x22: {  	v0 =	vlaneseq.u32;
	s26 =	simm.s32 $0x0;
	p0 =	por $0x1, $0x1;
	[dreg:$0xb] =	wrdreg s22  }
.LBB2_22:
0x23: {  	s0 =	sshrl.u32 s3, $0x2  }
.LBB2_24:
0x24: {  	s3 =	simm.s32 $0xC  }
0x25: {  	_ =	swait.ge [sflag:s3], s0  }
0x26: {  	s31 =	ssub.s32 $0x0, s0;
	v1 =	vmov s4;
	vm0 =	veq.s32 v0, $0x0;
	[sflag:s3] =	ssyncset.done $0x0  }
0x27: {  	vm15 =	veq.s32 v0, $0x2;
	v1 =	vsel vm0, s2, v1;
	[sflag:s3] =	ssyncadd.s32 s31  }
0x28: {  	v1 =	vsel vm15, s26, v1;
	[sflag:s3] =	ssyncpa.u1 $0x1  }
0x29: {  	[tilespmem:$0xA108] =	vst v1  }
.LBB2_25:
0x2a: {  	s0 =	sadd.s32 $0x140, s24  }
0x2b: {  	s2 =	smov.u32 s12;
	p2 =	slt.s32 s0, s14  }
0x2c: {  	s2 =	smov.u32 @p2 s0;
	p2 =	sne.s32 s25, s22  }
.Ltmp2:
0x2d: {  	_ = 	snop;
	(pc) =	sbr.rel @!p2 .LBB2_26-.Ltmp2, $4  }
0x2e: {  	_ = 	snop  }
0x2f: {  	s26 =	smov.u32 s23;
	s31 =	sadd.s32 $0x1, s25;
	p0 =	por !p0, !p0  }
0x30: {  	s23 =	smov.u32 s24;
	s20 =	sadd.s32 $0x140, s20;
	s21 =	sadd.s32 $0x1, s21  }
0x31: {  	p1 =	por !p1, !p1;
	s25 =	smov.u32 s31;
	s24 =	smov.u32 s2  }
.LBB2_3:
0x32: {  	p2 =	sge.u32 s25, s15  }
0x33: {  	s0 =	smulhi.u32 @!p2 $0xAAAAAAAB, s25  }
0x34: {  	s2 =	smov.u32 s24;
	p3 =	sgt.s32 @!p2 s24, $0x61940  }
0x35: {  	s3 =	sshra.s32 @!p2 s24, $0x1F;
	p3 =	por !p3, p2;
	s0 =	sshrl.u32 @!p2 s0, $0x1  }
0x36: {  	s3 =	sand.u32 @!p2 s3, s24;
	s2 =	simm.s32 @p3 $0x61940;
	s0 =	smul.u32 @!p2 $0x3, s0  }
0x37: {  	s2 =	ssub.s32 @!p2 s2, s3  }
0x38: {  	s2 =	sadd.s32 @!p2 $0xFFF9E6C0, s2;
	s0 =	ssub.s32 @!p2 s25, s0  }
0x39: {  	s3 =	sshll.u32 @!p2 s2, $0x2;
	p3 =	sgt.s32 @!p2 s2, $0x13F;
	s0 =	smul.u32 @!p2 $0x500, s0  }
0x3a: {  	s4 =	sand.u32 @!p2 $0x7, s24;
	s2 =	ssub.s32 @!p2 $0x500, s3;
	p3 =	por !p3, p2  }
0x3b: {  	s3 =	sshrl.u32 @!p2 s24, $0x3;
	s2 =	sshrl.u32 @!p2 s2, $0x2;
	s0 =	sshrl.u32 @!p2 s0, $0x2  }
0x3c: {  	s3 =	sadd.s32 @!p2 s3, s17;
	s2 =	simm.s32 @!p3 $0x0;
	s0 =	sadd.s32 @!p2 $0xA948, s0  }
0x3d: {  	[tilespmem:s0], [sflag:$0xA] =	stream.linear.gather @!p2 [hbm4b:s3+s4], s2, $0x38;
	[tilespmem:$0x1EF88] =	vst v63  }
0x3e: {  	s0 =	sadd.s32 $0xFFFFFFFF, s25  }
0x3f: {  	p2 =	sge.u32 s0, s15  }
.Ltmp3:
0x40: {  	_ = 	snop;
	(pc) =	sbr.rel @p2 .LBB2_7-.Ltmp3, $1  }
0x41: {  	_ =	sdelay $0x3  }
0x42: {  	p2 =	sgt.s32 s23, $0x61940;
	s2 =	smov.u32 s23;
	s3 =	sshra.s32 s23, $0x1F  }
0x43: {  	s2 =	simm.s32 @!p2 $0x61940;
	s3 =	sand.u32 s3, s23  }
0x44: {  	s17 =	smulhi.u32 $0xAAAAAAAB, s21;
	s2 =	ssub.s32 s2, s3  }
0x45: {  	s0 =	sand.u32 $0x1, s0;
	s2 =	sadd.s32 $0xFFF9E6C0, s2  }
0x46: {  	s5 =	simm.s32 $0xA;
	s3 =	sshrl.u32 s17, $0x1;
	s4 =	sshll.u32 s2, $0x2  }
0x47: {  	s7 =	sshrl.u32 s23, $0x3;
	s3 =	smul.u32 $0xFFFFF100, s3;
	s4 =	ssub.s32 $0x500, s4  }
0x48: {  	s18 =	smul.u32 $0x500, s0;
	p2 =	sgt.s32 s2, $0x13F;
	s2 =	sshrl.u32 s4, $0x2  }
0x49: {  	s9 =	sand.u32 $0x7, s23;
	s3 =	sshra.s32 s3, $0x2;
	s2 =	simm.s32 @p2 $0x0  }
0x4a: {  	s0 =	sadd.s32 s3, s20;
	s4 =	sshrl.u32 s18, $0x2;
	_ =	swait.ge [sflag:s5], s2  }
0x4b: {  	s22 =	ssub.s32 $0x0, s2;
	[sflag:s5] =	ssyncset.done $0x0;
	s8 =	rddreg [dreg:$0x9]  }
0x4c: {  	s4 =	sadd.s32 $0xAD08, s4;
	[sflag:s5] =	ssyncadd.s32 s22;
	s3 =	sadd.s32 s7, s8  }
0x4d: {  	[tilespmem:s4], [sflag:$0xB] =	stream.linear.gather [hbm4b:s3+s9], s2, $0x38;
	[tilespmem:$0x1EF88] =	vst v63  }
0x4e: {  	v1 =	vld.msk [tilespmem:s0+$0x0], $0xffff;
	_ =	sdelay $0x4  }
0x4f: {  	v1 =	vshll.u32 v1, $0x4  }
0x50: {  	(v2sf) =	vpush v1, $0x0  }
0x51: {  	(v2sf) =	vpush v1, $0x1  }
0x52: {  	(v2sf) =	vpush v1, $0x2;
	_ =	sdelay $0x3  }
0x53: {  	(v2sf) =	vpush v1, $0x3;
	_ =	sdelay $0x1  }
0x54: {  	(v2sf) =	vpush v1, $0x4  }
0x55: {  	s2 =	simm.s32 $0x1;
	(v2sf) =	vpush v1, $0x5  }
0x56: {  	s2 =	simm.s32 @!p0 $0x0  }
0x57: {  	s2 =	smul.u32 $0x28000, s2;
	(v2sf) =	vpush v1, $0x6;
	_ =	sdelay $0x1  }
0x58: {  	s2 =	sshrl.u32 s2, $0x2  }
0x59: {  	s28 =	sadd.s32 $0xB708, s2  }
0x5a: {  	s12 =	sadd.s32 $0xFFFFF880, s28;
	s17 =	sadd.s32 $0xFFFFF900, s28;
	s10 =	spop (v2sf);
	(v2sf) =	vpush v1, $0x7  }
0x5b: {  	s18 =	sadd.s32 $0xFFFFF980, s28;
	s11 =	sand.u32 $0x1FFFFFF0, s10;
	s14 =	spop (v2sf)  }
0x5c: {  	(v2sf) =	vpush v1, $0x8;
	s2 =	sadd.s32 s6, s11;
	s15 =	sand.u32 $0x1FFFFFF0, s14;
	s16 =	spop (v2sf)  }
0x5d: {  	[tilespmem:s12], [sflag:$0x9] =	stream.linear.gather [hbm4b:s2+s19], $0x40, $0x38;
	[tilespmem:$0x1EF88] =	vst v63  }
0x5e: {  	s5 =	sadd.s32 $0xFFFFFA00, s28;
	s2 =	sadd.s32 s6, s15;
	s3 =	sand.u32 $0x1FFFFFF0, s16  }
0x5f: {  	(v2sf) =	vpush v1, $0x9;
	[tilespmem:s17], [sflag:$0x9] =	stream.linear.gather [hbm4b:s2+s19], $0x40, $0x38;
	[tilespmem:$0x1EF88] =	vst v63  }
0x60: {  	s7 =	sadd.s32 $0xFFFFFA80, s28;
	s22 =	spop (v2sf);
	s3 =	sadd.s32 s6, s3  }
0x61: {  	(v2sf) =	vpush v1, $0xA;
	[tilespmem:s18], [sflag:$0x9] =	stream.linear.gather [hbm4b:s3+s19], $0x40, $0x38;
	[tilespmem:$0x1EF88] =	vst v63  }
0x62: {  	s11 =	sadd.s32 $0xFFFFFB00, s28;
	s4 =	spop (v2sf);
	(v2sf) =	vpush v1, $0xB;
	s3 =	sand.u32 $0x1FFFFFF0, s22  }
0x63: {  	s8 =	spop (v2sf);
	s2 =	sadd.s32 s6, s3;
	s3 =	sand.u32 $0x1FFFFFF0, s4  }
0x64: {  	(v2sf) =	vpush v1, $0xC;
	[tilespmem:s5], [sflag:$0x9] =	stream.linear.gather [hbm4b:s2+s19], $0x40, $0x38;
	[tilespmem:$0x1EF88] =	vst v63  }
0x65: {  	s9 =	sand.u32 $0x1FFFFFF0, s8;
	s10 =	spop (v2sf);
	s3 =	sadd.s32 s6, s3  }
0x66: {  	(v2sf) =	vpush v1, $0xD;
	[tilespmem:s7], [sflag:$0x9] =	stream.linear.gather [hbm4b:s3+s19], $0x40, $0x38;
	[tilespmem:$0x1EF88] =	vst v63  }
0x67: {  	s12 =	sadd.s32 $0xFFFFFB80, s28;
	s2 =	sadd.s32 s6, s9;
	s3 =	sand.u32 $0x1FFFFFF0, s10  }
0x68: {  	[tilespmem:s11], [sflag:$0x9] =	stream.linear.gather [hbm4b:s2+s19], $0x40, $0x38;
	[tilespmem:$0x1EF88] =	vst v63  }
0x69: {  	s17 =	sadd.s32 $0xFFFFFC00, s28;
	s3 =	sadd.s32 s6, s3;
	s14 =	spop (v2sf)  }
0x6a: {  	[tilespmem:s12], [sflag:$0x9] =	stream.linear.gather [hbm4b:s3+s19], $0x40, $0x38;
	(v2sf) =	vpush v1, $0xE;
	[tilespmem:$0x1EF88] =	vst v63  }
0x6b: {  	s18 =	sadd.s32 $0xFFFFFC80, s28;
	s15 =	sand.u32 $0x1FFFFFF0, s14;
	s16 =	spop (v2sf)  }
0x6c: {  	s5 =	sadd.s32 $0xFFFFFD00, s28;
	(v2sf) =	vpush v1, $0xF;
	s2 =	sadd.s32 s6, s15;
	s3 =	sand.u32 $0x1FFFFFF0, s16  }
0x6d: {  	[tilespmem:s17], [sflag:$0x9] =	stream.linear.gather [hbm4b:s2+s19], $0x40, $0x38;
	[tilespmem:$0x1EF88] =	vst v63  }
0x6e: {  	s7 =	sadd.s32 $0xFFFFFD80, s28;
	s22 =	spop (v2sf);
	s3 =	sadd.s32 s6, s3  }
0x6f: {  	[tilespmem:s18], [sflag:$0x9] =	stream.linear.gather [hbm4b:s3+s19], $0x40, $0x38;
	[tilespmem:$0x1EF88] =	vst v63  }
0x70: {  	s11 =	sadd.s32 $0xFFFFFE00, s28;
	s4 =	spop (v2sf);
	s3 =	sand.u32 $0x1FFFFFF0, s22  }
0x71: {  	s8 =	spop (v2sf);
	s2 =	sadd.s32 s6, s3;
	s3 =	sand.u32 $0x1FFFFFF0, s4  }
0x72: {  	[tilespmem:s5], [sflag:$0x9] =	stream.linear.gather [hbm4b:s2+s19], $0x40, $0x38;
	[tilespmem:$0x1EF88] =	vst v63  }
0x73: {  	s9 =	sand.u32 $0x1FFFFFF0, s8;
	s10 =	spop (v2sf);
	s3 =	sadd.s32 s6, s3  }
0x74: {  	[tilespmem:s7], [sflag:$0x9] =	stream.linear.gather [hbm4b:s3+s19], $0x40, $0x38;
	[tilespmem:$0x1EF88] =	vst v63  }
0x75: {  	s14 =	spop (v2sf);
	s2 =	sadd.s32 s6, s9;
	s3 =	sand.u32 $0x1FFFFFF0, s10  }
0x76: {  	[tilespmem:s11], [sflag:$0x9] =	stream.linear.gather [hbm4b:s2+s19], $0x40, $0x38;
	[tilespmem:$0x1EF88] =	vst v63  }
0x77: {  	s12 =	sadd.s32 $0xFFFFFE80, s28;
	s15 =	sand.u32 $0x1FFFFFF0, s14;
	s3 =	sadd.s32 s6, s3  }
0x78: {  	[tilespmem:s12], [sflag:$0x9] =	stream.linear.gather [hbm4b:s3+s19], $0x40, $0x38;
	[tilespmem:$0x1EF88] =	vst v63  }
0x79: {  	s17 =	sadd.s32 $0xFFFFFF00, s28;
	s2 =	sadd.s32 s6, s15;
	s16 =	spop (v2sf)  }
0x7a: {  	[tilespmem:s17], [sflag:$0x9] =	stream.linear.gather [hbm4b:s2+s19], $0x40, $0x38;
	[tilespmem:$0x1EF88] =	vst v63  }
0x7b: {  	s29 =	simm.s32 $0x0;
	s3 =	sand.u32 $0x1FFFFFF0, s16;
	s18 =	spop (v2sf)  }
0x7c: {  	s22 =	sadd.s32 $0xFFFFFF80, s28;
	s3 =	sadd.s32 s6, s3;
	s2 =	sand.u32 $0x1FFFFFF0, s18  }
0x7d: {  	[tilespmem:s22], [sflag:$0x9] =	stream.linear.gather [hbm4b:s3+s19], $0x40, $0x38;
	[tilespmem:$0x1EF88] =	vst v63  }
0x7e: {  	s31 =	sadd.s32 $0x10, s0;
	s30 =	sadd.s32 $0x800, s28;
	s2 =	sadd.s32 s6, s2  }
.LBB2_5:
0x7f: {  	[tilespmem:s28], [sflag:$0x9] =	stream.linear.gather [hbm4b:s2+s19], $0x40, $0x38;
	[tilespmem:$0x1EF88] =	vst v63  }
0x80: {  	s29 =	sadd.s32 $0x10, s29;
	s28 =	smov.u32 s30  }
0x81: {  	p2 =	slt.u32 s29, $0x130;
	v1 =	vld.msk [tilespmem:s31+$0x0], $0xffff;
	_ =	sdelay $0x4  }
0x82: {  	v1 =	vshll.u32 v1, $0x4  }
0x83: {  	(v2sf) =	vpush v1, $0x0  }
0x84: {  	(v2sf) =	vpush v1, $0x1  }
0x85: {  	(v2sf) =	vpush v1, $0x2;
	_ =	sdelay $0x1  }
0x86: {  	(v2sf) =	vpush v1, $0x3;
	_ =	sdelay $0x1  }
0x87: {  	(v2sf) =	vpush v1, $0x4;
	_ =	sdelay $0x1  }
0x88: {  	(v2sf) =	vpush v1, $0x5;
	_ =	sdelay $0x1  }
0x89: {  	(v2sf) =	vpush v1, $0x6  }
0x8a: {  	s4 =	sadd.s32 $0xFFFFFE80, s30;
	s0 =	sadd.s32 $0xFFFFFF00, s30  }
0x8b: {  	s3 =	sadd.s32 $0xFFFFFD00, s30;
	s2 =	sadd.s32 $0xFFFFFD80, s30;
	s5 =	sadd.s32 $0xFFFFFE00, s30;
	(v2sf) =	vpush v1, $0x7  }
0x8c: {  	s10 =	sadd.s32 $0xFFFFFB80, s30;
	s9 =	sadd.s32 $0xFFFFFC00, s30;
	s16 =	sadd.s32 $0xFFFFFC80, s30  }
0x8d: {  	s11 =	sadd.s32 $0xFFFFFA00, s30;
	s12 =	sadd.s32 $0xFFFFFA80, s30;
	s15 =	sadd.s32 $0xFFFFFB00, s30;
	(v2sf) =	vpush v1, $0x8  }
0x8e: {  	s18 =	sadd.s32 $0xFFFFF900, s30;
	s7 =	sadd.s32 $0xFFFFF980, s30;
	s22 =	spop (v2sf)  }
0x8f: {  	s8 =	sadd.s32 $0xFFFFF880, s30;
	s22 =	sand.u32 $0x1FFFFFF0, s22;
	s14 =	spop (v2sf);
	(v2sf) =	vpush v1, $0x9  }
0x90: {  	s22 =	sadd.s32 s6, s22;
	s14 =	sand.u32 $0x1FFFFFF0, s14;
	s17 =	spop (v2sf)  }
0x91: {  	[tilespmem:s8], [sflag:$0x9] =	stream.linear.gather [hbm4b:s22+s19], $0x40, $0x38;
	(v2sf) =	vpush v1, $0xA;
	[tilespmem:$0x1EF88] =	vst v63  }
0x92: {  	s8 =	sadd.s32 s6, s14;
	s14 =	sand.u32 $0x1FFFFFF0, s17;
	s17 =	spop (v2sf)  }
0x93: {  	[tilespmem:s18], [sflag:$0x9] =	stream.linear.gather [hbm4b:s8+s19], $0x40, $0x38;
	(v2sf) =	vpush v1, $0xB;
	[tilespmem:$0x1EF88] =	vst v63  }
0x94: {  	s8 =	sadd.s32 s6, s14;
	s14 =	sand.u32 $0x1FFFFFF0, s17;
	s17 =	spop (v2sf)  }
0x95: {  	[tilespmem:s7], [sflag:$0x9] =	stream.linear.gather [hbm4b:s8+s19], $0x40, $0x38;
	(v2sf) =	vpush v1, $0xC;
	[tilespmem:$0x1EF88] =	vst v63  }
0x96: {  	s7 =	sadd.s32 s6, s14;
	s8 =	sand.u32 $0x1FFFFFF0, s17;
	s14 =	spop (v2sf)  }
0x97: {  	[tilespmem:s11], [sflag:$0x9] =	stream.linear.gather [hbm4b:s7+s19], $0x40, $0x38;
	(v2sf) =	vpush v1, $0xD;
	[tilespmem:$0x1EF88] =	vst v63  }
0x98: {  	s7 =	sadd.s32 s6, s8;
	s8 =	sand.u32 $0x1FFFFFF0, s14;
	s11 =	spop (v2sf)  }
0x99: {  	[tilespmem:s12], [sflag:$0x9] =	stream.linear.gather [hbm4b:s7+s19], $0x40, $0x38;
	(v2sf) =	vpush v1, $0xE;
	[tilespmem:$0x1EF88] =	vst v63  }
0x9a: {  	s7 =	sadd.s32 s6, s8;
	s8 =	sand.u32 $0x1FFFFFF0, s11;
	s11 =	spop (v2sf)  }
0x9b: {  	[tilespmem:s15], [sflag:$0x9] =	stream.linear.gather [hbm4b:s7+s19], $0x40, $0x38;
	(v2sf) =	vpush v1, $0xF;
	[tilespmem:$0x1EF88] =	vst v63  }
0x9c: {  	s7 =	sadd.s32 s6, s8;
	s8 =	sand.u32 $0x1FFFFFF0, s11;
	s11 =	spop (v2sf)  }
0x9d: {  	[tilespmem:s10], [sflag:$0x9] =	stream.linear.gather [hbm4b:s7+s19], $0x40, $0x38;
	[tilespmem:$0x1EF88] =	vst v63  }
0x9e: {  	s7 =	sadd.s32 s6, s8;
	s8 =	sand.u32 $0x1FFFFFF0, s11;
	s10 =	spop (v2sf)  }
0x9f: {  	[tilespmem:s9], [sflag:$0x9] =	stream.linear.gather [hbm4b:s7+s19], $0x40, $0x38;
	[tilespmem:$0x1EF88] =	vst v63  }
0xa0: {  	s7 =	sadd.s32 s6, s8;
	s8 =	sand.u32 $0x1FFFFFF0, s10;
	s9 =	spop (v2sf)  }
0xa1: {  	[tilespmem:s16], [sflag:$0x9] =	stream.linear.gather [hbm4b:s7+s19], $0x40, $0x38;
	[tilespmem:$0x1EF88] =	vst v63  }
0xa2: {  	s7 =	sadd.s32 s6, s8;
	s8 =	sand.u32 $0x1FFFFFF0, s9;
	s9 =	spop (v2sf)  }
0xa3: {  	[tilespmem:s3], [sflag:$0x9] =	stream.linear.gather [hbm4b:s7+s19], $0x40, $0x38;
	[tilespmem:$0x1EF88] =	vst v63  }
0xa4: {  	s3 =	sadd.s32 s6, s8;
	s7 =	sand.u32 $0x1FFFFFF0, s9;
	s8 =	spop (v2sf)  }
0xa5: {  	[tilespmem:s2], [sflag:$0x9] =	stream.linear.gather [hbm4b:s3+s19], $0x40, $0x38;
	[tilespmem:$0x1EF88] =	vst v63  }
0xa6: {  	s2 =	sadd.s32 s6, s7;
	s3 =	sand.u32 $0x1FFFFFF0, s8;
	s7 =	spop (v2sf)  }
0xa7: {  	[tilespmem:s5], [sflag:$0x9] =	stream.linear.gather [hbm4b:s2+s19], $0x40, $0x38;
	[tilespmem:$0x1EF88] =	vst v63  }
0xa8: {  	s2 =	sadd.s32 s6, s3;
	s3 =	sand.u32 $0x1FFFFFF0, s7;
	s5 =	spop (v2sf)  }
0xa9: {  	[tilespmem:s4], [sflag:$0x9] =	stream.linear.gather [hbm4b:s2+s19], $0x40, $0x38;
	[tilespmem:$0x1EF88] =	vst v63  }
0xaa: {  	s2 =	sadd.s32 s6, s3  }
.Ltmp4:
0xab: {  	s3 =	sand.u32 $0x1FFFFFF0, s5;
	s4 =	spop (v2sf);
	(pc) =	sbr.rel @p2 .LBB2_5-.Ltmp4, $4  }
0xac: {  	[tilespmem:s0], [sflag:$0x9] =	stream.linear.gather [hbm4b:s2+s19], $0x40, $0x38;
	[tilespmem:$0x1EF88] =	vst v63  }
0xad: {  	s0 =	sadd.s32 s6, s3;
	s2 =	sadd.s32 $0xFFFFFF80, s30;
	s3 =	sand.u32 $0x1FFFFFF0, s4  }
0xae: {  	[tilespmem:s2], [sflag:$0x9] =	stream.linear.gather [hbm4b:s0+s19], $0x40, $0x38;
	[tilespmem:$0x1EF88] =	vst v63  }
0xaf: {  	s31 =	sadd.s32 $0x10, s31;
	s30 =	sadd.s32 $0x800, s30;
	s2 =	sadd.s32 s6, s3  }
0xb0: {  	[tilespmem:s28], [sflag:$0x9] =	stream.linear.gather [hbm4b:s2+s19], $0x40, $0x38;
	[tilespmem:$0x1EF88] =	vst v63  }
0xb1: {  	s12 =	rddreg [dreg:$0x5]  }
0xb2: {  	s14 =	rddreg [dreg:$0x6]  }
0xb3: {  	s15 =	rddreg [dreg:$0x7]  }
0xb4: {  	s17 =	rddreg [dreg:$0x8]  }
0xb5: {  	s18 =	rddreg [dreg:$0xa]  }
0xb6: {  	s22 =	rddreg [dreg:$0xb]  }
.LBB2_7:
0xb7: {  	p2 =	slt.u32 s25, $0x2  }
.Ltmp5:
0xb8: {  	_ = 	snop;
	(pc) =	sbr.rel @p2 .LBB2_25-.Ltmp5, $1  }
0xb9: {  	_ =	sdelay $0x3  }
0xba: {  	p2 =	sgt.s32 s26, $0x61940;
	s0 =	smov.u32 s26;
	s2 =	sshra.s32 s26, $0x1F  }
0xbb: {  	s0 =	simm.s32 @!p2 $0x61940;
	s2 =	sand.u32 s2, s26  }
0xbc: {  	s0 =	ssub.s32 s0, s2  }
0xbd: {  	s0 =	sadd.s32 $0xFFF9E6C0, s0  }
0xbe: {  	s3 =	simm.s32 $0x9;
	s29 =	sshll.u32 s0, $0x2  }
0xbf: {  	_ =	swait.ge [sflag:s3], $0x5000;
	s2 =	ssub.s32 $0x500, s29  }
0xc0: {  	[sflag:s3] =	ssyncset.done $0x0;
	p2 =	sgt.s32 s0, $0x13F;
	s0 =	sshrl.u32 s2, $0x2  }
0xc1: {  	s30 =	simm.s32 $0xB;
	[sflag:s3] =	ssyncadd.s32 $0xFFFFB000;
	s0 =	simm.s32 @p2 $0x0  }
0xc2: {  	_ =	swait.ge [sflag:s30], s0  }
0xc3: {  	s0 =	ssub.s32 $0x0, s0;
	[sflag:s30] =	ssyncset.done $0x0  }
0xc4: {  	[sflag:s30] =	ssyncadd.s32 s0  }
0xc5: {  	v1 =	vld [tilespmem:$0xA108];
	_ =	sdelay $0x4  }
0xc6: {  	(v2sf) =	vpush v1, $0x0  }
0xc7: {  	(v2sf) =	vpush v1, $0x1  }
0xc8: {  	(v2sf) =	vpush v1, $0x2;
	_ =	sdelay $0x3  }
0xc9: {  	s0 =	sadd.s32 $0x140, s26  }
0xca: {  	s4 =	ssub.s32 $0xC3500, s26;
	p2 =	slt.s32 s14, s0  }
0xcb: {  	s0 =	smov.u32 @p2 s14;
	p2 =	sgt.s32 s4, $0x0  }
0xcc: {  	s0 =	ssub.s32 s0, s26;
	s4 =	simm.s32 @!p2 $0x0  }
0xcd: {  	p2 =	slt.s32 s4, s0  }
0xce: {  	s0 =	smov.u32 @p2 s4  }
0xcf: {  	s2 =	simm.s32 $0x1;
	p2 =	slt.s32 s0, $0x1  }
.Ltmp6:
0xd0: {  	s2 =	simm.s32 @!p1 $0x0;
	(pc) =	sbr.rel @p2 .LBB2_12-.Ltmp6, $4  }
0xd1: {  	s7 =	smul.u32 $0x500, s2  }
0xd2: {  	s3 =	spop (v2sf)  }
0xd3: {  	s31 =	sshrl.u32 s7, $0x2;
	s5 =	spop (v2sf)  }
0xd4: {  	s28 =	sadd.s32 $0xAD08, s31;
	s26 =	spop (v2sf)  }
0xd5: {  	s4 =	smin.u32 s0, $0x10  }
0xd6: {  	v1 =	vmov s4  }
0xd7: {  	p3 =	sgt.s32 s0, $0x10;
	vm1 =	vgt.u32 v1, v0  }
.Ltmp7:
0xd8: {  	_ = 	snop;
	(pc) =	sbr.rel @!p3 .LBB2_11-.Ltmp7, $2  }
0xd9: {  	_ =	sdelay $0x2  }
0xda: {  	s9 =	simm.s32 $0x10;
	s10 =	sadd.s32 $0xFFFFFFF0, s0;
	s4 =	smov.u32 s28;
	vm0 =	vmmov vm1  }
.LBB2_10:
0xdb: {  	s7 =	smin.u32 s10, $0x10;
	s9 =	sadd.s32 $0x10, s9;
	v1 =	vld.msk [tilespmem:s4+$0x0 ss:$0x1], vm1  }
0xdc: {  	v2 =	vmov s7;
	p3 =	slt.s32 s9, s0  }
0xdd: {  	vm1 =	vgt.u32 v2, v0  }
.Ltmp8:
0xde: {  	(pc) =	sbr.rel @p3 .LBB2_10-.Ltmp8, $3  }
0xdf: {  	_ =	sdelay $0x1  }
0xe0: {  	v1 =	vshll.u32 v1, $0x4  }
0xe1: {  	s10 =	sadd.s32 $0xFFFFFFF0, s10;
	[tilespmem:s4+$0x0] =	vst.msk vm0, v1;
	s4 =	sadd.s32 $0x10, s4;
	vm0 =	vmmov vm1  }
.LBB2_11:
0xe2: {  	_ =	sdelay $0x4  }
0xe3: {  	v1 =	vld.msk [tilespmem:s4+$0x0 ss:$0x1], vm1;
	_ =	sdelay $0x4  }
0xe4: {  	v1 =	vshll.u32 v1, $0x4  }
0xe5: {  	[tilespmem:s4+$0x0] =	vst.msk vm0, v1  }
.LBB2_12:
0xe6: {  	s4 =	sand.u32 $0x1, s25  }
0xe7: {  	s4 =	smul.u32 $0x140, s4  }
0xe8: {  	p3 =	sne.s32 s5, $0xFFFFFFFF  }
0xe9: {  	v1 =	vld.msk @!p3 [tilespmem:s4+$0xAD08], $0x1;
	_ =	sdelay $0x4  }
0xea: {  	(v2sf) =	vpush @!p3 v1, $0x0;
	_ =	sdelay $0xc  }
.Ltmp9:
0xeb: {  	_ = 	snop;
	(pc) =	sbr.rel @p2 .LBB2_23-.Ltmp9, $4  }
0xec: {  	_ = 	snop  }
0xed: {  	s29 =	spop @!p3 (v2sf)  }
0xee: {  	s31 =	simm.s32 $0xC;
	s26 =	simm.s32 @!p3 $0x0;
	s4 =	smov.u32 s29  }
0xef: {  	[sflag:s31] =	ssyncpa.u1 $0x0;
	s29 =	smov.u32 @p3 s3;
	s4 =	smov.u32 @p3 s5  }
0xf0: {  	v1 =	vld.msk [tilespmem:s28+$0x0], $0x1;
	_ =	sdelay $0x4  }
0xf1: {  	(v2sf) =	vpush v1, $0x0;
	_ =	sdelay $0xe  }
0xf2: {  	s2 =	smul.u32 $0x28000, s2;
	s5 =	spop (v2sf)  }
0xf3: {  	s31 =	ssub.s32 $0x0, s0;
	p2 =	seq.s32 s29, s5  }
0xf4: {  	s3 =	smov.u32 s29;
	s2 =	sshrl.u32 s2, $0x2;
	p3 =	sgt.s32 @!p2 s29, $0x0  }
0xf5: {  	s30 =	sadd.s32 $0xAFA8, s2;
	s2 =	sadd.s32 $0x1, s31;
	p3 =	por !p3, p2  }
0xf6: {  	s3 =	simm.s32 @p3 $0x0;
	p3 =	seq.s32 s2, $0x0  }
.Ltmp10:
0xf7: {  	_ = 	snop;
	(pc) =	sbr.rel @p3 .LBB2_15-.Ltmp10, $4  }
0xf8: {  	_ = 	snop  }
0xf9: {  	s0 =	simm.s32 $0x0;
	s9 =	simm.s32 @!p2 $0x1;
	s3 =	smin.u32 @!p2 s3, $0xC34F8  }
0xfa: {  	s10 =	simm.s32 @!p2 $0x50C8;
	s9 =	smov.u32 @p2 s0;
	s7 =	sand.u32 @!p2 $0xFFFF8, s3  }
0xfb: {  	s16 =	sand.u32 @!p2 $0x7, s3;
	s3 =	sadd.s32 $0x1, s28;
	s11 =	sadd.s32 @!p2 s1, s7  }
.LBB2_14:
0xfc: {  	s7 =	smov.u32 s9  }
0xfd: {  	[tilespmem:s10], [sflag:$0x2] =	stream.linear.gather @!p2 [hbm4b:s11+s16], $0x40, $0x38;
	[tilespmem:$0x1EF88] =	vst v63  }
0xfe: {  	s2 =	sadd.s32 $0x1, s2;
	s8 =	smov.u32 s5;
	v1 =	vld.msk [tilespmem:s3+$0x0], $0x1  }
0xff: {  	p3 =	seq.s32 s2, $0x0;
	_ =	sdelay $0x3  }
0x100: {  	(v2sf) =	vpush v1, $0x0;
	_ =	sdelay $0xe  }
0x101: {  	s5 =	spop (v2sf)  }
0x102: {  	p2 =	seq.s32 s8, s5  }
0x103: {  	p4 =	sgt.s32 @!p2 s8, $0x0;
	s10 =	sshll.u32 @!p2 s9, $0x8;
	s9 =	sadd.s32 @!p2 $0x1, s9  }
.Ltmp11:
0x104: {  	p4 =	por !p4, p2;
	s10 =	sshra.s32 @!p2 s10, $0x2;
	(pc) =	sbr.rel @!p3 .LBB2_14-.Ltmp11, $4  }
0x105: {  	s9 =	smov.u32 @p2 s7;
	s8 =	simm.s32 @p4 $0x0;
	s10 =	sadd.s32 @!p2 $0x50C8, s10  }
0x106: {  	s7 =	smin.u32 @!p2 s8, $0xC34F8  }
0x107: {  	s8 =	sand.u32 @!p2 $0xFFFF8, s7;
	s16 =	sand.u32 @!p2 $0x7, s7  }
0x108: {  	s3 =	sadd.s32 $0x1, s3;
	s11 =	sadd.s32 @!p2 s1, s8  }
.LBB2_15:
0x109: {  	[tilespmem:s10], [sflag:$0x2] =	stream.linear.gather @!p2 [hbm4b:s11+s16], $0x40, $0x38;
	[tilespmem:$0x1EF88] =	vst v63  }
.Ltmp12:
0x10a: {  	s2 =	sshll.u32 s9, $0x6;
	(pc) =	sbr.rel .LBB2_16-.Ltmp12, $4  }
0x10b: {  	s3 =	simm.s32 $0x2;
	s2 =	sand.u32 $0x3FFFFFC0, s2  }
0x10c: {  	_ =	swait.ge [sflag:s3], s2  }
0x10d: {  	s2 =	ssub.s32 $0x0, s2;
	[sflag:s3] =	ssyncset.done $0x0  }
0x10e: {  	[sflag:s3] =	ssyncadd.s32 s2;
	s3 =	simm.s32 $0x0  }
.LBB2_17:
0x10f: {  	v1 =	vld [tilespmem:s30+$0xFFFFFFE0];
	_ =	sdelay $0x4  }
0x110: {  	[tilespmem:s5+$0x88] =	vst.add.f32.msk $0xffff, v1  }
0x111: {  	v1 =	vld [tilespmem:s30+$0xFFFFFFF0];
	_ =	sdelay $0x4  }
0x112: {  	[tilespmem:s5+$0x98] =	vst.add.f32.msk $0xffff, v1  }
0x113: {  	v1 =	vld [tilespmem:s30+$0x0];
	_ =	sdelay $0x4  }
0x114: {  	[tilespmem:s5+$0xA8] =	vst.add.f32.msk $0xffff, v1  }
0x115: {  	v1 =	vld [tilespmem:s30+$0x10];
	_ =	sdelay $0x4  }
0x116: {  	[tilespmem:s5+$0xB8] =	vst.add.f32.msk $0xffff, v1  }
.LBB2_21:
0x117: {  	s31 =	sadd.s32 $0x1, s31  }
0x118: {  	p2 =	seq.s32 s31, $0x0  }
.Ltmp13:
0x119: {  	_ = 	snop;
	(pc) =	sbr.rel @p2 .LBB2_22-.Ltmp13, $2  }
0x11a: {  	_ =	sdelay $0x2  }
0x11b: {  	s30 =	sadd.s32 $0x80, s30;
	s28 =	sadd.s32 $0x1, s28;
	s29 =	smov.u32 s2  }
.LBB2_16:
0x11c: {  	v1 =	vld.msk [tilespmem:s28+$0x0], $0x1;
	_ =	sdelay $0x4  }
0x11d: {  	(v2sf) =	vpush v1, $0x0;
	_ =	sdelay $0xe  }
0x11e: {  	s2 =	spop (v2sf)  }
0x11f: {  	p2 =	sne.s32 s29, s2  }
.Ltmp14:
0x120: {  	_ = 	snop;
	(pc) =	sbr.rel @!p2 .LBB2_17-.Ltmp14, $3  }
0x121: {  	_ =	sdelay $0x1  }
0x122: {  	s5 =	sshll.u32 s26, $0x8  }
0x123: {  	s5 =	sshra.s32 s5, $0x2  }
0x124: {  	p2 =	seq.s32 s29, s4  }
.Ltmp15:
0x125: {  	_ = 	snop;
	(pc) =	sbr.rel @!p2 .LBB2_19-.Ltmp15, $1  }
0x126: {  	_ =	sdelay $0x3  }
.Ltmp16:
0x127: {  	s5 =	sadd.s32 $0x88, s5;
	(pc) =	sbr.rel .LBB2_20-.Ltmp16, $4  }
0x128: {  	[spmem:s18] =	stream.linear.scatter [tilespmem:s5], [sflag:$0x1], $0x40, $0x38;
	[tilespmem:$0x1EF88] =	vst v63  }
0x129: {  	_ =	swait.ge [sflag:s13], $0x40  }
0x12a: {  	[sflag:s13] =	ssyncset.done $0x0  }
0x12b: {  	[sflag:s13] =	ssyncadd.s32 $0xFFFFFFC0  }
.LBB2_19:
0x12c: {  	s7 =	sshll.u32 s0, $0x8  }
0x12d: {  	s7 =	sshra.s32 s7, $0x2  }
0x12e: {  	v1 =	vld [tilespmem:s7+$0x50C8];
	_ =	sdelay $0x4  }
0x12f: {  	[tilespmem:s5+$0x88] =	vst.add.f32.msk $0xffff, v1  }
0x130: {  	v1 =	vld [tilespmem:s7+$0x50D8];
	_ =	sdelay $0x4  }
0x131: {  	[tilespmem:s5+$0x98] =	vst.add.f32.msk $0xffff, v1  }
0x132: {  	v1 =	vld [tilespmem:s7+$0x50E8];
	_ =	sdelay $0x4  }
0x133: {  	[tilespmem:s5+$0xA8] =	vst.add.f32.msk $0xffff, v1  }
0x134: {  	v1 =	vld [tilespmem:s7+$0x50F8];
	_ =	sdelay $0x2  }
0x135: {  	p2 =	sgt.u32 s29, $0xC34F8  }
0x136: {  	s7 =	sand.u32 @!p2 $0xFFFF8, s29  }
0x137: {  	s8 =	sadd.s32 $0x88, s5;
	[tilespmem:s5+$0xB8] =	vst.add.f32.msk $0xffff, v1;
	s5 =	sadd.s32 @!p2 s1, s7;
	s7 =	sand.u32 @!p2 $0x7, s29  }
0x138: {  	[hbm4b:s5+s7] =	stream.linear.scatter @!p2 [tilespmem:s8], [sflag:$0xC], $0x40, $0x38;
	[tilespmem:$0x1EF88] =	vst v63  }
0x139: {  	s5 =	simm.s32 $0x0  }
0x13a: {  	s5 =	simm.s32 @!p2 $0x100  }
0x13b: {  	s3 =	sadd.s32 s5, s3  }
.LBB2_20:
0x13c: {  	s5 =	sadd.s32 $0x1, s26  }
0x13d: {  	s7 =	smulhi.u32 $0xCCCCCCCD, s5;
	_ =	sdelay $0x1  }
0x13e: {  	v1 =	vld [tilespmem:s30+$0xFFFFFFE0];
	s7 =	sshrl.u32 s7, $0x8  }
0x13f: {  	s7 =	smul.u32 $0x140, s7;
	_ =	sdelay $0x1  }
0x140: {  	s26 =	ssub.s32 s5, s7  }
0x141: {  	s5 =	sshll.u32 s26, $0x6  }
0x142: {  	[tilespmem:s5+$0x88] =	vst v1  }
0x143: {  	v1 =	vld [tilespmem:s30+$0xFFFFFFF0];
	_ =	sdelay $0x4  }
0x144: {  	[tilespmem:s5+$0x98] =	vst v1  }
0x145: {  	v1 =	vld [tilespmem:s30+$0x0];
	_ =	sdelay $0x4  }
0x146: {  	[tilespmem:s5+$0xA8] =	vst v1  }
0x147: {  	v1 =	vld [tilespmem:s30+$0x10]  }
.Ltmp17:
0x148: {  	_ = 	snop;
	(pc) =	sbr.rel .LBB2_21-.Ltmp17, $2  }
0x149: {  	_ =	sdelay $0x2  }
0x14a: {  	s0 =	sadd.s32 $0x1, s0;
	[tilespmem:s5+$0xB8] =	vst v1  }
.LBB2_23:
.Ltmp18:
0x14b: {  	(pc) =	sbr.rel .LBB2_24-.Ltmp18, $4  }
0x14c: {  	_ = 	snop  }
0x14d: {  	s0 =	simm.s32 $0x2  }
0x14e: {  	_ =	swait.ge [sflag:s0], $0x0  }
0x14f: {  	s2 =	smov.u32 s29;
	[sflag:s0] =	ssyncset.done $0x0;
	s0 =	simm.s32 $0x0  }
.LBB2_26:
0x150: {  	_ =	sfence.sel $0x180000  }
0x151: {  	s0 =	simm.s32 $0x9;
	[bflag:$0x0] =	sbarrier.arrive $0xFFFF  }
0x152: {  	s24 =	simm.s32 $0xA;
	[sflag:s0] =	ssyncpa.u1 $0x1  }
0x153: {  	s25 =	simm.s32 $0xB;
	[sflag:s24] =	ssyncpa.u1 $0x1  }
0x154: {  	s26 =	simm.s32 $0x2;
	[sflag:s25] =	ssyncpa.u1 $0x1  }
0x155: {  	[sflag:s26] =	ssyncpa.u1 $0x1  }
0x156: {  	v0 =	vld [tilespmem:$0xA108];
	_ =	sdelay $0x4  }
0x157: {  	(v2sf) =	vpush v0, $0x0  }
0x158: {  	(v2sf) =	vpush v0, $0x1;
	_ =	sdelay $0x1  }
0x159: {  	(v2sf) =	vpush v0, $0x2;
	_ =	sdelay $0xb  }
0x15a: {  	s0 =	spop (v2sf)  }
0x15b: {  	s2 =	spop (v2sf)  }
0x15c: {  	s3 =	smov.u32 s0;
	p0 =	sne.s32 s0, s2  }
0x15d: {  	s4 =	spop (v2sf);
	s3 =	simm.s32 @!p0 $0xFFFFFFFF  }
0x15e: {  	v2 =	vimm.s32 $0x1;
	v3 =	vlaneseq.u32;
	p0 =	seq.s32 s4, $0xFFFFFFFF;
	v1 =	vmov s3  }
0x15f: {  	s14 =	stileid.u32;
	v0 =	vperm.xlane v0, v2;
	p1 =	sne.s32 @!p0 s0, s2;
	v1 =	vperm.xlane v1, v3  }
0x160: {  	vm0 =	vcmask $0x3F04;
	s6 =	simm.s32 $0xA108;
	s0 =	simm.s32 @!p0 $0x1;
	p1 =	por !p1, p0  }
0x161: {  	s3 =	sshll.u32 s14, $0x1;
	s2 =	sshll.u32 @!p0 s4, $0x8;
	s0 =	simm.s32 @p1 $0x0;
	v0 =	vsel vm0, v1, v0  }
0x162: {  	s5 =	sor.u32 $0x800, s3;
	s2 =	sshra.s32 @!p0 s2, $0x2;
	s0 =	sor.u32 @!p0 s0, s3;
	[tilespmem:$0xA108] =	vst v0  }
0x163: {  	[spmem:s5] =	stream.linear.scatter [tilespmem:s6], [sflag:$0x1], $0x2, $0x38;
	[tilespmem:$0x1EF88] =	vst v63  }
0x164: {  	s2 =	sadd.s32 @!p0 $0x88, s2;
	s0 =	sshll.u32 @!p0 s0, $0x6  }
0x165: {  	[spmem:s0] =	stream.linear.scatter @!p0 [tilespmem:s2], [sflag:$0x1], $0x40, $0x38;
	[tilespmem:$0x1EF88] =	vst v63  }
0x166: {  	s0 =	simm.s32 @!p0 $0x42  }
0x167: {  	s28 =	simm.s32 $0x1;
	s0 =	simm.s32 @p0 $0x2  }
0x168: {  	_ =	swait.ge [sflag:s28], s0  }
0x169: {  	s0 =	ssub.s32 $0x0, s0;
	[sflag:s28] =	ssyncset.done $0x0  }
0x16a: {  	p0 =	sne.s32 s14, $0x0;
	[sflag:s28] =	ssyncadd.s32 s0  }
.Ltmp19:
0x16b: {  	_ =	sfence.stream.spmem;
	(pc) =	sbr.rel @p0 .LBB2_43-.Ltmp19, $4  }
0x16c: {  	s29 =	simm.s32 $0x3;
	[bflag:$0x0] =	sbarrier.arrive $0xFFFF  }
0x16d: {  	s30 =	simm.s32 $0x4;
	[sflag:s29] =	ssyncpa.u1 $0x1  }
0x16e: {  	s31 =	simm.s32 $0x3C;
	[sflag:s30] =	ssyncpa.u1 $0x1  }
0x16f: {  	s13 =	rddreg [dreg:$0x4];
	[sflag:s31] =	ssyncpa.u1 $0x1  }
0x170: {  	_ =	sfence.stream.spmem;
	s0 =	simm.s32 $0x5  }
0x171: {  	s2 =	simm.s32 $0x800;
	s3 =	simm.s32 $0xA118;
	[sflag:s0] =	ssyncpa.u1 $0x0  }
0x172: {  	[tilespmem:s3], [sflag:$0x5] =	stream.linear.gather [spmem:s2], $0x20, $0x38;
	[tilespmem:$0x1EF88] =	vst v63  }
0x173: {  	s26 =	simm.s32 $0x0;
	s28 =	simm.s32 $0xA138  }
0x174: {  	[tilespmem:s28], [sflag:$0x5] =	stream.linear.gather [spmem:s26], $0x800, $0x38;
	[tilespmem:$0x1EF88] =	vst v63  }
0x175: {  	_ =	swait.ge [sflag:s0], $0x820  }
0x176: {  	[sflag:s0] =	ssyncset.done $0x0  }
0x177: {  	s29 =	simm.s32 $0x0;
	[sflag:s0] =	ssyncadd.s32 $0xFFFFF7E0  }
0x178: {  	v0 =	vld.msk [tilespmem:s29+$0xA118], $0x1;
	_ =	sdelay $0x1  }
0x179: {  	s30 =	simm.s32 $0x1  }
0x17a: {  	v1 =	vld.msk [tilespmem:s30+$0xA118], $0x1;
	_ =	sdelay $0x1  }
0x17b: {  	(v2sf) =	vpush v0, $0x0;
	_ =	sdelay $0x2  }
0x17c: {  	(v2sf) =	vpush v1, $0x0;
	_ =	sdelay $0x2  }
0x17d: {  	s31 =	simm.s32 $0x2  }
0x17e: {  	v0 =	vld.msk [tilespmem:s31+$0xA118], $0x1;
	_ =	sdelay $0x2  }
0x17f: {  	s2 =	simm.s32 $0xFFFFFFFF;
	s3 =	simm.s32 $0xFFFFFFFF;
	s0 =	simm.s32 $0xC  }
.LBB2_28:
0x180: {  	s4 =	smov.u32 s3;
	s5 =	smov.u32 s2  }
0x181: {  	s2 =	sshra.s32 s0, $0x2;
	p1 =	sne.s32 s0, $0x7C;
	s0 =	sadd.s32 $0x4, s0;
	(v2sf) =	vpush v0, $0x0  }
0x182: {  	v0 =	vld.msk [tilespmem:s2+$0xA118], $0x1  }
.Ltmp20:
0x183: {  	(pc) =	sbr.rel @p1 .LBB2_28-.Ltmp20, $4  }
0x184: {  	s3 =	spop (v2sf)  }
0x185: {  	p2 =	sne.s32 s5, $0xFFFFFFFF;
	s2 =	smov.u32 s3  }
0x186: {  	p3 =	seq.s32 s3, $0xFFFFFFFF;
	s2 =	smov.u32 @p2 s5  }
0x187: {  	s3 =	smov.u32 @p3 s4;
	s2 =	smov.u32 @p3 s5  }
0x188: {  	(v2sf) =	vpush v0, $0x0;
	_ =	sdelay $0x8  }
0x189: {  	s0 =	spop (v2sf)  }
0x18a: {  	p1 =	sne.s32 s2, $0xFFFFFFFF;
	s4 =	smov.u32 s0  }
0x18b: {  	s6 =	simm.s32 $0x0;
	p2 =	seq.s32 s0, $0xFFFFFFFF;
	s4 =	smov.u32 @p1 s2  }
0x18c: {  	s9 =	simm.s32 $0xA0C8;
	s4 =	smov.u32 @p2 s2;
	s2 =	spop (v2sf)  }
0x18d: {  	s0 =	smov.u32 @p2 s3;
	p1 =	sne.s32 s4, $0xFFFFFFFF;
	s5 =	smov.u32 s2  }
.Ltmp21:
0x18e: {  	p2 =	seq.s32 s2, $0xFFFFFFFF;
	s5 =	smov.u32 @p1 s4;
	(pc) =	sbr.rel .LBB2_30-.Ltmp21, $4  }
0x18f: {  	s10 =	simm.s32 $0x0;
	s5 =	smov.u32 @p2 s4;
	s7 =	spop (v2sf)  }
0x190: {  	s2 =	smov.u32 @p2 s0;
	p1 =	sne.s32 s5, $0xFFFFFFFF;
	s8 =	smov.u32 s7  }
0x191: {  	s0 =	simm.s32 $0x6;
	p2 =	seq.s32 s7, $0xFFFFFFFF;
	s8 =	smov.u32 @p1 s5  }
0x192: {  	[sflag:s0] =	ssyncpa.u1 $0x0;
	s7 =	smov.u32 @p2 s2;
	s8 =	smov.u32 @p2 s5  }
.LBB2_36:
0x193: {  	p1 =	sgt.u32 s2, $0xC34F8  }
0x194: {  	p2 =	seq.s32 @!p1 s2, s8  }
0x195: {  	p1 =	por p1, p2  }
0x196: {  	p2 =	sne.s32 @!p1 s2, s7  }
0x197: {  	p1 =	por p1, !p2  }
0x198: {  	s2 =	sshll.u32 @p1 s10, $0x8  }
0x199: {  	s3 =	sand.u32 @!p1 $0xFFFF8, s2  }
0x19a: {  	s2 =	sand.u32 @!p1 $0x7, s2;
	s3 =	sadd.s32 @!p1 s1, s3  }
0x19b: {  	[tilespmem:s9], [sflag:$0x6] =	stream.linear.gather @!p1 [hbm4b:s3+s2], $0x40, $0x38;
	[tilespmem:$0x1EF88] =	vst v63  }
0x19c: {  	_ =	swait.ge @!p1 [sflag:s0], $0x40  }
0x19d: {  	[sflag:s0] =	ssyncset.done @!p1 $0x0  }
0x19e: {  	[sflag:s0] =	ssyncadd.s32 @!p1 $0xFFFFFFC0  }
0x19f: {  	v1 =	vld @!p1 [tilespmem:$0xA0C8];
	_ =	sdelay $0x2  }
0x1a0: {  	s2 =	sshll.u32 @!p1 s10, $0x8  }
0x1a1: {  	s3 =	sshrl.u32 @!p1 s2, $0x2  }
0x1a2: {  	[tilespmem:s3+$0xA138] =	vst.add.f32.msk @!p1 $0xffff, v1  }
0x1a3: {  	v1 =	vld @!p1 [tilespmem:$0xA0D8];
	_ =	sdelay $0x4  }
0x1a4: {  	[tilespmem:s3+$0xA148] =	vst.add.f32.msk @!p1 $0xffff, v1  }
0x1a5: {  	v1 =	vld @!p1 [tilespmem:$0xA0E8];
	_ =	sdelay $0x4  }
0x1a6: {  	[tilespmem:s3+$0xA158] =	vst.add.f32.msk @!p1 $0xffff, v1  }
0x1a7: {  	v1 =	vld @!p1 [tilespmem:$0xA0F8];
	_ =	sdelay $0x4  }
0x1a8: {  	[tilespmem:s3+$0xA168] =	vst.add.f32.msk @!p1 $0xffff, v1  }
0x1a9: {  	s2 =	sshrl.u32 s2, $0x2;
	[tilespmem:s6+$0xA118] =	vst.msk $0x1, v0  }
0x1aa: {  	v0 =	vld [tilespmem:s2+$0xA138];
	_ =	sdelay $0x2  }
0x1ab: {  	s31 =	sshll.u32 s6, $0x8  }
0x1ac: {  	s3 =	sshra.s32 s31, $0x2  }
0x1ad: {  	[tilespmem:s3+$0xA138] =	vst v0  }
0x1ae: {  	v0 =	vld [tilespmem:s2+$0xA148];
	_ =	sdelay $0x4  }
0x1af: {  	[tilespmem:s3+$0xA148] =	vst v0  }
0x1b0: {  	v0 =	vld [tilespmem:s2+$0xA158];
	_ =	sdelay $0x4  }
0x1b1: {  	[tilespmem:s3+$0xA158] =	vst v0  }
0x1b2: {  	v0 =	vld [tilespmem:s2+$0xA168];
	_ =	sdelay $0x4  }
0x1b3: {  	s6 =	sadd.s32 $0x1, s6;
	[tilespmem:s3+$0xA168] =	vst v0  }
.LBB2_37:
0x1b4: {  	s10 =	sadd.s32 $0x1, s10  }
0x1b5: {  	p1 =	sne.s32 s10, $0x20  }
.Ltmp22:
0x1b6: {  	_ = 	snop;
	(pc) =	sbr.rel @!p1 .LBB2_38-.Ltmp22, $1  }
0x1b7: {  	_ =	sdelay $0x3  }
.LBB2_30:
0x1b8: {  	v0 =	vld.msk [tilespmem:s10+$0xA118], $0x1;
	_ =	sdelay $0x4  }
0x1b9: {  	(v2sf) =	vpush v0, $0x0;
	_ =	sdelay $0xe  }
0x1ba: {  	s2 =	spop (v2sf)  }
0x1bb: {  	p1 =	seq.s32 s2, $0xFFFFFFFF  }
.Ltmp23:
0x1bc: {  	_ = 	snop;
	(pc) =	sbr.rel @p1 .LBB2_37-.Ltmp23, $1  }
0x1bd: {  	_ =	sdelay $0x3  }
0x1be: {  	p1 =	slt.s32 s6, $0x1  }
.Ltmp24:
0x1bf: {  	_ = 	snop;
	(pc) =	sbr.rel @p1 .LBB2_36-.Ltmp24, $1  }
0x1c0: {  	_ =	sdelay $0x3  }
0x1c1: {  	s3 =	simm.s32 $0xA118;
	p1 =	por $0x0, $0x0  }
0x1c2: {  	v1 =	vld.msk @!p1 [tilespmem:s3+$0x0], $0x1;
	_ =	sdelay $0x4  }
0x1c3: {  	(v2sf) =	vpush @!p1 v1, $0x0;
	_ =	sdelay $0xd  }
0x1c4: {  	p3 =	sne.s32 s6, $0x1  }
.Ltmp25:
0x1c5: {  	s4 =	spop @!p1 (v2sf);
	(pc) =	sbr.rel @!p3 .LBB2_34-.Ltmp25, $4  }
0x1c6: {  	p2 =	seq.s32 @!p1 s2, s4  }
0x1c7: {  	s4 =	simm.s32 $0x0;
	p2 =	por !p2, p1  }
0x1c8: {  	s11 =	simm.s32 $0xFFFFFFFF;
	s4 =	simm.s32 @p2 $0xFFFFFFFF  }
0x1c9: {  	s5 =	simm.s32 $0x1;
	s4 =	smov.u32 @p1 s11  }
.LBB2_33:
0x1ca: {  	s11 =	smov.u32 s4;
	p1 =	sne.s32 s4, $0xFFFFFFFF  }
0x1cb: {  	s3 =	sadd.s32 $0x1, s3;
	s4 =	smov.u32 s5;
	s5 =	sadd.s32 $0x1, s5  }
0x1cc: {  	p2 =	sne.s32 s6, s5;
	v1 =	vld.msk @!p1 [tilespmem:s3+$0x0], $0x1;
	_ =	sdelay $0x4  }
0x1cd: {  	(v2sf) =	vpush @!p1 v1, $0x0;
	_ =	sdelay $0xe  }
.Ltmp26:
0x1ce: {  	s12 =	spop @!p1 (v2sf);
	(pc) =	sbr.rel @p2 .LBB2_33-.Ltmp26, $4  }
0x1cf: {  	p3 =	seq.s32 @!p1 s2, s12  }
0x1d0: {  	p3 =	por !p3, p1  }
0x1d1: {  	s4 =	simm.s32 @p3 $0xFFFFFFFF  }
0x1d2: {  	s4 =	smov.u32 @p1 s11  }
.LBB2_34:
0x1d3: {  	p1 =	seq.s32 s4, $0xFFFFFFFF  }
.Ltmp27:
0x1d4: {  	_ = 	snop;
	(pc) =	sbr.rel @p1 .LBB2_36-.Ltmp27, $1  }
0x1d5: {  	_ =	sdelay $0x3  }
0x1d6: {  	s2 =	sshll.u32 s10, $0x6  }
0x1d7: {  	s2 =	sand.u32 $0x3FFFFFC0, s2  }
0x1d8: {  	v0 =	vld [tilespmem:s2+$0xA138];
	_ =	sdelay $0x2  }
0x1d9: {  	s3 =	sshll.u32 s4, $0x8  }
0x1da: {  	s3 =	sshra.s32 s3, $0x2  }
0x1db: {  	[tilespmem:s3+$0xA138] =	vst.add.f32.msk $0xffff, v0  }
0x1dc: {  	v0 =	vld [tilespmem:s2+$0xA148];
	_ =	sdelay $0x4  }
0x1dd: {  	[tilespmem:s3+$0xA148] =	vst.add.f32.msk $0xffff, v0  }
0x1de: {  	v0 =	vld [tilespmem:s2+$0xA158];
	_ =	sdelay $0x4  }
0x1df: {  	[tilespmem:s3+$0xA158] =	vst.add.f32.msk $0xffff, v0  }
0x1e0: {  	v0 =	vld [tilespmem:s2+$0xA168]  }
.Ltmp28:
0x1e1: {  	_ = 	snop;
	(pc) =	sbr.rel .LBB2_37-.Ltmp28, $2  }
0x1e2: {  	_ =	sdelay $0x2  }
0x1e3: {  	[tilespmem:s3+$0xA168] =	vst.add.f32.msk $0xffff, v0  }
.LBB2_38:
0x1e4: {  	s0 =	simm.s32 $0x6;
	p1 =	seq.s32 s6, $0x0  }
0x1e5: {  	[sflag:s0] =	ssyncpa.u1 $0x1;
	v0 =	vimm.s32 @p1 $0xFFFFFFFF  }
0x1e6: {  	s0 =	sadd.s32 $0xFFFFFFFF, s6;
	[tilespmem:$0xA938] =	vst @p1 v0  }
0x1e7: {  	v0 =	vld.msk @!p1 [tilespmem:s0+$0xA118], $0x1;
	_ =	sdelay $0x1  }
0x1e8: {  	v1 =	vld.msk @!p1 [tilespmem:$0xA118], $0x1;
	_ =	sdelay $0x2  }
0x1e9: {  	p2 =	seq.s32 @!p1 s0, $0x0;
	v0 =	vbroadcast @!p1 v0, $0x0  }
0x1ea: {  	vm0 =	vmmov @!p1 $0x1;
	p2 =	por !p2, p1  }
0x1eb: {  	v1 =	vnsel @!p1 vm0, $0xFFFFFFFF, v1;
	vm0 =	vcmask @!p1 $0x308;
	v0 =	vpsel !p2, $0xFFFFFFFF, v0  }
0x1ec: {  	p2 =	sne.s32 @!p1 s8, s7;
	v0 =	vsel @!p1 vm0, v1, v0  }
0x1ed: {  	s2 =	simm.s32 @!p1 $0xA138;
	s3 =	simm.s32 @!p1 $0x0;
	p3 =	por !p2, p1;
	[tilespmem:$0xA938] =	vst @!p1 v0  }
0x1ee: {  	[spmem:s3] =	stream.linear.scatter @!p1 [tilespmem:s2], [sflag:$0x1], $0x40, $0x38;
	[tilespmem:$0x1EF88] =	vst v63  }
0x1ef: {  	s2 =	sshll.u32 @!p3 s0, $0x8  }
0x1f0: {  	s2 =	sshra.s32 @!p3 s2, $0x2  }
0x1f1: {  	s3 =	simm.s32 @!p3 $0x40;
	s2 =	sadd.s32 @!p3 $0xA138, s2  }
0x1f2: {  	[spmem:s3] =	stream.linear.scatter @!p3 [tilespmem:s2], [sflag:$0x1], $0x40, $0x38;
	[tilespmem:$0x1EF88] =	vst v63  }
0x1f3: {  	s2 =	simm.s32 @!p3 $0x1  }
0x1f4: {  	_ =	swait.ge @!p3 [sflag:s2], $0x80  }
0x1f5: {  	p1 =	por p2, p1;
	[sflag:s2] =	ssyncset.done @!p3 $0x0  }
0x1f6: {  	[sflag:s2] =	ssyncadd.s32 @!p3 $0xFFFFFF80;
	s2 =	simm.s32 @!p1 $0x1  }
0x1f7: {  	_ =	swait.ge @!p1 [sflag:s2], $0x40  }
0x1f8: {  	s29 =	simm.s32 $0xA938;
	[sflag:s2] =	ssyncset.done @!p1 $0x0  }
0x1f9: {  	s30 =	simm.s32 $0x800;
	s31 =	simm.s32 $0x1;
	[sflag:s2] =	ssyncadd.s32 @!p1 $0xFFFFFFC0  }
0x1fa: {  	[spmem:s30] =	stream.linear.scatter [tilespmem:s29], [sflag:$0x1], $0x10, $0x38;
	[tilespmem:$0x1EF88] =	vst v63  }
0x1fb: {  	_ =	swait.ge [sflag:s31], $0x10  }
0x1fc: {  	[sflag:s31] =	ssyncset.done $0x0  }
0x1fd: {  	p1 =	seq.s32 s13, $0x0;
	s9 =	rddreg [dreg:$0x1];
	[sflag:s31] =	ssyncadd.s32 $0xFFFFFFF0  }
0x1fe: {  	s3 =	sshll.u32 @p1 s9, $0xE;
	s8 =	rddreg [dreg:$0x2]  }
0x1ff: {  	s2 =	sadd.s32 @p1 $0x15C3C, s3;
	s3 =	sshll.u32 @p1 s8, $0x11  }
0x200: {  	_ =	sfence.stream.spmem;
	s2 =	sor.u32 @p1 s3, s2  }
0x201: {  	[sflag:s2] =	ssyncadd.remote.s32 @p1 $0x1;
	s2 =	simm.s32 @p1 $0x4  }
0x202: {  	s4 =	simm.s32 @!p1 $0x3C;
	s3 =	sand.u32 $0xFFFFFFFE, s9;
	_ =	swait.ge @p1 [sflag:s2], $0x12  }
0x203: {  	s5 =	simm.s32 @!p1 $0x0;
	s3 =	sadd.s32 @!p1 $0x4, s3;
	[sflag:s2] =	ssyncset.done @p1 $0x0  }
0x204: {  	s7 =	simm.s32 @!p1 $0x80;
	[sflag:s2] =	ssyncadd.s32 @p1 $0xFFFFFFEE;
	s2 =	sshll.u32 @!p1 s3, $0x1A  }
0x205: {  	s3 =	sshll.u32 @!p1 s3, $0xD;
	s2 =	sor.u32 @!p1 s2, s8;
	_ =	swait.eq @!p1 [sflag:s4], $0x1  }
0x206: {  	s3 =	sor.u32 @!p1 $0x1C04, s3;
	s4 =	simm.s32 @!p1 $0x1C03;
	s2 =	sor.u32 @!p1 $0x80004000, s2  }
0x207: {  	[spmem:s7], [sflag:s3] =	dma.general @!p1 [spmem:s5], [sflag:s4], length:$0x10, [dreg:$0x0], stride_count:$0x0, ici_dest:s2, dma_misc:DstOpCode:WRITE  }
0x208: {  	p2 =	slt.s32 s0, $0x2;
	s5 =	simm.s32 @!p1 $0x100;
	s7 =	simm.s32 @!p1 $0x102  }
0x209: {  	[spmem:s7], [sflag:s3] =	dma.general @!p1 [spmem:s5], [sflag:s4], length:$0x2, [dreg:$0x0], stride_count:$0x0, ici_dest:s2, dma_misc:DstOpCode:WRITE  }
.Ltmp29:
0x20a: {  	s2 =	simm.s32 @!p1 $0x3;
	(pc) =	sbr.rel @p2 .LBB2_42-.Ltmp29, $4  }
0x20b: {  	s3 =	sshll.u32 @!p1 s9, $0xE;
	_ =	swait.ge @!p1 [sflag:s2], $0x12  }
0x20c: {  	s4 =	sshll.u32 @!p1 s8, $0x11;
	s3 =	sadd.s32 @!p1 $0x11C3C, s3;
	[sflag:s2] =	ssyncset.done @!p1 $0x0  }
0x20d: {  	[sflag:s2] =	ssyncadd.s32 @!p1 $0xFFFFFFEE;
	s2 =	sor.u32 @!p1 s4, s3  }
0x20e: {  	s0 =	simm.s32 $0x0;
	[sflag:s2] =	ssyncadd.remote.s32 @!p1 $0xFFFFFFFF  }
0x20f: {  	s0 =	simm.s32 $0xA119  }
0x210: {  	v0 =	vld.msk [tilespmem:s0+$0x0], $0x1;
	_ =	sdelay $0x4  }
0x211: {  	(v2sf) =	vpush v0, $0x0;
	_ =	sdelay $0xc  }
0x212: {  	s2 =	sadd.s32 $0xFFFFFFFE, s6  }
0x213: {  	s2 =	sadd.s32 $0xFFFFFFFF, s2  }
0x214: {  	p2 =	sne.s32 s2, $0x0;
	s3 =	spop (v2sf)  }
.Ltmp30:
0x215: {  	p1 =	sgt.u32 s3, $0xC34F8;
	(pc) =	sbr.rel @!p2 .LBB2_41-.Ltmp30, $4  }
0x216: {  	s5 =	simm.s32 $0x0;
	s4 =	sand.u32 @!p1 $0xFFFF8, s3  }
0x217: {  	s0 =	simm.s32 $0xA178;
	s3 =	sand.u32 @!p1 $0x7, s3;
	s4 =	sadd.s32 @!p1 s1, s4  }
0x218: {  	[hbm4b:s4+s3] =	stream.linear.scatter @!p1 [tilespmem:s0], [sflag:$0x5], $0x40, $0x38;
	[tilespmem:$0x1EF88] =	vst v63  }
0x219: {  	s5 =	simm.s32 @!p1 $0x100;
	s3 =	simm.s32 $0x0;
	s4 =	simm.s32 $0xA11A  }
.LBB2_40:
0x21a: {  	v0 =	vld.msk [tilespmem:s4+$0x0], $0x1;
	s2 =	sadd.s32 $0xFFFFFFFF, s2;
	s3 =	sadd.s32 s3, s5  }
0x21b: {  	p1 =	sne.s32 s2, $0x0;
	_ =	sdelay $0x3  }
0x21c: {  	(v2sf) =	vpush v0, $0x0;
	_ =	sdelay $0xe  }
.Ltmp31:
0x21d: {  	s6 =	spop (v2sf);
	(pc) =	sbr.rel @p1 .LBB2_40-.Ltmp31, $4  }
0x21e: {  	s5 =	simm.s32 $0x0;
	p2 =	sgt.u32 s6, $0xC34F8  }
0x21f: {  	s0 =	sadd.s32 $0x40, s0;
	s5 =	simm.s32 @!p2 $0x100;
	s7 =	sand.u32 @!p2 $0xFFFF8, s6  }
0x220: {  	s4 =	sadd.s32 $0x1, s4;
	s6 =	sand.u32 @!p2 $0x7, s6;
	s7 =	sadd.s32 @!p2 s1, s7  }
0x221: {  	[hbm4b:s7+s6] =	stream.linear.scatter @!p2 [tilespmem:s0], [sflag:$0x5], $0x40, $0x38;
	[tilespmem:$0x1EF88] =	vst v63  }
.LBB2_41:
0x222: {  	s0 =	sadd.s32 s3, s5  }
0x223: {  	s0 =	sshrl.u32 s0, $0x2  }
.LBB2_42:
0x224: {  	s2 =	simm.s32 $0x5  }
0x225: {  	_ =	swait.ge [sflag:s2], s0  }
0x226: {  	s31 =	ssub.s32 $0x0, s0;
	[sflag:s2] =	ssyncset.done $0x0  }
0x227: {  	[sflag:s2] =	ssyncadd.s32 s31  }
0x228: {  	[sflag:s2] =	ssyncpa.u1 $0x1  }
.LBB2_43:
0x229: {  	s0 =	sor.u32 s13, s14  }
0x22a: {  	p1 =	sne.s32 s0, $0x0  }
.Ltmp32:
0x22b: {  	_ = 	snop;
	(pc) =	sbr.rel @p1 .LBB2_58-.Ltmp32, $3  }
0x22c: {  	_ =	sdelay $0x1  }
0x22d: {  	[bflag:$0x0] =	sbarrier.arrive $0xFFFF  }
0x22e: {  	_ =	sfence  }
0x22f: {  	s2 =	simm.s32 $0x7  }
0x230: {  	s0 =	simm.s32 $0x800;
	s3 =	simm.s32 $0xA118;
	[sflag:s2] =	ssyncpa.u1 $0x0  }
0x231: {  	[tilespmem:s3], [sflag:$0x7] =	stream.linear.gather [spmem:s0], $0x20, $0x38;
	[tilespmem:$0x1EF88] =	vst v63  }
0x232: {  	s30 =	simm.s32 $0xA138;
	s0 =	simm.s32 $0x0  }
0x233: {  	[tilespmem:s30], [sflag:$0x7] =	stream.linear.gather [spmem:s0], $0x800, $0x38;
	[tilespmem:$0x1EF88] =	vst v63  }
.Ltmp33:
0x234: {  	_ = 	snop;
	(pc) =	sbr.rel .LBB2_45-.Ltmp33, $4  }
0x235: {  	_ =	swait.ge [sflag:s2], $0x820  }
0x236: {  	[sflag:s2] =	ssyncset.done $0x0  }
0x237: {  	s31 =	simm.s32 $0x8;
	[sflag:s2] =	ssyncadd.s32 $0xFFFFF7E0  }
0x238: {  	s2 =	simm.s32 $0x0;
	[sflag:s31] =	ssyncpa.u1 $0x0  }
.LBB2_51:
0x239: {  	p1 =	slt.u32 s3, $0xC34F9  }
0x23a: {  	s4 =	sand.u32 @p1 $0xFFFF8, s3  }
0x23b: {  	s3 =	sand.u32 @p1 $0x7, s3;
	s5 =	simm.s32 @p1 $0xA0C8;
	s4 =	sadd.s32 @p1 s1, s4  }
0x23c: {  	[tilespmem:s5], [sflag:$0x8] =	stream.linear.gather @p1 [hbm4b:s4+s3], $0x40, $0x38;
	[tilespmem:$0x1EF88] =	vst v63  }
0x23d: {  	s3 =	simm.s32 @p1 $0x8  }
0x23e: {  	_ =	swait.ge @p1 [sflag:s3], $0x40  }
0x23f: {  	[sflag:s3] =	ssyncset.done @p1 $0x0  }
0x240: {  	[sflag:s3] =	ssyncadd.s32 @p1 $0xFFFFFFC0  }
0x241: {  	v1 =	vld @p1 [tilespmem:$0xA0C8];
	_ =	sdelay $0x2  }
0x242: {  	s3 =	sshll.u32 @p1 s2, $0x8  }
0x243: {  	s4 =	sshrl.u32 @p1 s3, $0x2  }
0x244: {  	[tilespmem:s4+$0xA138] =	vst.add.f32.msk @p1 $0xffff, v1  }
0x245: {  	v1 =	vld @p1 [tilespmem:$0xA0D8];
	_ =	sdelay $0x4  }
0x246: {  	[tilespmem:s4+$0xA148] =	vst.add.f32.msk @p1 $0xffff, v1  }
0x247: {  	v1 =	vld @p1 [tilespmem:$0xA0E8];
	_ =	sdelay $0x4  }
0x248: {  	[tilespmem:s4+$0xA158] =	vst.add.f32.msk @p1 $0xffff, v1  }
0x249: {  	v1 =	vld @p1 [tilespmem:$0xA0F8];
	_ =	sdelay $0x3  }
0x24a: {  	s5 =	sshll.u32 @!p1 s2, $0x8  }
0x24b: {  	s5 =	smov.u32 @p1 s3;
	[tilespmem:s4+$0xA168] =	vst.add.f32.msk @p1 $0xffff, v1  }
0x24c: {  	s3 =	sshrl.u32 s5, $0x2;
	[tilespmem:s0+$0xA118] =	vst.msk $0x1, v0  }
0x24d: {  	v0 =	vld [tilespmem:s3+$0xA138];
	_ =	sdelay $0x2  }
0x24e: {  	s31 =	sshll.u32 s0, $0x8  }
0x24f: {  	s4 =	sshra.s32 s31, $0x2  }
0x250: {  	[tilespmem:s4+$0xA138] =	vst v0  }
0x251: {  	v0 =	vld [tilespmem:s3+$0xA148];
	_ =	sdelay $0x4  }
0x252: {  	[tilespmem:s4+$0xA148] =	vst v0  }
0x253: {  	v0 =	vld [tilespmem:s3+$0xA158];
	_ =	sdelay $0x4  }
0x254: {  	[tilespmem:s4+$0xA158] =	vst v0  }
0x255: {  	v0 =	vld [tilespmem:s3+$0xA168];
	_ =	sdelay $0x4  }
0x256: {  	s0 =	sadd.s32 $0x1, s0;
	[tilespmem:s4+$0xA168] =	vst v0  }
.LBB2_52:
0x257: {  	s2 =	sadd.s32 $0x1, s2  }
0x258: {  	p1 =	sne.s32 s2, $0x20  }
.Ltmp34:
0x259: {  	_ = 	snop;
	(pc) =	sbr.rel @!p1 .LBB2_53-.Ltmp34, $1  }
0x25a: {  	_ =	sdelay $0x3  }
.LBB2_45:
0x25b: {  	v0 =	vld.msk [tilespmem:s2+$0xA118], $0x1;
	_ =	sdelay $0x4  }
0x25c: {  	(v2sf) =	vpush v0, $0x0;
	_ =	sdelay $0xe  }
0x25d: {  	s3 =	spop (v2sf)  }
0x25e: {  	p1 =	seq.s32 s3, $0xFFFFFFFF  }
.Ltmp35:
0x25f: {  	_ = 	snop;
	(pc) =	sbr.rel @p1 .LBB2_52-.Ltmp35, $1  }
0x260: {  	_ =	sdelay $0x3  }
0x261: {  	p1 =	slt.s32 s0, $0x1  }
.Ltmp36:
0x262: {  	_ = 	snop;
	(pc) =	sbr.rel @p1 .LBB2_51-.Ltmp36, $1  }
0x263: {  	_ =	sdelay $0x3  }
0x264: {  	s4 =	simm.s32 $0xA118;
	p1 =	por $0x0, $0x0  }
0x265: {  	v1 =	vld.msk @!p1 [tilespmem:s4+$0x0], $0x1;
	_ =	sdelay $0x4  }
0x266: {  	(v2sf) =	vpush @!p1 v1, $0x0;
	_ =	sdelay $0xd  }
0x267: {  	p3 =	sne.s32 s0, $0x1  }
.Ltmp37:
0x268: {  	s5 =	spop @!p1 (v2sf);
	(pc) =	sbr.rel @!p3 .LBB2_49-.Ltmp37, $4  }
0x269: {  	p2 =	seq.s32 @!p1 s3, s5  }
0x26a: {  	s5 =	simm.s32 $0x0;
	p2 =	por !p2, p1  }
0x26b: {  	s7 =	simm.s32 $0xFFFFFFFF;
	s5 =	simm.s32 @p2 $0xFFFFFFFF  }
0x26c: {  	s6 =	simm.s32 $0x1;
	s5 =	smov.u32 @p1 s7  }
.LBB2_48:
0x26d: {  	s7 =	smov.u32 s5;
	p1 =	sne.s32 s5, $0xFFFFFFFF  }
0x26e: {  	s4 =	sadd.s32 $0x1, s4;
	s5 =	smov.u32 s6;
	s6 =	sadd.s32 $0x1, s6  }
0x26f: {  	p2 =	sne.s32 s0, s6;
	v1 =	vld.msk @!p1 [tilespmem:s4+$0x0], $0x1;
	_ =	sdelay $0x4  }
0x270: {  	(v2sf) =	vpush @!p1 v1, $0x0;
	_ =	sdelay $0xe  }
.Ltmp38:
0x271: {  	s8 =	spop @!p1 (v2sf);
	(pc) =	sbr.rel @p2 .LBB2_48-.Ltmp38, $4  }
0x272: {  	p3 =	seq.s32 @!p1 s3, s8  }
0x273: {  	p3 =	por !p3, p1  }
0x274: {  	s5 =	simm.s32 @p3 $0xFFFFFFFF  }
0x275: {  	s5 =	smov.u32 @p1 s7  }
.LBB2_49:
0x276: {  	p1 =	seq.s32 s5, $0xFFFFFFFF  }
.Ltmp39:
0x277: {  	_ = 	snop;
	(pc) =	sbr.rel @p1 .LBB2_51-.Ltmp39, $1  }
0x278: {  	_ =	sdelay $0x3  }
0x279: {  	s3 =	sshll.u32 s2, $0x6  }
0x27a: {  	s3 =	sand.u32 $0x3FFFFFC0, s3  }
0x27b: {  	v0 =	vld [tilespmem:s3+$0xA138];
	_ =	sdelay $0x2  }
0x27c: {  	s4 =	sshll.u32 s5, $0x8  }
0x27d: {  	s4 =	sshra.s32 s4, $0x2  }
0x27e: {  	[tilespmem:s4+$0xA138] =	vst.add.f32.msk $0xffff, v0  }
0x27f: {  	v0 =	vld [tilespmem:s3+$0xA148];
	_ =	sdelay $0x4  }
0x280: {  	[tilespmem:s4+$0xA148] =	vst.add.f32.msk $0xffff, v0  }
0x281: {  	v0 =	vld [tilespmem:s3+$0xA158];
	_ =	sdelay $0x4  }
0x282: {  	[tilespmem:s4+$0xA158] =	vst.add.f32.msk $0xffff, v0  }
0x283: {  	v0 =	vld [tilespmem:s3+$0xA168]  }
.Ltmp40:
0x284: {  	_ = 	snop;
	(pc) =	sbr.rel .LBB2_52-.Ltmp40, $2  }
0x285: {  	_ =	sdelay $0x2  }
0x286: {  	[tilespmem:s4+$0xA168] =	vst.add.f32.msk $0xffff, v0  }
.LBB2_53:
0x287: {  	p1 =	slt.s32 s0, $0x1  }
.Ltmp41:
0x288: {  	_ = 	snop;
	(pc) =	sbr.rel @p1 .LBB2_57-.Ltmp41, $3  }
0x289: {  	_ =	sdelay $0x1  }
0x28a: {  	s2 =	simm.s32 $0x8  }
0x28b: {  	[sflag:s2] =	ssyncpa.u1 $0x1;
	s2 =	simm.s32 $0x0  }
0x28c: {  	s3 =	simm.s32 $0xA118  }
0x28d: {  	v0 =	vld.msk [tilespmem:s3+$0x0], $0x1;
	_ =	sdelay $0x4  }
0x28e: {  	(v2sf) =	vpush v0, $0x0;
	_ =	sdelay $0xe  }
0x28f: {  	s0 =	sadd.s32 $0xFFFFFFFF, s0;
	s4 =	spop (v2sf)  }
0x290: {  	p2 =	sne.s32 s0, $0x0;
	p1 =	sgt.u32 s4, $0xC34F8  }
.Ltmp42:
0x291: {  	s5 =	sand.u32 @!p1 $0xFFFF8, s4;
	(pc) =	sbr.rel @!p2 .LBB2_56-.Ltmp42, $4  }
0x292: {  	s3 =	simm.s32 $0xA138;
	s4 =	sand.u32 @!p1 $0x7, s4;
	s5 =	sadd.s32 @!p1 s1, s5  }
0x293: {  	[hbm4b:s5+s4] =	stream.linear.scatter @!p1 [tilespmem:s3], [sflag:$0x7], $0x40, $0x38;
	[tilespmem:$0x1EF88] =	vst v63  }
0x294: {  	s5 =	simm.s32 $0x0  }
0x295: {  	s4 =	simm.s32 $0xA119;
	s5 =	simm.s32 @!p1 $0x100  }
.LBB2_55:
0x296: {  	v0 =	vld.msk [tilespmem:s4+$0x0], $0x1;
	s0 =	sadd.s32 $0xFFFFFFFF, s0;
	s2 =	sadd.s32 s2, s5  }
0x297: {  	p1 =	sne.s32 s0, $0x0;
	_ =	sdelay $0x3  }
0x298: {  	(v2sf) =	vpush v0, $0x0;
	_ =	sdelay $0xe  }
.Ltmp43:
0x299: {  	s6 =	spop (v2sf);
	(pc) =	sbr.rel @p1 .LBB2_55-.Ltmp43, $4  }
0x29a: {  	s5 =	simm.s32 $0x0;
	p2 =	sgt.u32 s6, $0xC34F8  }
0x29b: {  	s3 =	sadd.s32 $0x40, s3;
	s5 =	simm.s32 @!p2 $0x100;
	s7 =	sand.u32 @!p2 $0xFFFF8, s6  }
0x29c: {  	s4 =	sadd.s32 $0x1, s4;
	s6 =	sand.u32 @!p2 $0x7, s6;
	s7 =	sadd.s32 @!p2 s1, s7  }
0x29d: {  	[hbm4b:s7+s6] =	stream.linear.scatter @!p2 [tilespmem:s3], [sflag:$0x7], $0x40, $0x38;
	[tilespmem:$0x1EF88] =	vst v63  }
.LBB2_56:
0x29e: {  	s0 =	sadd.s32 s2, s5  }
0x29f: {  	s2 =	sshrl.u32 s0, $0x2  }
.LBB2_57:
0x2a0: {  	s0 =	simm.s32 $0x7  }
0x2a1: {  	_ =	swait.ge [sflag:s0], s2  }
0x2a2: {  	s1 =	ssub.s32 $0x0, s2;
	[sflag:s0] =	ssyncset.done $0x0  }
0x2a3: {  	[sflag:s0] =	ssyncadd.s32 s1  }
0x2a4: {  	[sflag:s0] =	ssyncpa.u1 $0x1  }
.LBB2_58:
0x2a5: {  	_ =	sfence;
	s0 =	simm.s32 $0x1  }
0x2a6: {  	[sflag:s0] =	ssyncpa.u1 $0x1  }
0x2a7: {  	_ =	strace $0x9000004A  }
0x2a8: {  	[bflag:$0x2] =	sbarrier.arrive $0xFFFF  }
0x2a9: {  	s0 =	rddreg [dreg:$0x3]  }
0x2aa: {  	s0 =	sadd.s32 @!p0 $0x100000, s0  }
0x2ab: {  	[sflag:s0] =	ssyncadd.tile.s32 @!p0 $0x1;
	_ =	shalt  }
.Lfunc_end2:
_tile_overlayer_lowered:
.L_overlay_start_2:
0x2ac: {  	(tag) =	ssettag $0x2  }
0x2ad: {  	s0 =	rddreg [dreg:$0x0];
	s2 =	stileid.u32  }
0x2ae: {  	s1 =	rddreg [dreg:$0x1];
	p0 =	sne.s32 s2, $0x0  }
0x2af: {  	s3 =	rddreg [dreg:$0x2];
	[bflag:$0x3] =	sbarrier.arrive $0xFFFF;
	s2 =	simm.s32 @!p0 $0x1C01  }
0x2b0: {  	[timem:s3], [sflag:s2] =	dma.local @!p0 [hbm:s0], s1  }
0x2b1: {  	s0 =	simm.s32 @!p0 $0x1  }
0x2b2: {  	_ =	swait.ge @!p0 [sflag:s0], s1  }
0x2b3: {  	s1 =	ssub.s32 @!p0 $0x0, s1;
	[sflag:s0] =	ssyncset.done @!p0 $0x0  }
0x2b4: {  	[sflag:s0] =	ssyncadd.s32 @!p0 s1  }
0x2b5: {  	[bflag:$0x3] =	sbarrier.arrive $0xFFFF  }
0x2b6: {  	_ =	shalt  }

</sc_bundles>
